<compile_context>
chip_gen: v7x
topology: tpu7x:2x2x1
jax: 0.10.2.dev20260603
libtpu: 0.0.44.dev20260713+nightly
codegen_flags: <defaults>
</compile_context>

<pallas_src>
import functools

import jax
import jax.numpy as jnp
from jax import lax
from jax.experimental import pallas as pl
from jax.experimental.pallas import tpu as pltpu
from jax.experimental.pallas import tpu_sc as plsc

V, D, H, C = 1000000, 32, 100, 100
B, L = 4096, 200

NC, NS = 2, 16
NW = NC * NS
RPW = B // NW


def _make_cbow_sum():
    mesh = plsc.VectorSubcoreMesh(core_axis_name="c", subcore_axis_name="s")

    @functools.partial(
        pl.kernel,
        mesh=mesh,
        out_type=jax.ShapeDtypeStruct((B * D,), jnp.float32),
        scratch_types=[
            pltpu.VMEM((L,), jnp.int32),
            pltpu.VMEM((L,), jnp.int32),
            pltpu.VMEM((L, D), jnp.float32),
            pltpu.VMEM((L, D), jnp.float32),
            pltpu.VMEM((RPW * D,), jnp.float32),
            pltpu.SemaphoreType.DMA,
            pltpu.SemaphoreType.DMA,
            pltpu.SemaphoreType.DMA,
            pltpu.SemaphoreType.DMA,
        ],
    )
    def cbow_sum(embed_hbm, x_hbm, out_hbm,
                 idx0, idx1, buf0, buf1, out_v, gsem0, gsem1, isem0, isem1):
        wid = lax.axis_index("s") * NC + lax.axis_index("c")
        base = wid * RPW
        idx = (idx0, idx1)
        buf = (buf0, buf1)
        gsem = (gsem0, gsem1)
        isem = (isem0, isem1)

        def fetch_idx(r, p):
            pltpu.make_async_copy(x_hbm.at[pl.ds((base + r) * L, L)],
                                  idx[p], isem[p]).start()

        def enqueue_row(p):
            def enq16(g, _):
                v = idx[p][pl.ds(g * 16, 16)]
                for q in range(16):
                    pltpu.make_async_copy(
                        embed_hbm.at[v[q]], buf[p].at[g * 16 + q],
                        gsem[p]).start()
                return 0

            lax.fori_loop(0, L // 16, enq16, 0)
            vt = idx[p][pl.ds(L - 16, 16)]
            for q in range(16 - (L - (L // 16) * 16), 16):
                pltpu.make_async_copy(
                    embed_hbm.at[vt[q]], buf[p].at[L - 16 + q],
                    gsem[p]).start()

        def drain_row(p):
            pltpu.make_async_copy(embed_hbm.at[pl.ds(0, L)],
                                  buf[p], gsem[p]).wait()

        def sum_rows(b, r):
            def acc(j, carry):
                a = list(carry)
                for q in range(4):
                    a[q] = a[q] + b[4 * j + q, 0:16]
                    a[4 + q] = a[4 + q] + b[4 * j + q, 16:32]
                return tuple(a)

            z = tuple(jnp.zeros((16,), jnp.float32) for _ in range(8))
            a = lax.fori_loop(0, L // 4, acc, z, unroll=5)
            out_v[pl.ds(r * D, 16)] = (a[0] + a[1]) + (a[2] + a[3])
            out_v[pl.ds(r * D + 16, 16)] = (a[4] + a[5]) + (a[6] + a[7])

        fetch_idx(0, 0)
        fetch_idx(1, 1)

        def step(r, _):
            def body(p):
                pltpu.make_async_copy(x_hbm.at[pl.ds((base + r) * L, L)],
                                      idx[p], isem[p]).wait()
                enqueue_row(p)

                @pl.when(r + 2 < RPW)
                def _():
                    fetch_idx(r + 2, p)

                @pl.when(r > 0)
                def _():
                    drain_row(1 - p)
                    sum_rows(buf[1 - p], r - 1)

            lax.cond(lax.rem(r, 2) == 0, lambda: body(0), lambda: body(1))
            return 0

        lax.fori_loop(0, RPW, step, 0)
        lp = (RPW - 1) % 2
        drain_row(lp)
        sum_rows(buf[lp], RPW - 1)
        pltpu.sync_copy(out_v, out_hbm.at[pl.ds(base * D, RPW * D)])

    return cbow_sum


_cbow_sum = _make_cbow_sum()


def _mlp_body(s_ref, w1_ref, b1_ref, w2_ref, b2_ref, out_ref):
    h = jnp.dot(s_ref[...], w1_ref[...], preferred_element_type=jnp.float32)
    h = jnp.maximum(h + b1_ref[...], 0.0)
    out_ref[...] = (
        jnp.dot(h, w2_ref[...], preferred_element_type=jnp.float32) + b2_ref[...]
    )


def kernel(x, embed, W1, b1, W2, b2):
    s = _cbow_sum(embed, x.reshape(B * L)).reshape(B, D)
    out = pl.pallas_call(
        _mlp_body,
        out_shape=jax.ShapeDtypeStruct((B, C), jnp.float32),
    )(s, W1, b1.reshape(1, H), W2, b2.reshape(1, C))
    return out

# --- scband reference (transcript-rebuilt; emitter-appended) ---
"""Pipeline reference for scband-cbow-sum-86483461472715 (READ-ONLY COPY).

The authoritative reference and input builder live on the scoring server;
editing this copy changes nothing except your own understanding.
"""

import jax, jax.numpy as jnp
import numpy as np

V, D, H, C = 1000000, 32, 100, 100
B, L = 4096, 200

def setup_inputs(seed: int = 0) -> dict:
    key = jax.random.key(seed)
    ks = jax.random.split(key, 6)
    x = jax.random.randint(ks[0], (B, L), 0, V, dtype=jnp.int32)
    embed = jax.random.normal(ks[1], (V, D), dtype=jnp.float32) * 0.02
    W1 = jax.random.normal(ks[2], (D, H), dtype=jnp.float32) * 0.1
    b1 = jnp.zeros((H,), dtype=jnp.float32)
    W2 = jax.random.normal(ks[3], (H, C), dtype=jnp.float32) * 0.1
    b2 = jnp.zeros((C,), dtype=jnp.float32)
    return {"x": x, "embed": embed, "W1": W1, "b1": b1, "W2": W2, "b2": b2}

def reference(x, embed, W1, b1, W2, b2):
    # embedding lookup (gather)
    e = jnp.take(embed, x, axis=0)          # [B, L, D]
    # sum_rows: sum over sequence dim
    s = jnp.sum(e, axis=1)                   # [B, D]
    h = jax.nn.relu(s @ W1 + b1)             # [B, 100]
    # dropout is identity in eval/inference
    out = h @ W2 + b2                         # [B, C]
    return out

if __name__ == "__main__":
    import jax
    _d = setup_inputs()
    print(jax.jit(kernel)(*tuple(_d.values())))

</pallas_src>

<mosaic_0001>
#map = affine_map<(d0, d1) -> (0, 0)>
#map1 = affine_map<(d0, d1) -> (0)>
module attributes {stable_mosaic.version = 14 : i64} {
  func.func @cbow_sum(%arg0: i32, %arg1: i32, %arg2: memref<1000000x32xf32, #tpu.memory_space<hbm>>, %arg3: memref<819200xi32, #tpu.memory_space<hbm>>, %arg4: memref<131072xf32, #tpu.memory_space<hbm>>, %arg5: memref<200xi32, #tpu.memory_space<vmem>>, %arg6: memref<200xi32, #tpu.memory_space<vmem>>, %arg7: memref<200x32xf32, #tpu.memory_space<vmem>>, %arg8: memref<200x32xf32, #tpu.memory_space<vmem>>, %arg9: memref<4096xf32, #tpu.memory_space<vmem>>, %arg10: memref<!tpu.dma_semaphore, #tpu.memory_space<semaphore_mem>>, %arg11: memref<!tpu.dma_semaphore, #tpu.memory_space<semaphore_mem>>, %arg12: memref<!tpu.dma_semaphore, #tpu.memory_space<semaphore_mem>>, %arg13: memref<!tpu.dma_semaphore, #tpu.memory_space<semaphore_mem>>) attributes {dimension_semantics = [#tpu.dimension_semantics<core_parallel>, #tpu.dimension_semantics<subcore_parallel>], iteration_bounds = array<i64: 2, 16>, scalar_prefetch = 0 : i64, scratch_operands = 9 : i64, tpu.core_type = #tpu.core_type<sc_vector_subcore>, window_params = [{transform_indices = #map}, {transform_indices = #map1}, {transform_indices = #map1}]} {
    %mul3A = arith.constant 2 : i32
    %mul3A_0 = arith.muli %arg1, %mul3A : i32
    %add3A = arith.addi %mul3A_0, %arg0 : i32
    %mul3A_1 = arith.constant 128 : i32
    %mul3A_2 = arith.muli %add3A, %mul3A_1 : i32
    %add3A_3 = arith.constant 0 : i32
    %add3A_4 = arith.addi %mul3A_2, %add3A_3 : i32
    %mul3A_5 = arith.constant 200 : i32
    %mul3A_6 = arith.muli %add3A_4, %mul3A_5 : i32
    %dma_start3A = tpu.memref_slice %arg3[%mul3A_6] : memref<819200xi32, #tpu.memory_space<hbm>> -> memref<200xi32, #tpu.memory_space<hbm>>
    %dma_start3A_7 = tpu.memref_slice %arg3[%mul3A_6] : memref<819200xi32, #tpu.memory_space<hbm>> -> memref<200xi32, #tpu.memory_space<hbm>>
    tpu.enqueue_dma source(%dma_start3A_7 : memref<200xi32, #tpu.memory_space<hbm>>) target(%arg5 : memref<200xi32, #tpu.memory_space<vmem>>) target_semaphore(%arg12 : memref<!tpu.dma_semaphore, #tpu.memory_space<semaphore_mem>>)
    %add3A_8 = arith.constant 1 : i32
    %add3A_9 = arith.addi %mul3A_2, %add3A_8 : i32
    %mul3A_10 = arith.constant 200 : i32
    %mul3A_11 = arith.muli %add3A_9, %mul3A_10 : i32
    %dma_start3A_12 = tpu.memref_slice %arg3[%mul3A_11] : memref<819200xi32, #tpu.memory_space<hbm>> -> memref<200xi32, #tpu.memory_space<hbm>>
    %dma_start3A_13 = tpu.memref_slice %arg3[%mul3A_11] : memref<819200xi32, #tpu.memory_space<hbm>> -> memref<200xi32, #tpu.memory_space<hbm>>
    tpu.enqueue_dma source(%dma_start3A_13 : memref<200xi32, #tpu.memory_space<hbm>>) target(%arg6 : memref<200xi32, #tpu.memory_space<vmem>>) target_semaphore(%arg13 : memref<!tpu.dma_semaphore, #tpu.memory_space<semaphore_mem>>)
    %scan3A = arith.constant 0 : i32
    %scan3A_14 = arith.constant 0 : i32
    %scan3A_15 = arith.constant 128 : i32
    %scan3A_16 = arith.addi %scan3A_14, %scan3A_15 : i32
    %scan3A_17 = arith.constant 1 : i32
    %scan3A_18 = scf.for %scan3A_61 = %scan3A_14 to %scan3A_16 step %scan3A_17 iter_args(%scan3A_62 = %scan3A) -> (i32)  : i32 {
      %rem3A = arith.constant 2 : i32
      %rem3A_63 = arith.remsi %scan3A_61, %rem3A : i32
      %eq3A = arith.constant 0 : i32
      %eq3A_64 = arith.cmpi eq, %rem3A_63, %eq3A : i32
      %convert_element_type3A = arith.extui %eq3A_64 : i1 to i32
      %cond3A = arith.constant 0 : i32
      %cond3A_65 = arith.cmpi ne, %convert_element_type3A, %cond3A : i32
      scf.if %cond3A_65 {
        %add3A_67 = arith.addi %mul3A_2, %scan3A_61 : i32
        %mul3A_68 = arith.constant 200 : i32
        %mul3A_69 = arith.muli %add3A_67, %mul3A_68 : i32
        %dma_wait3A_70 = tpu.memref_slice %arg3[%mul3A_69] : memref<819200xi32, #tpu.memory_space<hbm>> -> memref<200xi32, #tpu.memory_space<hbm>>
        %dma_wait3A_71 = tpu.memref_slice %arg3[%mul3A_69] : memref<819200xi32, #tpu.memory_space<hbm>> -> memref<200xi32, #tpu.memory_space<hbm>>
        tpu.wait_dma2 semaphore(%arg12 : memref<!tpu.dma_semaphore, #tpu.memory_space<semaphore_mem>>) src(%dma_wait3A_71 : memref<200xi32, #tpu.memory_space<hbm>>) dst(%arg5 : memref<200xi32, #tpu.memory_space<vmem>>)
        %scan3A_72 = arith.constant 0 : i32
        %scan3A_73 = arith.constant 0 : i32
        %scan3A_74 = arith.constant 12 : i32
        %scan3A_75 = arith.addi %scan3A_73, %scan3A_74 : i32
        %scan3A_76 = arith.constant 1 : i32
        %scan3A_77 = scf.for %scan3A_209 = %scan3A_73 to %scan3A_75 step %scan3A_76 iter_args(%scan3A_210 = %scan3A_72) -> (i32)  : i32 {
          %mul3A_211 = arith.constant 16 : i32
          %mul3A_212 = arith.muli %scan3A_209, %mul3A_211 : i32
          %get3A_213 = arith.index_cast %mul3A_212 : i32 to index
          %get3A_214 = tpu.vector_load %arg5[%get3A_213] {strides = array<i32>} : memref<200xi32, #tpu.memory_space<vmem>>, vector<16xi32>,
          %get3A_215 = vector.shape_cast %get3A_214 : vector<16xi32> to vector<16xi32>
          %slice3A_216 = vector.extract_strided_slice %get3A_215 {offsets = [0], sizes = [1], strides = [1]} : vector<16xi32> to vector<1xi32>
          %squeeze3A_217 = vector.extract %slice3A_216[0] : i32 from vector<1xi32>
          %mul3A_218 = arith.constant 16 : i32
          %mul3A_219 = arith.muli %scan3A_209, %mul3A_218 : i32
          %add3A_220 = arith.constant 0 : i32
          %add3A_221 = arith.addi %mul3A_219, %add3A_220 : i32
          %dma_start3A_222 = arith.constant 0 : i32
          %dma_start3A_223 = tpu.memref_slice %arg7[%add3A_221, %dma_start3A_222] : memref<200x32xf32, #tpu.memory_space<vmem>> -> memref<1x32xf32, #tpu.memory_space<vmem>>
          %dma_start3A_224 = tpu.memref_squeeze %dma_start3A_223 : memref<1x32xf32, #tpu.memory_space<vmem>> -> memref<32xf32, #tpu.memory_space<vmem>>
          %dma_start3A_225 = arith.constant 0 : i32
          %dma_start3A_226 = tpu.memref_slice %arg2[%squeeze3A_217, %dma_start3A_225] : memref<1000000x32xf32, #tpu.memory_space<hbm>> -> memref<1x32xf32, #tpu.memory_space<hbm>>
          %dma_start3A_227 = tpu.memref_squeeze %dma_start3A_226 : memref<1x32xf32, #tpu.memory_space<hbm>> -> memref<32xf32, #tpu.memory_space<hbm>>
          %dma_start3A_228 = arith.constant 0 : i32
          %dma_start3A_229 = tpu.memref_slice %arg7[%add3A_221, %dma_start3A_228] : memref<200x32xf32, #tpu.memory_space<vmem>> -> memref<1x32xf32, #tpu.memory_space<vmem>>
          %dma_start3A_230 = tpu.memref_squeeze %dma_start3A_229 : memref<1x32xf32, #tpu.memory_space<vmem>> -> memref<32xf32, #tpu.memory_space<vmem>>
          %dma_start3A_231 = arith.constant 0 : i32
          %dma_start3A_232 = tpu.memref_slice %arg2[%squeeze3A_217, %dma_start3A_231] : memref<1000000x32xf32, #tpu.memory_space<hbm>> -> memref<1x32xf32, #tpu.memory_space<hbm>>
          %dma_start3A_233 = tpu.memref_squeeze %dma_start3A_232 : memref<1x32xf32, #tpu.memory_space<hbm>> -> memref<32xf32, #tpu.memory_space<hbm>>
          tpu.enqueue_dma source(%dma_start3A_233 : memref<32xf32, #tpu.memory_space<hbm>>) target(%dma_start3A_230 : memref<32xf32, #tpu.memory_space<vmem>>) target_semaphore(%arg10 : memref<!tpu.dma_semaphore, #tpu.memory_space<semaphore_mem>>)
          %slice3A_234 = vector.extract_strided_slice %get3A_215 {offsets = [1], sizes = [1], strides = [1]} : vector<16xi32> to vector<1xi32>
          %squeeze3A_235 = vector.extract %slice3A_234[0] : i32 from vector<1xi32>
          %mul3A_236 = arith.constant 16 : i32
          %mul3A_237 = arith.muli %scan3A_209, %mul3A_236 : i32
          %add3A_238 = arith.constant 1 : i32
          %add3A_239 = arith.addi %mul3A_237, %add3A_238 : i32
          %dma_start3A_240 = arith.constant 0 : i32
          %dma_start3A_241 = tpu.memref_slice %arg7[%add3A_239, %dma_start3A_240] : memref<200x32xf32, #tpu.memory_space<vmem>> -> memref<1x32xf32, #tpu.memory_space<vmem>>
          %dma_start3A_242 = tpu.memref_squeeze %dma_start3A_241 : memref<1x32xf32, #tpu.memory_space<vmem>> -> memref<32xf32, #tpu.memory_space<vmem>>
          %dma_start3A_243 = arith.constant 0 : i32
          %dma_start3A_244 = tpu.memref_slice %arg2[%squeeze3A_235, %dma_start3A_243] : memref<1000000x32xf32, #tpu.memory_space<hbm>> -> memref<1x32xf32, #tpu.memory_space<hbm>>
          %dma_start3A_245 = tpu.memref_squeeze %dma_start3A_244 : memref<1x32xf32, #tpu.memory_space<hbm>> -> memref<32xf32, #tpu.memory_space<hbm>>
          %dma_start3A_246 = arith.constant 0 : i32
          %dma_start3A_247 = tpu.memref_slice %arg7[%add3A_239, %dma_start3A_246] : memref<200x32xf32, #tpu.memory_space<vmem>> -> memref<1x32xf32, #tpu.memory_space<vmem>>
          %dma_start3A_248 = tpu.memref_squeeze %dma_start3A_247 : memref<1x32xf32, #tpu.memory_space<vmem>> -> memref<32xf32, #tpu.memory_space<vmem>>
          %dma_start3A_249 = arith.constant 0 : i32
          %dma_start3A_250 = tpu.memref_slice %arg2[%squeeze3A_235, %dma_start3A_249] : memref<1000000x32xf32, #tpu.memory_space<hbm>> -> memref<1x32xf32, #tpu.memory_space<hbm>>
          %dma_start3A_251 = tpu.memref_squeeze %dma_start3A_250 : memref<1x32xf32, #tpu.memory_space<hbm>> -> memref<32xf32, #tpu.memory_space<hbm>>
          tpu.enqueue_dma source(%dma_start3A_251 : memref<32xf32, #tpu.memory_space<hbm>>) target(%dma_start3A_248 : memref<32xf32, #tpu.memory_space<vmem>>) target_semaphore(%arg10 : memref<!tpu.dma_semaphore, #tpu.memory_space<semaphore_mem>>)
          %slice3A_252 = vector.extract_strided_slice %get3A_215 {offsets = [2], sizes = [1], strides = [1]} : vector<16xi32> to vector<1xi32>
          %squeeze3A_253 = vector.extract %slice3A_252[0] : i32 from vector<1xi32>
          %mul3A_254 = arith.constant 16 : i32
          %mul3A_255 = arith.muli %scan3A_209, %mul3A_254 : i32
          %add3A_256 = arith.constant 2 : i32
          %add3A_257 = arith.addi %mul3A_255, %add3A_256 : i32
          %dma_start3A_258 = arith.constant 0 : i32
          %dma_start3A_259 = tpu.memref_slice %arg7[%add3A_257, %dma_start3A_258] : memref<200x32xf32, #tpu.memory_space<vmem>> -> memref<1x32xf32, #tpu.memory_space<vmem>>
          %dma_start3A_260 = tpu.memref_squeeze %dma_start3A_259 : memref<1x32xf32, #tpu.memory_space<vmem>> -> memref<32xf32, #tpu.memory_space<vmem>>
          %dma_start3A_261 = arith.constant 0 : i32
          %dma_start3A_262 = tpu.memref_slice %arg2[%squeeze3A_253, %dma_start3A_261] : memref<1000000x32xf32, #tpu.memory_space<hbm>> -> memref<1x32xf32, #tpu.memory_space<hbm>>
          %dma_start3A_263 = tpu.memref_squeeze %dma_start3A_262 : memref<1x32xf32, #tpu.memory_space<hbm>> -> memref<32xf32, #tpu.memory_space<hbm>>
          %dma_start3A_264 = arith.constant 0 : i32
          %dma_start3A_265 = tpu.memref_slice %arg7[%add3A_257, %dma_start3A_264] : memref<200x32xf32, #tpu.memory_space<vmem>> -> memref<1x32xf32, #tpu.memory_space<vmem>>
          %dma_start3A_266 = tpu.memref_squeeze %dma_start3A_265 : memref<1x32xf32, #tpu.memory_space<vmem>> -> memref<32xf32, #tpu.memory_space<vmem>>
          %dma_start3A_267 = arith.constant 0 : i32
          %dma_start3A_268 = tpu.memref_slice %arg2[%squeeze3A_253, %dma_start3A_267] : memref<1000000x32xf32, #tpu.memory_space<hbm>> -> memref<1x32xf32, #tpu.memory_space<hbm>>
          %dma_start3A_269 = tpu.memref_squeeze %dma_start3A_268 : memref<1x32xf32, #tpu.memory_space<hbm>> -> memref<32xf32, #tpu.memory_space<hbm>>
          tpu.enqueue_dma source(%dma_start3A_269 : memref<32xf32, #tpu.memory_space<hbm>>) target(%dma_start3A_266 : memref<32xf32, #tpu.memory_space<vmem>>) target_semaphore(%arg10 : memref<!tpu.dma_semaphore, #tpu.memory_space<semaphore_mem>>)
          %slice3A_270 = vector.extract_strided_slice %get3A_215 {offsets = [3], sizes = [1], strides = [1]} : vector<16xi32> to vector<1xi32>
          %squeeze3A_271 = vector.extract %slice3A_270[0] : i32 from vector<1xi32>
          %mul3A_272 = arith.constant 16 : i32
          %mul3A_273 = arith.muli %scan3A_209, %mul3A_272 : i32
          %add3A_274 = arith.constant 3 : i32
          %add3A_275 = arith.addi %mul3A_273, %add3A_274 : i32
          %dma_start3A_276 = arith.constant 0 : i32
          %dma_start3A_277 = tpu.memref_slice %arg7[%add3A_275, %dma_start3A_276] : memref<200x32xf32, #tpu.memory_space<vmem>> -> memref<1x32xf32, #tpu.memory_space<vmem>>
          %dma_start3A_278 = tpu.memref_squeeze %dma_start3A_277 : memref<1x32xf32, #tpu.memory_space<vmem>> -> memref<32xf32, #tpu.memory_space<vmem>>
          %dma_start3A_279 = arith.constant 0 : i32
          %dma_start3A_280 = tpu.memref_slice %arg2[%squeeze3A_271, %dma_start3A_279] : memref<1000000x32xf32, #tpu.memory_space<hbm>> -> memref<1x32xf32, #tpu.memory_space<hbm>>
          %dma_start3A_281 = tpu.memref_squeeze %dma_start3A_280 : memref<1x32xf32, #tpu.memory_space<hbm>> -> memref<32xf32, #tpu.memory_space<hbm>>
          %dma_start3A_282 = arith.constant 0 : i32
          %dma_start3A_283 = tpu.memref_slice %arg7[%add3A_275, %dma_start3A_282] : memref<200x32xf32, #tpu.memory_space<vmem>> -> memref<1x32xf32, #tpu.memory_space<vmem>>
          %dma_start3A_284 = tpu.memref_squeeze %dma_start3A_283 : memref<1x32xf32, #tpu.memory_space<vmem>> -> memref<32xf32, #tpu.memory_space<vmem>>
          %dma_start3A_285 = arith.constant 0 : i32
          %dma_start3A_286 = tpu.memref_slice %arg2[%squeeze3A_271, %dma_start3A_285] : memref<1000000x32xf32, #tpu.memory_space<hbm>> -> memref<1x32xf32, #tpu.memory_space<hbm>>
          %dma_start3A_287 = tpu.memref_squeeze %dma_start3A_286 : memref<1x32xf32, #tpu.memory_space<hbm>> -> memref<32xf32, #tpu.memory_space<hbm>>
          tpu.enqueue_dma source(%dma_start3A_287 : memref<32xf32, #tpu.memory_space<hbm>>) target(%dma_start3A_284 : memref<32xf32, #tpu.memory_space<vmem>>) target_semaphore(%arg10 : memref<!tpu.dma_semaphore, #tpu.memory_space<semaphore_mem>>)
          %slice3A_288 = vector.extract_strided_slice %get3A_215 {offsets = [4], sizes = [1], strides = [1]} : vector<16xi32> to vector<1xi32>
          %squeeze3A_289 = vector.extract %slice3A_288[0] : i32 from vector<1xi32>
          %mul3A_290 = arith.constant 16 : i32
          %mul3A_291 = arith.muli %scan3A_209, %mul3A_290 : i32
          %add3A_292 = arith.constant 4 : i32
          %add3A_293 = arith.addi %mul3A_291, %add3A_292 : i32
          %dma_start3A_294 = arith.constant 0 : i32
          %dma_start3A_295 = tpu.memref_slice %arg7[%add3A_293, %dma_start3A_294] : memref<200x32xf32, #tpu.memory_space<vmem>> -> memref<1x32xf32, #tpu.memory_space<vmem>>
          %dma_start3A_296 = tpu.memref_squeeze %dma_start3A_295 : memref<1x32xf32, #tpu.memory_space<vmem>> -> memref<32xf32, #tpu.memory_space<vmem>>
          %dma_start3A_297 = arith.constant 0 : i32
          %dma_start3A_298 = tpu.memref_slice %arg2[%squeeze3A_289, %dma_start3A_297] : memref<1000000x32xf32, #tpu.memory_space<hbm>> -> memref<1x32xf32, #tpu.memory_space<hbm>>
          %dma_start3A_299 = tpu.memref_squeeze %dma_start3A_298 : memref<1x32xf32, #tpu.memory_space<hbm>> -> memref<32xf32, #tpu.memory_space<hbm>>
          %dma_start3A_300 = arith.constant 0 : i32
          %dma_start3A_301 = tpu.memref_slice %arg7[%add3A_293, %dma_start3A_300] : memref<200x32xf32, #tpu.memory_space<vmem>> -> memref<1x32xf32, #tpu.memory_space<vmem>>
          %dma_start3A_302 = tpu.memref_squeeze %dma_start3A_301 : memref<1x32xf32, #tpu.memory_space<vmem>> -> memref<32xf32, #tpu.memory_space<vmem>>
          %dma_start3A_303 = arith.constant 0 : i32
          %dma_start3A_304 = tpu.memref_slice %arg2[%squeeze3A_289, %dma_start3A_303] : memref<1000000x32xf32, #tpu.memory_space<hbm>> -> memref<1x32xf32, #tpu.memory_space<hbm>>
          %dma_start3A_305 = tpu.memref_squeeze %dma_start3A_304 : memref<1x32xf32, #tpu.memory_space<hbm>> -> memref<32xf32, #tpu.memory_space<hbm>>
          tpu.enqueue_dma source(%dma_start3A_305 : memref<32xf32, #tpu.memory_space<hbm>>) target(%dma_start3A_302 : memref<32xf32, #tpu.memory_space<vmem>>) target_semaphore(%arg10 : memref<!tpu.dma_semaphore, #tpu.memory_space<semaphore_mem>>)
          %slice3A_306 = vector.extract_strided_slice %get3A_215 {offsets = [5], sizes = [1], strides = [1]} : vector<16xi32> to vector<1xi32>
          %squeeze3A_307 = vector.extract %slice3A_306[0] : i32 from vector<1xi32>
          %mul3A_308 = arith.constant 16 : i32
          %mul3A_309 = arith.muli %scan3A_209, %mul3A_308 : i32
          %add3A_310 = arith.constant 5 : i32
          %add3A_311 = arith.addi %mul3A_309, %add3A_310 : i32
          %dma_start3A_312 = arith.constant 0 : i32
          %dma_start3A_313 = tpu.memref_slice %arg7[%add3A_311, %dma_start3A_312] : memref<200x32xf32, #tpu.memory_space<vmem>> -> memref<1x32xf32, #tpu.memory_space<vmem>>
          %dma_start3A_314 = tpu.memref_squeeze %dma_start3A_313 : memref<1x32xf32, #tpu.memory_space<vmem>> -> memref<32xf32, #tpu.memory_space<vmem>>
          %dma_start3A_315 = arith.constant 0 : i32
          %dma_start3A_316 = tpu.memref_slice %arg2[%squeeze3A_307, %dma_start3A_315] : memref<1000000x32xf32, #tpu.memory_space<hbm>> -> memref<1x32xf32, #tpu.memory_space<hbm>>
          %dma_start3A_317 = tpu.memref_squeeze %dma_start3A_316 : memref<1x32xf32, #tpu.memory_space<hbm>> -> memref<32xf32, #tpu.memory_space<hbm>>
          %dma_start3A_318 = arith.constant 0 : i32
          %dma_start3A_319 = tpu.memref_slice %arg7[%add3A_311, %dma_start3A_318] : memref<200x32xf32, #tpu.memory_space<vmem>> -> memref<1x32xf32, #tpu.memory_space<vmem>>
          %dma_start3A_320 = tpu.memref_squeeze %dma_start3A_319 : memref<1x32xf32, #tpu.memory_space<vmem>> -> memref<32xf32, #tpu.memory_space<vmem>>
          %dma_start3A_321 = arith.constant 0 : i32
          %dma_start3A_322 = tpu.memref_slice %arg2[%squeeze3A_307, %dma_start3A_321] : memref<1000000x32xf32, #tpu.memory_space<hbm>> -> memref<1x32xf32, #tpu.memory_space<hbm>>
          %dma_start3A_323 = tpu.memref_squeeze %dma_start3A_322 : memref<1x32xf32, #tpu.memory_space<hbm>> -> memref<32xf32, #tpu.memory_space<hbm>>
          tpu.enqueue_dma source(%dma_start3A_323 : memref<32xf32, #tpu.memory_space<hbm>>) target(%dma_start3A_320 : memref<32xf32, #tpu.memory_space<vmem>>) target_semaphore(%arg10 : memref<!tpu.dma_semaphore, #tpu.memory_space<semaphore_mem>>)
          %slice3A_324 = vector.extract_strided_slice %get3A_215 {offsets = [6], sizes = [1], strides = [1]} : vector<16xi32> to vector<1xi32>
          %squeeze3A_325 = vector.extract %slice3A_324[0] : i32 from vector<1xi32>
          %mul3A_326 = arith.constant 16 : i32
          %mul3A_327 = arith.muli %scan3A_209, %mul3A_326 : i32
          %add3A_328 = arith.constant 6 : i32
          %add3A_329 = arith.addi %mul3A_327, %add3A_328 : i32
          %dma_start3A_330 = arith.constant 0 : i32
          %dma_start3A_331 = tpu.memref_slice %arg7[%add3A_329, %dma_start3A_330] : memref<200x32xf32, #tpu.memory_space<vmem>> -> memref<1x32xf32, #tpu.memory_space<vmem>>
          %dma_start3A_332 = tpu.memref_squeeze %dma_start3A_331 : memref<1x32xf32, #tpu.memory_space<vmem>> -> memref<32xf32, #tpu.memory_space<vmem>>
          %dma_start3A_333 = arith.constant 0 : i32
          %dma_start3A_334 = tpu.memref_slice %arg2[%squeeze3A_325, %dma_start3A_333] : memref<1000000x32xf32, #tpu.memory_space<hbm>> -> memref<1x32xf32, #tpu.memory_space<hbm>>
          %dma_start3A_335 = tpu.memref_squeeze %dma_start3A_334 : memref<1x32xf32, #tpu.memory_space<hbm>> -> memref<32xf32, #tpu.memory_space<hbm>>
          %dma_start3A_336 = arith.constant 0 : i32
          %dma_start3A_337 = tpu.memref_slice %arg7[%add3A_329, %dma_start3A_336] : memref<200x32xf32, #tpu.memory_space<vmem>> -> memref<1x32xf32, #tpu.memory_space<vmem>>
          %dma_start3A_338 = tpu.memref_squeeze %dma_start3A_337 : memref<1x32xf32, #tpu.memory_space<vmem>> -> memref<32xf32, #tpu.memory_space<vmem>>
          %dma_start3A_339 = arith.constant 0 : i32
          %dma_start3A_340 = tpu.memref_slice %arg2[%squeeze3A_325, %dma_start3A_339] : memref<1000000x32xf32, #tpu.memory_space<hbm>> -> memref<1x32xf32, #tpu.memory_space<hbm>>
          %dma_start3A_341 = tpu.memref_squeeze %dma_start3A_340 : memref<1x32xf32, #tpu.memory_space<hbm>> -> memref<32xf32, #tpu.memory_space<hbm>>
          tpu.enqueue_dma source(%dma_start3A_341 : memref<32xf32, #tpu.memory_space<hbm>>) target(%dma_start3A_338 : memref<32xf32, #tpu.memory_space<vmem>>) target_semaphore(%arg10 : memref<!tpu.dma_semaphore, #tpu.memory_space<semaphore_mem>>)
          %slice3A_342 = vector.extract_strided_slice %get3A_215 {offsets = [7], sizes = [1], strides = [1]} : vector<16xi32> to vector<1xi32>
          %squeeze3A_343 = vector.extract %slice3A_342[0] : i32 from vector<1xi32>
          %mul3A_344 = arith.constant 16 : i32
          %mul3A_345 = arith.muli %scan3A_209, %mul3A_344 : i32
          %add3A_346 = arith.constant 7 : i32
          %add3A_347 = arith.addi %mul3A_345, %add3A_346 : i32
          %dma_start3A_348 = arith.constant 0 : i32
          %dma_start3A_349 = tpu.memref_slice %arg7[%add3A_347, %dma_start3A_348] : memref<200x32xf32, #tpu.memory_space<vmem>> -> memref<1x32xf32, #tpu.memory_space<vmem>>
          %dma_start3A_350 = tpu.memref_squeeze %dma_start3A_349 : memref<1x32xf32, #tpu.memory_space<vmem>> -> memref<32xf32, #tpu.memory_space<vmem>>
          %dma_start3A_351 = arith.constant 0 : i32
          %dma_start3A_352 = tpu.memref_slice %arg2[%squeeze3A_343, %dma_start3A_351] : memref<1000000x32xf32, #tpu.memory_space<hbm>> -> memref<1x32xf32, #tpu.memory_space<hbm>>
          %dma_start3A_353 = tpu.memref_squeeze %dma_start3A_352 : memref<1x32xf32, #tpu.memory_space<hbm>> -> memref<32xf32, #tpu.memory_space<hbm>>
          %dma_start3A_354 = arith.constant 0 : i32
          %dma_start3A_355 = tpu.memref_slice %arg7[%add3A_347, %dma_start3A_354] : memref<200x32xf32, #tpu.memory_space<vmem>> -> memref<1x32xf32, #tpu.memory_space<vmem>>
          %dma_start3A_356 = tpu.memref_squeeze %dma_start3A_355 : memref<1x32xf32, #tpu.memory_space<vmem>> -> memref<32xf32, #tpu.memory_space<vmem>>
          %dma_start3A_357 = arith.constant 0 : i32
          %dma_start3A_358 = tpu.memref_slice %arg2[%squeeze3A_343, %dma_start3A_357] : memref<1000000x32xf32, #tpu.memory_space<hbm>> -> memref<1x32xf32, #tpu.memory_space<hbm>>
          %dma_start3A_359 = tpu.memref_squeeze %dma_start3A_358 : memref<1x32xf32, #tpu.memory_space<hbm>> -> memref<32xf32, #tpu.memory_space<hbm>>
          tpu.enqueue_dma source(%dma_start3A_359 : memref<32xf32, #tpu.memory_space<hbm>>) target(%dma_start3A_356 : memref<32xf32, #tpu.memory_space<vmem>>) target_semaphore(%arg10 : memref<!tpu.dma_semaphore, #tpu.memory_space<semaphore_mem>>)
          %slice3A_360 = vector.extract_strided_slice %get3A_215 {offsets = [8], sizes = [1], strides = [1]} : vector<16xi32> to vector<1xi32>
          %squeeze3A_361 = vector.extract %slice3A_360[0] : i32 from vector<1xi32>
          %mul3A_362 = arith.constant 16 : i32
          %mul3A_363 = arith.muli %scan3A_209, %mul3A_362 : i32
          %add3A_364 = arith.constant 8 : i32
          %add3A_365 = arith.addi %mul3A_363, %add3A_364 : i32
          %dma_start3A_366 = arith.constant 0 : i32
          %dma_start3A_367 = tpu.memref_slice %arg7[%add3A_365, %dma_start3A_366] : memref<200x32xf32, #tpu.memory_space<vmem>> -> memref<1x32xf32, #tpu.memory_space<vmem>>
          %dma_start3A_368 = tpu.memref_squeeze %dma_start3A_367 : memref<1x32xf32, #tpu.memory_space<vmem>> -> memref<32xf32, #tpu.memory_space<vmem>>
          %dma_start3A_369 = arith.constant 0 : i32
          %dma_start3A_370 = tpu.memref_slice %arg2[%squeeze3A_361, %dma_start3A_369] : memref<1000000x32xf32, #tpu.memory_space<hbm>> -> memref<1x32xf32, #tpu.memory_space<hbm>>
          %dma_start3A_371 = tpu.memref_squeeze %dma_start3A_370 : memref<1x32xf32, #tpu.memory_space<hbm>> -> memref<32xf32, #tpu.memory_space<hbm>>
          %dma_start3A_372 = arith.constant 0 : i32
          %dma_start3A_373 = tpu.memref_slice %arg7[%add3A_365, %dma_start3A_372] : memref<200x32xf32, #tpu.memory_space<vmem>> -> memref<1x32xf32, #tpu.memory_space<vmem>>
          %dma_start3A_374 = tpu.memref_squeeze %dma_start3A_373 : memref<1x32xf32, #tpu.memory_space<vmem>> -> memref<32xf32, #tpu.memory_space<vmem>>
          %dma_start3A_375 = arith.constant 0 : i32
          %dma_start3A_376 = tpu.memref_slice %arg2[%squeeze3A_361, %dma_start3A_375] : memref<1000000x32xf32, #tpu.memory_space<hbm>> -> memref<1x32xf32, #tpu.memory_space<hbm>>
          %dma_start3A_377 = tpu.memref_squeeze %dma_start3A_376 : memref<1x32xf32, #tpu.memory_space<hbm>> -> memref<32xf32, #tpu.memory_space<hbm>>
          tpu.enqueue_dma source(%dma_start3A_377 : memref<32xf32, #tpu.memory_space<hbm>>) target(%dma_start3A_374 : memref<32xf32, #tpu.memory_space<vmem>>) target_semaphore(%arg10 : memref<!tpu.dma_semaphore, #tpu.memory_space<semaphore_mem>>)
          %slice3A_378 = vector.extract_strided_slice %get3A_215 {offsets = [9], sizes = [1], strides = [1]} : vector<16xi32> to vector<1xi32>
          %squeeze3A_379 = vector.extract %slice3A_378[0] : i32 from vector<1xi32>
          %mul3A_380 = arith.constant 16 : i32
          %mul3A_381 = arith.muli %scan3A_209, %mul3A_380 : i32
          %add3A_382 = arith.constant 9 : i32
          %add3A_383 = arith.addi %mul3A_381, %add3A_382 : i32
          %dma_start3A_384 = arith.constant 0 : i32
          %dma_start3A_385 = tpu.memref_slice %arg7[%add3A_383, %dma_start3A_384] : memref<200x32xf32, #tpu.memory_space<vmem>> -> memref<1x32xf32, #tpu.memory_space<vmem>>
          %dma_start3A_386 = tpu.memref_squeeze %dma_start3A_385 : memref<1x32xf32, #tpu.memory_space<vmem>> -> memref<32xf32, #tpu.memory_space<vmem>>
          %dma_start3A_387 = arith.constant 0 : i32
          %dma_start3A_388 = tpu.memref_slice %arg2[%squeeze3A_379, %dma_start3A_387] : memref<1000000x32xf32, #tpu.memory_space<hbm>> -> memref<1x32xf32, #tpu.memory_space<hbm>>
          %dma_start3A_389 = tpu.memref_squeeze %dma_start3A_388 : memref<1x32xf32, #tpu.memory_space<hbm>> -> memref<32xf32, #tpu.memory_space<hbm>>
          %dma_start3A_390 = arith.constant 0 : i32
          %dma_start3A_391 = tpu.memref_slice %arg7[%add3A_383, %dma_start3A_390] : memref<200x32xf32, #tpu.memory_space<vmem>> -> memref<1x32xf32, #tpu.memory_space<vmem>>
          %dma_start3A_392 = tpu.memref_squeeze %dma_start3A_391 : memref<1x32xf32, #tpu.memory_space<vmem>> -> memref<32xf32, #tpu.memory_space<vmem>>
          %dma_start3A_393 = arith.constant 0 : i32
          %dma_start3A_394 = tpu.memref_slice %arg2[%squeeze3A_379, %dma_start3A_393] : memref<1000000x32xf32, #tpu.memory_space<hbm>> -> memref<1x32xf32, #tpu.memory_space<hbm>>
          %dma_start3A_395 = tpu.memref_squeeze %dma_start3A_394 : memref<1x32xf32, #tpu.memory_space<hbm>> -> memref<32xf32, #tpu.memory_space<hbm>>
          tpu.enqueue_dma source(%dma_start3A_395 : memref<32xf32, #tpu.memory_space<hbm>>) target(%dma_start3A_392 : memref<32xf32, #tpu.memory_space<vmem>>) target_semaphore(%arg10 : memref<!tpu.dma_semaphore, #tpu.memory_space<semaphore_mem>>)
          %slice3A_396 = vector.extract_strided_slice %get3A_215 {offsets = [10], sizes = [1], strides = [1]} : vector<16xi32> to vector<1xi32>
          %squeeze3A_397 = vector.extract %slice3A_396[0] : i32 from vector<1xi32>
          %mul3A_398 = arith.constant 16 : i32
          %mul3A_399 = arith.muli %scan3A_209, %mul3A_398 : i32
          %add3A_400 = arith.constant 10 : i32
          %add3A_401 = arith.addi %mul3A_399, %add3A_400 : i32
          %dma_start3A_402 = arith.constant 0 : i32
          %dma_start3A_403 = tpu.memref_slice %arg7[%add3A_401, %dma_start3A_402] : memref<200x32xf32, #tpu.memory_space<vmem>> -> memref<1x32xf32, #tpu.memory_space<vmem>>
          %dma_start3A_404 = tpu.memref_squeeze %dma_start3A_403 : memref<1x32xf32, #tpu.memory_space<vmem>> -> memref<32xf32, #tpu.memory_space<vmem>>
          %dma_start3A_405 = arith.constant 0 : i32
          %dma_start3A_406 = tpu.memref_slice %arg2[%squeeze3A_397, %dma_start3A_405] : memref<1000000x32xf32, #tpu.memory_space<hbm>> -> memref<1x32xf32, #tpu.memory_space<hbm>>
          %dma_start3A_407 = tpu.memref_squeeze %dma_start3A_406 : memref<1x32xf32, #tpu.memory_space<hbm>> -> memref<32xf32, #tpu.memory_space<hbm>>
          %dma_start3A_408 = arith.constant 0 : i32
          %dma_start3A_409 = tpu.memref_slice %arg7[%add3A_401, %dma_start3A_408] : memref<200x32xf32, #tpu.memory_space<vmem>> -> memref<1x32xf32, #tpu.memory_space<vmem>>
          %dma_start3A_410 = tpu.memref_squeeze %dma_start3A_409 : memref<1x32xf32, #tpu.memory_space<vmem>> -> memref<32xf32, #tpu.memory_space<vmem>>
          %dma_start3A_411 = arith.constant 0 : i32
          %dma_start3A_412 = tpu.memref_slice %arg2[%squeeze3A_397, %dma_start3A_411] : memref<1000000x32xf32, #tpu.memory_space<hbm>> -> memref<1x32xf32, #tpu.memory_space<hbm>>
          %dma_start3A_413 = tpu.memref_squeeze %dma_start3A_412 : memref<1x32xf32, #tpu.memory_space<hbm>> -> memref<32xf32, #tpu.memory_space<hbm>>
          tpu.enqueue_dma source(%dma_start3A_413 : memref<32xf32, #tpu.memory_space<hbm>>) target(%dma_start3A_410 : memref<32xf32, #tpu.memory_space<vmem>>) target_semaphore(%arg10 : memref<!tpu.dma_semaphore, #tpu.memory_space<semaphore_mem>>)
          %slice3A_414 = vector.extract_strided_slice %get3A_215 {offsets = [11], sizes = [1], strides = [1]} : vector<16xi32> to vector<1xi32>
          %squeeze3A_415 = vector.extract %slice3A_414[0] : i32 from vector<1xi32>
          %mul3A_416 = arith.constant 16 : i32
          %mul3A_417 = arith.muli %scan3A_209, %mul3A_416 : i32
          %add3A_418 = arith.constant 11 : i32
          %add3A_419 = arith.addi %mul3A_417, %add3A_418 : i32
          %dma_start3A_420 = arith.constant 0 : i32
          %dma_start3A_421 = tpu.memref_slice %arg7[%add3A_419, %dma_start3A_420] : memref<200x32xf32, #tpu.memory_space<vmem>> -> memref<1x32xf32, #tpu.memory_space<vmem>>
          %dma_start3A_422 = tpu.memref_squeeze %dma_start3A_421 : memref<1x32xf32, #tpu.memory_space<vmem>> -> memref<32xf32, #tpu.memory_space<vmem>>
          %dma_start3A_423 = arith.constant 0 : i32
          %dma_start3A_424 = tpu.memref_slice %arg2[%squeeze3A_415, %dma_start3A_423] : memref<1000000x32xf32, #tpu.memory_space<hbm>> -> memref<1x32xf32, #tpu.memory_space<hbm>>
          %dma_start3A_425 = tpu.memref_squeeze %dma_start3A_424 : memref<1x32xf32, #tpu.memory_space<hbm>> -> memref<32xf32, #tpu.memory_space<hbm>>
          %dma_start3A_426 = arith.constant 0 : i32
          %dma_start3A_427 = tpu.memref_slice %arg7[%add3A_419, %dma_start3A_426] : memref<200x32xf32, #tpu.memory_space<vmem>> -> memref<1x32xf32, #tpu.memory_space<vmem>>
          %dma_start3A_428 = tpu.memref_squeeze %dma_start3A_427 : memref<1x32xf32, #tpu.memory_space<vmem>> -> memref<32xf32, #tpu.memory_space<vmem>>
          %dma_start3A_429 = arith.constant 0 : i32
          %dma_start3A_430 = tpu.memref_slice %arg2[%squeeze3A_415, %dma_start3A_429] : memref<1000000x32xf32, #tpu.memory_space<hbm>> -> memref<1x32xf32, #tpu.memory_space<hbm>>
          %dma_start3A_431 = tpu.memref_squeeze %dma_start3A_430 : memref<1x32xf32, #tpu.memory_space<hbm>> -> memref<32xf32, #tpu.memory_space<hbm>>
          tpu.enqueue_dma source(%dma_start3A_431 : memref<32xf32, #tpu.memory_space<hbm>>) target(%dma_start3A_428 : memref<32xf32, #tpu.memory_space<vmem>>) target_semaphore(%arg10 : memref<!tpu.dma_semaphore, #tpu.memory_space<semaphore_mem>>)
          %slice3A_432 = vector.extract_strided_slice %get3A_215 {offsets = [12], sizes = [1], strides = [1]} : vector<16xi32> to vector<1xi32>
          %squeeze3A_433 = vector.extract %slice3A_432[0] : i32 from vector<1xi32>
          %mul3A_434 = arith.constant 16 : i32
          %mul3A_435 = arith.muli %scan3A_209, %mul3A_434 : i32
          %add3A_436 = arith.constant 12 : i32
          %add3A_437 = arith.addi %mul3A_435, %add3A_436 : i32
          %dma_start3A_438 = arith.constant 0 : i32
          %dma_start3A_439 = tpu.memref_slice %arg7[%add3A_437, %dma_start3A_438] : memref<200x32xf32, #tpu.memory_space<vmem>> -> memref<1x32xf32, #tpu.memory_space<vmem>>
          %dma_start3A_440 = tpu.memref_squeeze %dma_start3A_439 : memref<1x32xf32, #tpu.memory_space<vmem>> -> memref<32xf32, #tpu.memory_space<vmem>>
          %dma_start3A_441 = arith.constant 0 : i32
          %dma_start3A_442 = tpu.memref_slice %arg2[%squeeze3A_433, %dma_start3A_441] : memref<1000000x32xf32, #tpu.memory_space<hbm>> -> memref<1x32xf32, #tpu.memory_space<hbm>>
          %dma_start3A_443 = tpu.memref_squeeze %dma_start3A_442 : memref<1x32xf32, #tpu.memory_space<hbm>> -> memref<32xf32, #tpu.memory_space<hbm>>
          %dma_start3A_444 = arith.constant 0 : i32
          %dma_start3A_445 = tpu.memref_slice %arg7[%add3A_437, %dma_start3A_444] : memref<200x32xf32, #tpu.memory_space<vmem>> -> memref<1x32xf32, #tpu.memory_space<vmem>>
          %dma_start3A_446 = tpu.memref_squeeze %dma_start3A_445 : memref<1x32xf32, #tpu.memory_space<vmem>> -> memref<32xf32, #tpu.memory_space<vmem>>
          %dma_start3A_447 = arith.constant 0 : i32
          %dma_start3A_448 = tpu.memref_slice %arg2[%squeeze3A_433, %dma_start3A_447] : memref<1000000x32xf32, #tpu.memory_space<hbm>> -> memref<1x32xf32, #tpu.memory_space<hbm>>
          %dma_start3A_449 = tpu.memref_squeeze %dma_start3A_448 : memref<1x32xf32, #tpu.memory_space<hbm>> -> memref<32xf32, #tpu.memory_space<hbm>>
          tpu.enqueue_dma source(%dma_start3A_449 : memref<32xf32, #tpu.memory_space<hbm>>) target(%dma_start3A_446 : memref<32xf32, #tpu.memory_space<vmem>>) target_semaphore(%arg10 : memref<!tpu.dma_semaphore, #tpu.memory_space<semaphore_mem>>)
          %slice3A_450 = vector.extract_strided_slice %get3A_215 {offsets = [13], sizes = [1], strides = [1]} : vector<16xi32> to vector<1xi32>
          %squeeze3A_451 = vector.extract %slice3A_450[0] : i32 from vector<1xi32>
          %mul3A_452 = arith.constant 16 : i32
          %mul3A_453 = arith.muli %scan3A_209, %mul3A_452 : i32
          %add3A_454 = arith.constant 13 : i32
          %add3A_455 = arith.addi %mul3A_453, %add3A_454 : i32
          %dma_start3A_456 = arith.constant 0 : i32
          %dma_start3A_457 = tpu.memref_slice %arg7[%add3A_455, %dma_start3A_456] : memref<200x32xf32, #tpu.memory_space<vmem>> -> memref<1x32xf32, #tpu.memory_space<vmem>>
          %dma_start3A_458 = tpu.memref_squeeze %dma_start3A_457 : memref<1x32xf32, #tpu.memory_space<vmem>> -> memref<32xf32, #tpu.memory_space<vmem>>
          %dma_start3A_459 = arith.constant 0 : i32
          %dma_start3A_460 = tpu.memref_slice %arg2[%squeeze3A_451, %dma_start3A_459] : memref<1000000x32xf32, #tpu.memory_space<hbm>> -> memref<1x32xf32, #tpu.memory_space<hbm>>
          %dma_start3A_461 = tpu.memref_squeeze %dma_start3A_460 : memref<1x32xf32, #tpu.memory_space<hbm>> -> memref<32xf32, #tpu.memory_space<hbm>>
          %dma_start3A_462 = arith.constant 0 : i32
          %dma_start3A_463 = tpu.memref_slice %arg7[%add3A_455, %dma_start3A_462] : memref<200x32xf32, #tpu.memory_space<vmem>> -> memref<1x32xf32, #tpu.memory_space<vmem>>
          %dma_start3A_464 = tpu.memref_squeeze %dma_start3A_463 : memref<1x32xf32, #tpu.memory_space<vmem>> -> memref<32xf32, #tpu.memory_space<vmem>>
          %dma_start3A_465 = arith.constant 0 : i32
          %dma_start3A_466 = tpu.memref_slice %arg2[%squeeze3A_451, %dma_start3A_465] : memref<1000000x32xf32, #tpu.memory_space<hbm>> -> memref<1x32xf32, #tpu.memory_space<hbm>>
          %dma_start3A_467 = tpu.memref_squeeze %dma_start3A_466 : memref<1x32xf32, #tpu.memory_space<hbm>> -> memref<32xf32, #tpu.memory_space<hbm>>
          tpu.enqueue_dma source(%dma_start3A_467 : memref<32xf32, #tpu.memory_space<hbm>>) target(%dma_start3A_464 : memref<32xf32, #tpu.memory_space<vmem>>) target_semaphore(%arg10 : memref<!tpu.dma_semaphore, #tpu.memory_space<semaphore_mem>>)
          %slice3A_468 = vector.extract_strided_slice %get3A_215 {offsets = [14], sizes = [1], strides = [1]} : vector<16xi32> to vector<1xi32>
          %squeeze3A_469 = vector.extract %slice3A_468[0] : i32 from vector<1xi32>
          %mul3A_470 = arith.constant 16 : i32
          %mul3A_471 = arith.muli %scan3A_209, %mul3A_470 : i32
          %add3A_472 = arith.constant 14 : i32
          %add3A_473 = arith.addi %mul3A_471, %add3A_472 : i32
          %dma_start3A_474 = arith.constant 0 : i32
          %dma_start3A_475 = tpu.memref_slice %arg7[%add3A_473, %dma_start3A_474] : memref<200x32xf32, #tpu.memory_space<vmem>> -> memref<1x32xf32, #tpu.memory_space<vmem>>
          %dma_start3A_476 = tpu.memref_squeeze %dma_start3A_475 : memref<1x32xf32, #tpu.memory_space<vmem>> -> memref<32xf32, #tpu.memory_space<vmem>>
          %dma_start3A_477 = arith.constant 0 : i32
          %dma_start3A_478 = tpu.memref_slice %arg2[%squeeze3A_469, %dma_start3A_477] : memref<1000000x32xf32, #tpu.memory_space<hbm>> -> memref<1x32xf32, #tpu.memory_space<hbm>>
          %dma_start3A_479 = tpu.memref_squeeze %dma_start3A_478 : memref<1x32xf32, #tpu.memory_space<hbm>> -> memref<32xf32, #tpu.memory_space<hbm>>
          %dma_start3A_480 = arith.constant 0 : i32
          %dma_start3A_481 = tpu.memref_slice %arg7[%add3A_473, %dma_start3A_480] : memref<200x32xf32, #tpu.memory_space<vmem>> -> memref<1x32xf32, #tpu.memory_space<vmem>>
          %dma_start3A_482 = tpu.memref_squeeze %dma_start3A_481 : memref<1x32xf32, #tpu.memory_space<vmem>> -> memref<32xf32, #tpu.memory_space<vmem>>
          %dma_start3A_483 = arith.constant 0 : i32
          %dma_start3A_484 = tpu.memref_slice %arg2[%squeeze3A_469, %dma_start3A_483] : memref<1000000x32xf32, #tpu.memory_space<hbm>> -> memref<1x32xf32, #tpu.memory_space<hbm>>
          %dma_start3A_485 = tpu.memref_squeeze %dma_start3A_484 : memref<1x32xf32, #tpu.memory_space<hbm>> -> memref<32xf32, #tpu.memory_space<hbm>>
          tpu.enqueue_dma source(%dma_start3A_485 : memref<32xf32, #tpu.memory_space<hbm>>) target(%dma_start3A_482 : memref<32xf32, #tpu.memory_space<vmem>>) target_semaphore(%arg10 : memref<!tpu.dma_semaphore, #tpu.memory_space<semaphore_mem>>)
          %slice3A_486 = vector.extract_strided_slice %get3A_215 {offsets = [15], sizes = [1], strides = [1]} : vector<16xi32> to vector<1xi32>
          %squeeze3A_487 = vector.extract %slice3A_486[0] : i32 from vector<1xi32>
          %mul3A_488 = arith.constant 16 : i32
          %mul3A_489 = arith.muli %scan3A_209, %mul3A_488 : i32
          %add3A_490 = arith.constant 15 : i32
          %add3A_491 = arith.addi %mul3A_489, %add3A_490 : i32
          %dma_start3A_492 = arith.constant 0 : i32
          %dma_start3A_493 = tpu.memref_slice %arg7[%add3A_491, %dma_start3A_492] : memref<200x32xf32, #tpu.memory_space<vmem>> -> memref<1x32xf32, #tpu.memory_space<vmem>>
          %dma_start3A_494 = tpu.memref_squeeze %dma_start3A_493 : memref<1x32xf32, #tpu.memory_space<vmem>> -> memref<32xf32, #tpu.memory_space<vmem>>
          %dma_start3A_495 = arith.constant 0 : i32
          %dma_start3A_496 = tpu.memref_slice %arg2[%squeeze3A_487, %dma_start3A_495] : memref<1000000x32xf32, #tpu.memory_space<hbm>> -> memref<1x32xf32, #tpu.memory_space<hbm>>
          %dma_start3A_497 = tpu.memref_squeeze %dma_start3A_496 : memref<1x32xf32, #tpu.memory_space<hbm>> -> memref<32xf32, #tpu.memory_space<hbm>>
          %dma_start3A_498 = arith.constant 0 : i32
          %dma_start3A_499 = tpu.memref_slice %arg7[%add3A_491, %dma_start3A_498] : memref<200x32xf32, #tpu.memory_space<vmem>> -> memref<1x32xf32, #tpu.memory_space<vmem>>
          %dma_start3A_500 = tpu.memref_squeeze %dma_start3A_499 : memref<1x32xf32, #tpu.memory_space<vmem>> -> memref<32xf32, #tpu.memory_space<vmem>>
          %dma_start3A_501 = arith.constant 0 : i32
          %dma_start3A_502 = tpu.memref_slice %arg2[%squeeze3A_487, %dma_start3A_501] : memref<1000000x32xf32, #tpu.memory_space<hbm>> -> memref<1x32xf32, #tpu.memory_space<hbm>>
          %dma_start3A_503 = tpu.memref_squeeze %dma_start3A_502 : memref<1x32xf32, #tpu.memory_space<hbm>> -> memref<32xf32, #tpu.memory_space<hbm>>
          tpu.enqueue_dma source(%dma_start3A_503 : memref<32xf32, #tpu.memory_space<hbm>>) target(%dma_start3A_500 : memref<32xf32, #tpu.memory_space<vmem>>) target_semaphore(%arg10 : memref<!tpu.dma_semaphore, #tpu.memory_space<semaphore_mem>>)
          %scan3A_504 = arith.constant 0 : i32
          scf.yield %scan3A_504 : i32
        }
        %scan3A_78 = arith.constant 12 : i32
        %get3A = arith.constant 184 : index
        %get3A_79 = tpu.vector_load %arg5[%get3A] {strides = array<i32>} : memref<200xi32, #tpu.memory_space<vmem>>, vector<16xi32>,
        %get3A_80 = vector.shape_cast %get3A_79 : vector<16xi32> to vector<16xi32>
        %slice3A = vector.extract_strided_slice %get3A_80 {offsets = [8], sizes = [1], strides = [1]} : vector<16xi32> to vector<1xi32>
        %squeeze3A = vector.extract %slice3A[0] : i32 from vector<1xi32>
        %dma_start3A_81 = arith.constant 192 : i32
        %dma_start3A_82 = arith.constant 0 : i32
        %dma_start3A_83 = tpu.memref_slice %arg7[%dma_start3A_81, %dma_start3A_82] : memref<200x32xf32, #tpu.memory_space<vmem>> -> memref<1x32xf32, #tpu.memory_space<vmem>>
        %dma_start3A_84 = tpu.memref_squeeze %dma_start3A_83 : memref<1x32xf32, #tpu.memory_space<vmem>> -> memref<32xf32, #tpu.memory_space<vmem>>
        %dma_start3A_85 = arith.constant 0 : i32
        %dma_start3A_86 = tpu.memref_slice %arg2[%squeeze3A, %dma_start3A_85] : memref<1000000x32xf32, #tpu.memory_space<hbm>> -> memref<1x32xf32, #tpu.memory_space<hbm>>
        %dma_start3A_87 = tpu.memref_squeeze %dma_start3A_86 : memref<1x32xf32, #tpu.memory_space<hbm>> -> memref<32xf32, #tpu.memory_space<hbm>>
        %dma_start3A_88 = arith.constant 0 : i32
        %dma_start3A_89 = tpu.memref_slice %arg7[%dma_start3A_81, %dma_start3A_88] : memref<200x32xf32, #tpu.memory_space<vmem>> -> memref<1x32xf32, #tpu.memory_space<vmem>>
        %dma_start3A_90 = tpu.memref_squeeze %dma_start3A_89 : memref<1x32xf32, #tpu.memory_space<vmem>> -> memref<32xf32, #tpu.memory_space<vmem>>
        %dma_start3A_91 = arith.constant 0 : i32
        %dma_start3A_92 = tpu.memref_slice %arg2[%squeeze3A, %dma_start3A_91] : memref<1000000x32xf32, #tpu.memory_space<hbm>> -> memref<1x32xf32, #tpu.memory_space<hbm>>
        %dma_start3A_93 = tpu.memref_squeeze %dma_start3A_92 : memref<1x32xf32, #tpu.memory_space<hbm>> -> memref<32xf32, #tpu.memory_space<hbm>>
        tpu.enqueue_dma source(%dma_start3A_93 : memref<32xf32, #tpu.memory_space<hbm>>) target(%dma_start3A_90 : memref<32xf32, #tpu.memory_space<vmem>>) target_semaphore(%arg10 : memref<!tpu.dma_semaphore, #tpu.memory_space<semaphore_mem>>)
        %slice3A_94 = vector.extract_strided_slice %get3A_80 {offsets = [9], sizes = [1], strides = [1]} : vector<16xi32> to vector<1xi32>
        %squeeze3A_95 = vector.extract %slice3A_94[0] : i32 from vector<1xi32>
        %dma_start3A_96 = arith.constant 193 : i32
        %dma_start3A_97 = arith.constant 0 : i32
        %dma_start3A_98 = tpu.memref_slice %arg7[%dma_start3A_96, %dma_start3A_97] : memref<200x32xf32, #tpu.memory_space<vmem>> -> memref<1x32xf32, #tpu.memory_space<vmem>>
        %dma_start3A_99 = tpu.memref_squeeze %dma_start3A_98 : memref<1x32xf32, #tpu.memory_space<vmem>> -> memref<32xf32, #tpu.memory_space<vmem>>
        %dma_start3A_100 = arith.constant 0 : i32
        %dma_start3A_101 = tpu.memref_slice %arg2[%squeeze3A_95, %dma_start3A_100] : memref<1000000x32xf32, #tpu.memory_space<hbm>> -> memref<1x32xf32, #tpu.memory_space<hbm>>
        %dma_start3A_102 = tpu.memref_squeeze %dma_start3A_101 : memref<1x32xf32, #tpu.memory_space<hbm>> -> memref<32xf32, #tpu.memory_space<hbm>>
        %dma_start3A_103 = arith.constant 0 : i32
        %dma_start3A_104 = tpu.memref_slice %arg7[%dma_start3A_96, %dma_start3A_103] : memref<200x32xf32, #tpu.memory_space<vmem>> -> memref<1x32xf32, #tpu.memory_space<vmem>>
        %dma_start3A_105 = tpu.memref_squeeze %dma_start3A_104 : memref<1x32xf32, #tpu.memory_space<vmem>> -> memref<32xf32, #tpu.memory_space<vmem>>
        %dma_start3A_106 = arith.constant 0 : i32
        %dma_start3A_107 = tpu.memref_slice %arg2[%squeeze3A_95, %dma_start3A_106] : memref<1000000x32xf32, #tpu.memory_space<hbm>> -> memref<1x32xf32, #tpu.memory_space<hbm>>
        %dma_start3A_108 = tpu.memref_squeeze %dma_start3A_107 : memref<1x32xf32, #tpu.memory_space<hbm>> -> memref<32xf32, #tpu.memory_space<hbm>>
        tpu.enqueue_dma source(%dma_start3A_108 : memref<32xf32, #tpu.memory_space<hbm>>) target(%dma_start3A_105 : memref<32xf32, #tpu.memory_space<vmem>>) target_semaphore(%arg10 : memref<!tpu.dma_semaphore, #tpu.memory_space<semaphore_mem>>)
        %slice3A_109 = vector.extract_strided_slice %get3A_80 {offsets = [10], sizes = [1], strides = [1]} : vector<16xi32> to vector<1xi32>
        %squeeze3A_110 = vector.extract %slice3A_109[0] : i32 from vector<1xi32>
        %dma_start3A_111 = arith.constant 194 : i32
        %dma_start3A_112 = arith.constant 0 : i32
        %dma_start3A_113 = tpu.memref_slice %arg7[%dma_start3A_111, %dma_start3A_112] : memref<200x32xf32, #tpu.memory_space<vmem>> -> memref<1x32xf32, #tpu.memory_space<vmem>>
        %dma_start3A_114 = tpu.memref_squeeze %dma_start3A_113 : memref<1x32xf32, #tpu.memory_space<vmem>> -> memref<32xf32, #tpu.memory_space<vmem>>
        %dma_start3A_115 = arith.constant 0 : i32
        %dma_start3A_116 = tpu.memref_slice %arg2[%squeeze3A_110, %dma_start3A_115] : memref<1000000x32xf32, #tpu.memory_space<hbm>> -> memref<1x32xf32, #tpu.memory_space<hbm>>
        %dma_start3A_117 = tpu.memref_squeeze %dma_start3A_116 : memref<1x32xf32, #tpu.memory_space<hbm>> -> memref<32xf32, #tpu.memory_space<hbm>>
        %dma_start3A_118 = arith.constant 0 : i32
        %dma_start3A_119 = tpu.memref_slice %arg7[%dma_start3A_111, %dma_start3A_118] : memref<200x32xf32, #tpu.memory_space<vmem>> -> memref<1x32xf32, #tpu.memory_space<vmem>>
        %dma_start3A_120 = tpu.memref_squeeze %dma_start3A_119 : memref<1x32xf32, #tpu.memory_space<vmem>> -> memref<32xf32, #tpu.memory_space<vmem>>
        %dma_start3A_121 = arith.constant 0 : i32
        %dma_start3A_122 = tpu.memref_slice %arg2[%squeeze3A_110, %dma_start3A_121] : memref<1000000x32xf32, #tpu.memory_space<hbm>> -> memref<1x32xf32, #tpu.memory_space<hbm>>
        %dma_start3A_123 = tpu.memref_squeeze %dma_start3A_122 : memref<1x32xf32, #tpu.memory_space<hbm>> -> memref<32xf32, #tpu.memory_space<hbm>>
        tpu.enqueue_dma source(%dma_start3A_123 : memref<32xf32, #tpu.memory_space<hbm>>) target(%dma_start3A_120 : memref<32xf32, #tpu.memory_space<vmem>>) target_semaphore(%arg10 : memref<!tpu.dma_semaphore, #tpu.memory_space<semaphore_mem>>)
        %slice3A_124 = vector.extract_strided_slice %get3A_80 {offsets = [11], sizes = [1], strides = [1]} : vector<16xi32> to vector<1xi32>
        %squeeze3A_125 = vector.extract %slice3A_124[0] : i32 from vector<1xi32>
        %dma_start3A_126 = arith.constant 195 : i32
        %dma_start3A_127 = arith.constant 0 : i32
        %dma_start3A_128 = tpu.memref_slice %arg7[%dma_start3A_126, %dma_start3A_127] : memref<200x32xf32, #tpu.memory_space<vmem>> -> memref<1x32xf32, #tpu.memory_space<vmem>>
        %dma_start3A_129 = tpu.memref_squeeze %dma_start3A_128 : memref<1x32xf32, #tpu.memory_space<vmem>> -> memref<32xf32, #tpu.memory_space<vmem>>
        %dma_start3A_130 = arith.constant 0 : i32
        %dma_start3A_131 = tpu.memref_slice %arg2[%squeeze3A_125, %dma_start3A_130] : memref<1000000x32xf32, #tpu.memory_space<hbm>> -> memref<1x32xf32, #tpu.memory_space<hbm>>
        %dma_start3A_132 = tpu.memref_squeeze %dma_start3A_131 : memref<1x32xf32, #tpu.memory_space<hbm>> -> memref<32xf32, #tpu.memory_space<hbm>>
        %dma_start3A_133 = arith.constant 0 : i32
        %dma_start3A_134 = tpu.memref_slice %arg7[%dma_start3A_126, %dma_start3A_133] : memref<200x32xf32, #tpu.memory_space<vmem>> -> memref<1x32xf32, #tpu.memory_space<vmem>>
        %dma_start3A_135 = tpu.memref_squeeze %dma_start3A_134 : memref<1x32xf32, #tpu.memory_space<vmem>> -> memref<32xf32, #tpu.memory_space<vmem>>
        %dma_start3A_136 = arith.constant 0 : i32
        %dma_start3A_137 = tpu.memref_slice %arg2[%squeeze3A_125, %dma_start3A_136] : memref<1000000x32xf32, #tpu.memory_space<hbm>> -> memref<1x32xf32, #tpu.memory_space<hbm>>
        %dma_start3A_138 = tpu.memref_squeeze %dma_start3A_137 : memref<1x32xf32, #tpu.memory_space<hbm>> -> memref<32xf32, #tpu.memory_space<hbm>>
        tpu.enqueue_dma source(%dma_start3A_138 : memref<32xf32, #tpu.memory_space<hbm>>) target(%dma_start3A_135 : memref<32xf32, #tpu.memory_space<vmem>>) target_semaphore(%arg10 : memref<!tpu.dma_semaphore, #tpu.memory_space<semaphore_mem>>)
        %slice3A_139 = vector.extract_strided_slice %get3A_80 {offsets = [12], sizes = [1], strides = [1]} : vector<16xi32> to vector<1xi32>
        %squeeze3A_140 = vector.extract %slice3A_139[0] : i32 from vector<1xi32>
        %dma_start3A_141 = arith.constant 196 : i32
        %dma_start3A_142 = arith.constant 0 : i32
        %dma_start3A_143 = tpu.memref_slice %arg7[%dma_start3A_141, %dma_start3A_142] : memref<200x32xf32, #tpu.memory_space<vmem>> -> memref<1x32xf32, #tpu.memory_space<vmem>>
        %dma_start3A_144 = tpu.memref_squeeze %dma_start3A_143 : memref<1x32xf32, #tpu.memory_space<vmem>> -> memref<32xf32, #tpu.memory_space<vmem>>
        %dma_start3A_145 = arith.constant 0 : i32
        %dma_start3A_146 = tpu.memref_slice %arg2[%squeeze3A_140, %dma_start3A_145] : memref<1000000x32xf32, #tpu.memory_space<hbm>> -> memref<1x32xf32, #tpu.memory_space<hbm>>
        %dma_start3A_147 = tpu.memref_squeeze %dma_start3A_146 : memref<1x32xf32, #tpu.memory_space<hbm>> -> memref<32xf32, #tpu.memory_space<hbm>>
        %dma_start3A_148 = arith.constant 0 : i32
        %dma_start3A_149 = tpu.memref_slice %arg7[%dma_start3A_141, %dma_start3A_148] : memref<200x32xf32, #tpu.memory_space<vmem>> -> memref<1x32xf32, #tpu.memory_space<vmem>>
        %dma_start3A_150 = tpu.memref_squeeze %dma_start3A_149 : memref<1x32xf32, #tpu.memory_space<vmem>> -> memref<32xf32, #tpu.memory_space<vmem>>
        %dma_start3A_151 = arith.constant 0 : i32
        %dma_start3A_152 = tpu.memref_slice %arg2[%squeeze3A_140, %dma_start3A_151] : memref<1000000x32xf32, #tpu.memory_space<hbm>> -> memref<1x32xf32, #tpu.memory_space<hbm>>
        %dma_start3A_153 = tpu.memref_squeeze %dma_start3A_152 : memref<1x32xf32, #tpu.memory_space<hbm>> -> memref<32xf32, #tpu.memory_space<hbm>>
        tpu.enqueue_dma source(%dma_start3A_153 : memref<32xf32, #tpu.memory_space<hbm>>) target(%dma_start3A_150 : memref<32xf32, #tpu.memory_space<vmem>>) target_semaphore(%arg10 : memref<!tpu.dma_semaphore, #tpu.memory_space<semaphore_mem>>)
        %slice3A_154 = vector.extract_strided_slice %get3A_80 {offsets = [13], sizes = [1], strides = [1]} : vector<16xi32> to vector<1xi32>
        %squeeze3A_155 = vector.extract %slice3A_154[0] : i32 from vector<1xi32>
        %dma_start3A_156 = arith.constant 197 : i32
        %dma_start3A_157 = arith.constant 0 : i32
        %dma_start3A_158 = tpu.memref_slice %arg7[%dma_start3A_156, %dma_start3A_157] : memref<200x32xf32, #tpu.memory_space<vmem>> -> memref<1x32xf32, #tpu.memory_space<vmem>>
        %dma_start3A_159 = tpu.memref_squeeze %dma_start3A_158 : memref<1x32xf32, #tpu.memory_space<vmem>> -> memref<32xf32, #tpu.memory_space<vmem>>
        %dma_start3A_160 = arith.constant 0 : i32
        %dma_start3A_161 = tpu.memref_slice %arg2[%squeeze3A_155, %dma_start3A_160] : memref<1000000x32xf32, #tpu.memory_space<hbm>> -> memref<1x32xf32, #tpu.memory_space<hbm>>
        %dma_start3A_162 = tpu.memref_squeeze %dma_start3A_161 : memref<1x32xf32, #tpu.memory_space<hbm>> -> memref<32xf32, #tpu.memory_space<hbm>>
        %dma_start3A_163 = arith.constant 0 : i32
        %dma_start3A_164 = tpu.memref_slice %arg7[%dma_start3A_156, %dma_start3A_163] : memref<200x32xf32, #tpu.memory_space<vmem>> -> memref<1x32xf32, #tpu.memory_space<vmem>>
        %dma_start3A_165 = tpu.memref_squeeze %dma_start3A_164 : memref<1x32xf32, #tpu.memory_space<vmem>> -> memref<32xf32, #tpu.memory_space<vmem>>
        %dma_start3A_166 = arith.constant 0 : i32
        %dma_start3A_167 = tpu.memref_slice %arg2[%squeeze3A_155, %dma_start3A_166] : memref<1000000x32xf32, #tpu.memory_space<hbm>> -> memref<1x32xf32, #tpu.memory_space<hbm>>
        %dma_start3A_168 = tpu.memref_squeeze %dma_start3A_167 : memref<1x32xf32, #tpu.memory_space<hbm>> -> memref<32xf32, #tpu.memory_space<hbm>>
        tpu.enqueue_dma source(%dma_start3A_168 : memref<32xf32, #tpu.memory_space<hbm>>) target(%dma_start3A_165 : memref<32xf32, #tpu.memory_space<vmem>>) target_semaphore(%arg10 : memref<!tpu.dma_semaphore, #tpu.memory_space<semaphore_mem>>)
        %slice3A_169 = vector.extract_strided_slice %get3A_80 {offsets = [14], sizes = [1], strides = [1]} : vector<16xi32> to vector<1xi32>
        %squeeze3A_170 = vector.extract %slice3A_169[0] : i32 from vector<1xi32>
        %dma_start3A_171 = arith.constant 198 : i32
        %dma_start3A_172 = arith.constant 0 : i32
        %dma_start3A_173 = tpu.memref_slice %arg7[%dma_start3A_171, %dma_start3A_172] : memref<200x32xf32, #tpu.memory_space<vmem>> -> memref<1x32xf32, #tpu.memory_space<vmem>>
        %dma_start3A_174 = tpu.memref_squeeze %dma_start3A_173 : memref<1x32xf32, #tpu.memory_space<vmem>> -> memref<32xf32, #tpu.memory_space<vmem>>
        %dma_start3A_175 = arith.constant 0 : i32
        %dma_start3A_176 = tpu.memref_slice %arg2[%squeeze3A_170, %dma_start3A_175] : memref<1000000x32xf32, #tpu.memory_space<hbm>> -> memref<1x32xf32, #tpu.memory_space<hbm>>
        %dma_start3A_177 = tpu.memref_squeeze %dma_start3A_176 : memref<1x32xf32, #tpu.memory_space<hbm>> -> memref<32xf32, #tpu.memory_space<hbm>>
        %dma_start3A_178 = arith.constant 0 : i32
        %dma_start3A_179 = tpu.memref_slice %arg7[%dma_start3A_171, %dma_start3A_178] : memref<200x32xf32, #tpu.memory_space<vmem>> -> memref<1x32xf32, #tpu.memory_space<vmem>>
        %dma_start3A_180 = tpu.memref_squeeze %dma_start3A_179 : memref<1x32xf32, #tpu.memory_space<vmem>> -> memref<32xf32, #tpu.memory_space<vmem>>
        %dma_start3A_181 = arith.constant 0 : i32
        %dma_start3A_182 = tpu.memref_slice %arg2[%squeeze3A_170, %dma_start3A_181] : memref<1000000x32xf32, #tpu.memory_space<hbm>> -> memref<1x32xf32, #tpu.memory_space<hbm>>
        %dma_start3A_183 = tpu.memref_squeeze %dma_start3A_182 : memref<1x32xf32, #tpu.memory_space<hbm>> -> memref<32xf32, #tpu.memory_space<hbm>>
        tpu.enqueue_dma source(%dma_start3A_183 : memref<32xf32, #tpu.memory_space<hbm>>) target(%dma_start3A_180 : memref<32xf32, #tpu.memory_space<vmem>>) target_semaphore(%arg10 : memref<!tpu.dma_semaphore, #tpu.memory_space<semaphore_mem>>)
        %slice3A_184 = vector.extract_strided_slice %get3A_80 {offsets = [15], sizes = [1], strides = [1]} : vector<16xi32> to vector<1xi32>
        %squeeze3A_185 = vector.extract %slice3A_184[0] : i32 from vector<1xi32>
        %dma_start3A_186 = arith.constant 199 : i32
        %dma_start3A_187 = arith.constant 0 : i32
        %dma_start3A_188 = tpu.memref_slice %arg7[%dma_start3A_186, %dma_start3A_187] : memref<200x32xf32, #tpu.memory_space<vmem>> -> memref<1x32xf32, #tpu.memory_space<vmem>>
        %dma_start3A_189 = tpu.memref_squeeze %dma_start3A_188 : memref<1x32xf32, #tpu.memory_space<vmem>> -> memref<32xf32, #tpu.memory_space<vmem>>
        %dma_start3A_190 = arith.constant 0 : i32
        %dma_start3A_191 = tpu.memref_slice %arg2[%squeeze3A_185, %dma_start3A_190] : memref<1000000x32xf32, #tpu.memory_space<hbm>> -> memref<1x32xf32, #tpu.memory_space<hbm>>
        %dma_start3A_192 = tpu.memref_squeeze %dma_start3A_191 : memref<1x32xf32, #tpu.memory_space<hbm>> -> memref<32xf32, #tpu.memory_space<hbm>>
        %dma_start3A_193 = arith.constant 0 : i32
        %dma_start3A_194 = tpu.memref_slice %arg7[%dma_start3A_186, %dma_start3A_193] : memref<200x32xf32, #tpu.memory_space<vmem>> -> memref<1x32xf32, #tpu.memory_space<vmem>>
        %dma_start3A_195 = tpu.memref_squeeze %dma_start3A_194 : memref<1x32xf32, #tpu.memory_space<vmem>> -> memref<32xf32, #tpu.memory_space<vmem>>
        %dma_start3A_196 = arith.constant 0 : i32
        %dma_start3A_197 = tpu.memref_slice %arg2[%squeeze3A_185, %dma_start3A_196] : memref<1000000x32xf32, #tpu.memory_space<hbm>> -> memref<1x32xf32, #tpu.memory_space<hbm>>
        %dma_start3A_198 = tpu.memref_squeeze %dma_start3A_197 : memref<1x32xf32, #tpu.memory_space<hbm>> -> memref<32xf32, #tpu.memory_space<hbm>>
        tpu.enqueue_dma source(%dma_start3A_198 : memref<32xf32, #tpu.memory_space<hbm>>) target(%dma_start3A_195 : memref<32xf32, #tpu.memory_space<vmem>>) target_semaphore(%arg10 : memref<!tpu.dma_semaphore, #tpu.memory_space<semaphore_mem>>)
        %add3A_199 = arith.constant 2 : i32
        %add3A_200 = arith.addi %scan3A_61, %add3A_199 : i32
        %lt3A = arith.constant 128 : i32
        %lt3A_201 = arith.cmpi slt, %add3A_200, %lt3A : i32
        %convert_element_type3A_202 = arith.extui %lt3A_201 : i1 to i32
        %cond3A_203 = arith.constant 0 : i32
        %cond3A_204 = arith.cmpi ne, %convert_element_type3A_202, %cond3A_203 : i32
        scf.if %cond3A_204 {
          %add3A_209 = arith.constant 2 : i32
          %add3A_210 = arith.addi %scan3A_61, %add3A_209 : i32
          %add3A_211 = arith.addi %mul3A_2, %add3A_210 : i32
          %mul3A_212 = arith.constant 200 : i32
          %mul3A_213 = arith.muli %add3A_211, %mul3A_212 : i32
          %dma_start3A_214 = tpu.memref_slice %arg3[%mul3A_213] : memref<819200xi32, #tpu.memory_space<hbm>> -> memref<200xi32, #tpu.memory_space<hbm>>
          %dma_start3A_215 = tpu.memref_slice %arg3[%mul3A_213] : memref<819200xi32, #tpu.memory_space<hbm>> -> memref<200xi32, #tpu.memory_space<hbm>>
          tpu.enqueue_dma source(%dma_start3A_215 : memref<200xi32, #tpu.memory_space<hbm>>) target(%arg5 : memref<200xi32, #tpu.memory_space<vmem>>) target_semaphore(%arg12 : memref<!tpu.dma_semaphore, #tpu.memory_space<semaphore_mem>>)
        } else {
        }
        %gt3A = arith.constant 0 : i32
        %gt3A_205 = arith.cmpi sgt, %scan3A_61, %gt3A : i32
        %convert_element_type3A_206 = arith.extui %gt3A_205 : i1 to i32
        %cond3A_207 = arith.constant 0 : i32
        %cond3A_208 = arith.cmpi ne, %convert_element_type3A_206, %cond3A_207 : i32
        scf.if %cond3A_208 {
          %dma_wait3A_209 = arith.constant 0 : i32
          %dma_wait3A_210 = arith.constant 0 : i32
          %dma_wait3A_211 = tpu.memref_slice %arg2[%dma_wait3A_209, %dma_wait3A_210] : memref<1000000x32xf32, #tpu.memory_space<hbm>> -> memref<200x32xf32, #tpu.memory_space<hbm>>
          %dma_wait3A_212 = arith.constant 0 : i32
          %dma_wait3A_213 = arith.constant 0 : i32
          %dma_wait3A_214 = tpu.memref_slice %arg2[%dma_wait3A_212, %dma_wait3A_213] : memref<1000000x32xf32, #tpu.memory_space<hbm>> -> memref<200x32xf32, #tpu.memory_space<hbm>>
          tpu.wait_dma2 semaphore(%arg11 : memref<!tpu.dma_semaphore, #tpu.memory_space<semaphore_mem>>) src(%dma_wait3A_214 : memref<200x32xf32, #tpu.memory_space<hbm>>) dst(%arg8 : memref<200x32xf32, #tpu.memory_space<vmem>>)
          %sub3A = arith.constant 1 : i32
          %sub3A_215 = arith.subi %scan3A_61, %sub3A : i32
          %broadcast_in_dim3A_216 = arith.constant 0.000000e+00 : f32
          %broadcast_in_dim3A_217 = vector.broadcast %broadcast_in_dim3A_216 : f32 to vector<16xf32>
          %broadcast_in_dim3A_218 = arith.constant 0.000000e+00 : f32
          %broadcast_in_dim3A_219 = vector.broadcast %broadcast_in_dim3A_218 : f32 to vector<16xf32>
          %broadcast_in_dim3A_220 = arith.constant 0.000000e+00 : f32
          %broadcast_in_dim3A_221 = vector.broadcast %broadcast_in_dim3A_220 : f32 to vector<16xf32>
          %broadcast_in_dim3A_222 = arith.constant 0.000000e+00 : f32
          %broadcast_in_dim3A_223 = vector.broadcast %broadcast_in_dim3A_222 : f32 to vector<16xf32>
          %broadcast_in_dim3A_224 = arith.constant 0.000000e+00 : f32
          %broadcast_in_dim3A_225 = vector.broadcast %broadcast_in_dim3A_224 : f32 to vector<16xf32>
          %broadcast_in_dim3A_226 = arith.constant 0.000000e+00 : f32
          %broadcast_in_dim3A_227 = vector.broadcast %broadcast_in_dim3A_226 : f32 to vector<16xf32>
          %broadcast_in_dim3A_228 = arith.constant 0.000000e+00 : f32
          %broadcast_in_dim3A_229 = vector.broadcast %broadcast_in_dim3A_228 : f32 to vector<16xf32>
          %broadcast_in_dim3A_230 = arith.constant 0.000000e+00 : f32
          %broadcast_in_dim3A_231 = vector.broadcast %broadcast_in_dim3A_230 : f32 to vector<16xf32>
          %scan3A_232 = arith.constant 0 : i32
          %scan3A_233 = arith.constant 50 : i32
          %scan3A_234 = arith.addi %scan3A_232, %scan3A_233 : i32
          %scan3A_235 = arith.constant 5 : i32
          %scan3A_236:8 = scf.for %scan3A_258 = %scan3A_232 to %scan3A_234 step %scan3A_235 iter_args(%scan3A_259 = %broadcast_in_dim3A_217, %scan3A_260 = %broadcast_in_dim3A_219, %scan3A_261 = %broadcast_in_dim3A_221, %scan3A_262 = %broadcast_in_dim3A_223, %scan3A_263 = %broadcast_in_dim3A_225, %scan3A_264 = %broadcast_in_dim3A_227, %scan3A_265 = %broadcast_in_dim3A_229, %scan3A_266 = %broadcast_in_dim3A_231) -> (vector<16xf32>, vector<16xf32>, vector<16xf32>, vector<16xf32>, vector<16xf32>, vector<16xf32>, vector<16xf32>, vector<16xf32>)  : i32 {
            %mul3A_267 = arith.constant 4 : i32
            %mul3A_268 = arith.muli %mul3A_267, %scan3A_258 : i32
            %add3A_269 = arith.constant 0 : i32
            %add3A_270 = arith.addi %mul3A_268, %add3A_269 : i32
            %get3A_271 = arith.index_cast %add3A_270 : i32 to index
            %get3A_272 = arith.constant 0 : index
            %get3A_273 = tpu.vector_load %arg8[%get3A_271, %get3A_272] {strides = array<i32>} : memref<200x32xf32, #tpu.memory_space<vmem>>, vector<1x16xf32>,
            %get3A_274 = vector.shape_cast %get3A_273 : vector<1x16xf32> to vector<16xf32>
            %add3A_275 = arith.addf %scan3A_259, %get3A_274 : vector<16xf32>
            %mul3A_276 = arith.constant 4 : i32
            %mul3A_277 = arith.muli %mul3A_276, %scan3A_258 : i32
            %add3A_278 = arith.constant 0 : i32
            %add3A_279 = arith.addi %mul3A_277, %add3A_278 : i32
            %get3A_280 = arith.index_cast %add3A_279 : i32 to index
            %get3A_281 = arith.constant 16 : index
            %get3A_282 = tpu.vector_load %arg8[%get3A_280, %get3A_281] {strides = array<i32>} : memref<200x32xf32, #tpu.memory_space<vmem>>, vector<1x16xf32>,
            %get3A_283 = vector.shape_cast %get3A_282 : vector<1x16xf32> to vector<16xf32>
            %add3A_284 = arith.addf %scan3A_263, %get3A_283 : vector<16xf32>
            %mul3A_285 = arith.constant 4 : i32
            %mul3A_286 = arith.muli %mul3A_285, %scan3A_258 : i32
            %add3A_287 = arith.constant 1 : i32
            %add3A_288 = arith.addi %mul3A_286, %add3A_287 : i32
            %get3A_289 = arith.index_cast %add3A_288 : i32 to index
            %get3A_290 = arith.constant 0 : index
            %get3A_291 = tpu.vector_load %arg8[%get3A_289, %get3A_290] {strides = array<i32>} : memref<200x32xf32, #tpu.memory_space<vmem>>, vector<1x16xf32>,
            %get3A_292 = vector.shape_cast %get3A_291 : vector<1x16xf32> to vector<16xf32>
            %add3A_293 = arith.addf %scan3A_260, %get3A_292 : vector<16xf32>
            %mul3A_294 = arith.constant 4 : i32
            %mul3A_295 = arith.muli %mul3A_294, %scan3A_258 : i32
            %add3A_296 = arith.constant 1 : i32
            %add3A_297 = arith.addi %mul3A_295, %add3A_296 : i32
            %get3A_298 = arith.index_cast %add3A_297 : i32 to index
            %get3A_299 = arith.constant 16 : index
            %get3A_300 = tpu.vector_load %arg8[%get3A_298, %get3A_299] {strides = array<i32>} : memref<200x32xf32, #tpu.memory_space<vmem>>, vector<1x16xf32>,
            %get3A_301 = vector.shape_cast %get3A_300 : vector<1x16xf32> to vector<16xf32>
            %add3A_302 = arith.addf %scan3A_264, %get3A_301 : vector<16xf32>
            %mul3A_303 = arith.constant 4 : i32
            %mul3A_304 = arith.muli %mul3A_303, %scan3A_258 : i32
            %add3A_305 = arith.constant 2 : i32
            %add3A_306 = arith.addi %mul3A_304, %add3A_305 : i32
            %get3A_307 = arith.index_cast %add3A_306 : i32 to index
            %get3A_308 = arith.constant 0 : index
            %get3A_309 = tpu.vector_load %arg8[%get3A_307, %get3A_308] {strides = array<i32>} : memref<200x32xf32, #tpu.memory_space<vmem>>, vector<1x16xf32>,
            %get3A_310 = vector.shape_cast %get3A_309 : vector<1x16xf32> to vector<16xf32>
            %add3A_311 = arith.addf %scan3A_261, %get3A_310 : vector<16xf32>
            %mul3A_312 = arith.constant 4 : i32
            %mul3A_313 = arith.muli %mul3A_312, %scan3A_258 : i32
            %add3A_314 = arith.constant 2 : i32
            %add3A_315 = arith.addi %mul3A_313, %add3A_314 : i32
            %get3A_316 = arith.index_cast %add3A_315 : i32 to index
            %get3A_317 = arith.constant 16 : index
            %get3A_318 = tpu.vector_load %arg8[%get3A_316, %get3A_317] {strides = array<i32>} : memref<200x32xf32, #tpu.memory_space<vmem>>, vector<1x16xf32>,
            %get3A_319 = vector.shape_cast %get3A_318 : vector<1x16xf32> to vector<16xf32>
            %add3A_320 = arith.addf %scan3A_265, %get3A_319 : vector<16xf32>
            %mul3A_321 = arith.constant 4 : i32
            %mul3A_322 = arith.muli %mul3A_321, %scan3A_258 : i32
            %add3A_323 = arith.constant 3 : i32
            %add3A_324 = arith.addi %mul3A_322, %add3A_323 : i32
            %get3A_325 = arith.index_cast %add3A_324 : i32 to index
            %get3A_326 = arith.constant 0 : index
            %get3A_327 = tpu.vector_load %arg8[%get3A_325, %get3A_326] {strides = array<i32>} : memref<200x32xf32, #tpu.memory_space<vmem>>, vector<1x16xf32>,
            %get3A_328 = vector.shape_cast %get3A_327 : vector<1x16xf32> to vector<16xf32>
            %add3A_329 = arith.addf %scan3A_262, %get3A_328 : vector<16xf32>
            %mul3A_330 = arith.constant 4 : i32
            %mul3A_331 = arith.muli %mul3A_330, %scan3A_258 : i32
            %add3A_332 = arith.constant 3 : i32
            %add3A_333 = arith.addi %mul3A_331, %add3A_332 : i32
            %get3A_334 = arith.index_cast %add3A_333 : i32 to index
            %get3A_335 = arith.constant 16 : index
            %get3A_336 = tpu.vector_load %arg8[%get3A_334, %get3A_335] {strides = array<i32>} : memref<200x32xf32, #tpu.memory_space<vmem>>, vector<1x16xf32>,
            %get3A_337 = vector.shape_cast %get3A_336 : vector<1x16xf32> to vector<16xf32>
            %add3A_338 = arith.addf %scan3A_266, %get3A_337 : vector<16xf32>
            %scan3A_339 = arith.constant 1 : i32
            %scan3A_340 = arith.addi %scan3A_258, %scan3A_339 : i32
            %mul3A_341 = arith.constant 4 : i32
            %mul3A_342 = arith.muli %mul3A_341, %scan3A_340 : i32
            %add3A_343 = arith.constant 0 : i32
            %add3A_344 = arith.addi %mul3A_342, %add3A_343 : i32
            %get3A_345 = arith.index_cast %add3A_344 : i32 to index
            %get3A_346 = arith.constant 0 : index
            %get3A_347 = tpu.vector_load %arg8[%get3A_345, %get3A_346] {strides = array<i32>} : memref<200x32xf32, #tpu.memory_space<vmem>>, vector<1x16xf32>,
            %get3A_348 = vector.shape_cast %get3A_347 : vector<1x16xf32> to vector<16xf32>
            %add3A_349 = arith.addf %add3A_275, %get3A_348 : vector<16xf32>
            %mul3A_350 = arith.constant 4 : i32
            %mul3A_351 = arith.muli %mul3A_350, %scan3A_340 : i32
            %add3A_352 = arith.constant 0 : i32
            %add3A_353 = arith.addi %mul3A_351, %add3A_352 : i32
            %get3A_354 = arith.index_cast %add3A_353 : i32 to index
            %get3A_355 = arith.constant 16 : index
            %get3A_356 = tpu.vector_load %arg8[%get3A_354, %get3A_355] {strides = array<i32>} : memref<200x32xf32, #tpu.memory_space<vmem>>, vector<1x16xf32>,
            %get3A_357 = vector.shape_cast %get3A_356 : vector<1x16xf32> to vector<16xf32>
            %add3A_358 = arith.addf %add3A_284, %get3A_357 : vector<16xf32>
            %mul3A_359 = arith.constant 4 : i32
            %mul3A_360 = arith.muli %mul3A_359, %scan3A_340 : i32
            %add3A_361 = arith.constant 1 : i32
            %add3A_362 = arith.addi %mul3A_360, %add3A_361 : i32
            %get3A_363 = arith.index_cast %add3A_362 : i32 to index
            %get3A_364 = arith.constant 0 : index
            %get3A_365 = tpu.vector_load %arg8[%get3A_363, %get3A_364] {strides = array<i32>} : memref<200x32xf32, #tpu.memory_space<vmem>>, vector<1x16xf32>,
            %get3A_366 = vector.shape_cast %get3A_365 : vector<1x16xf32> to vector<16xf32>
            %add3A_367 = arith.addf %add3A_293, %get3A_366 : vector<16xf32>
            %mul3A_368 = arith.constant 4 : i32
            %mul3A_369 = arith.muli %mul3A_368, %scan3A_340 : i32
            %add3A_370 = arith.constant 1 : i32
            %add3A_371 = arith.addi %mul3A_369, %add3A_370 : i32
            %get3A_372 = arith.index_cast %add3A_371 : i32 to index
            %get3A_373 = arith.constant 16 : index
            %get3A_374 = tpu.vector_load %arg8[%get3A_372, %get3A_373] {strides = array<i32>} : memref<200x32xf32, #tpu.memory_space<vmem>>, vector<1x16xf32>,
            %get3A_375 = vector.shape_cast %get3A_374 : vector<1x16xf32> to vector<16xf32>
            %add3A_376 = arith.addf %add3A_302, %get3A_375 : vector<16xf32>
            %mul3A_377 = arith.constant 4 : i32
            %mul3A_378 = arith.muli %mul3A_377, %scan3A_340 : i32
            %add3A_379 = arith.constant 2 : i32
            %add3A_380 = arith.addi %mul3A_378, %add3A_379 : i32
            %get3A_381 = arith.index_cast %add3A_380 : i32 to index
            %get3A_382 = arith.constant 0 : index
            %get3A_383 = tpu.vector_load %arg8[%get3A_381, %get3A_382] {strides = array<i32>} : memref<200x32xf32, #tpu.memory_space<vmem>>, vector<1x16xf32>,
            %get3A_384 = vector.shape_cast %get3A_383 : vector<1x16xf32> to vector<16xf32>
            %add3A_385 = arith.addf %add3A_311, %get3A_384 : vector<16xf32>
            %mul3A_386 = arith.constant 4 : i32
            %mul3A_387 = arith.muli %mul3A_386, %scan3A_340 : i32
            %add3A_388 = arith.constant 2 : i32
            %add3A_389 = arith.addi %mul3A_387, %add3A_388 : i32
            %get3A_390 = arith.index_cast %add3A_389 : i32 to index
            %get3A_391 = arith.constant 16 : index
            %get3A_392 = tpu.vector_load %arg8[%get3A_390, %get3A_391] {strides = array<i32>} : memref<200x32xf32, #tpu.memory_space<vmem>>, vector<1x16xf32>,
            %get3A_393 = vector.shape_cast %get3A_392 : vector<1x16xf32> to vector<16xf32>
            %add3A_394 = arith.addf %add3A_320, %get3A_393 : vector<16xf32>
            %mul3A_395 = arith.constant 4 : i32
            %mul3A_396 = arith.muli %mul3A_395, %scan3A_340 : i32
            %add3A_397 = arith.constant 3 : i32
            %add3A_398 = arith.addi %mul3A_396, %add3A_397 : i32
            %get3A_399 = arith.index_cast %add3A_398 : i32 to index
            %get3A_400 = arith.constant 0 : index
            %get3A_401 = tpu.vector_load %arg8[%get3A_399, %get3A_400] {strides = array<i32>} : memref<200x32xf32, #tpu.memory_space<vmem>>, vector<1x16xf32>,
            %get3A_402 = vector.shape_cast %get3A_401 : vector<1x16xf32> to vector<16xf32>
            %add3A_403 = arith.addf %add3A_329, %get3A_402 : vector<16xf32>
            %mul3A_404 = arith.constant 4 : i32
            %mul3A_405 = arith.muli %mul3A_404, %scan3A_340 : i32
            %add3A_406 = arith.constant 3 : i32
            %add3A_407 = arith.addi %mul3A_405, %add3A_406 : i32
            %get3A_408 = arith.index_cast %add3A_407 : i32 to index
            %get3A_409 = arith.constant 16 : index
            %get3A_410 = tpu.vector_load %arg8[%get3A_408, %get3A_409] {strides = array<i32>} : memref<200x32xf32, #tpu.memory_space<vmem>>, vector<1x16xf32>,
            %get3A_411 = vector.shape_cast %get3A_410 : vector<1x16xf32> to vector<16xf32>
            %add3A_412 = arith.addf %add3A_338, %get3A_411 : vector<16xf32>
            %scan3A_413 = arith.constant 2 : i32
            %scan3A_414 = arith.addi %scan3A_258, %scan3A_413 : i32
            %mul3A_415 = arith.constant 4 : i32
            %mul3A_416 = arith.muli %mul3A_415, %scan3A_414 : i32
            %add3A_417 = arith.constant 0 : i32
            %add3A_418 = arith.addi %mul3A_416, %add3A_417 : i32
            %get3A_419 = arith.index_cast %add3A_418 : i32 to index
            %get3A_420 = arith.constant 0 : index
            %get3A_421 = tpu.vector_load %arg8[%get3A_419, %get3A_420] {strides = array<i32>} : memref<200x32xf32, #tpu.memory_space<vmem>>, vector<1x16xf32>,
            %get3A_422 = vector.shape_cast %get3A_421 : vector<1x16xf32> to vector<16xf32>
            %add3A_423 = arith.addf %add3A_349, %get3A_422 : vector<16xf32>
            %mul3A_424 = arith.constant 4 : i32
            %mul3A_425 = arith.muli %mul3A_424, %scan3A_414 : i32
            %add3A_426 = arith.constant 0 : i32
            %add3A_427 = arith.addi %mul3A_425, %add3A_426 : i32
            %get3A_428 = arith.index_cast %add3A_427 : i32 to index
            %get3A_429 = arith.constant 16 : index
            %get3A_430 = tpu.vector_load %arg8[%get3A_428, %get3A_429] {strides = array<i32>} : memref<200x32xf32, #tpu.memory_space<vmem>>, vector<1x16xf32>,
            %get3A_431 = vector.shape_cast %get3A_430 : vector<1x16xf32> to vector<16xf32>
            %add3A_432 = arith.addf %add3A_358, %get3A_431 : vector<16xf32>
            %mul3A_433 = arith.constant 4 : i32
            %mul3A_434 = arith.muli %mul3A_433, %scan3A_414 : i32
            %add3A_435 = arith.constant 1 : i32
            %add3A_436 = arith.addi %mul3A_434, %add3A_435 : i32
            %get3A_437 = arith.index_cast %add3A_436 : i32 to index
            %get3A_438 = arith.constant 0 : index
            %get3A_439 = tpu.vector_load %arg8[%get3A_437, %get3A_438] {strides = array<i32>} : memref<200x32xf32, #tpu.memory_space<vmem>>, vector<1x16xf32>,
            %get3A_440 = vector.shape_cast %get3A_439 : vector<1x16xf32> to vector<16xf32>
            %add3A_441 = arith.addf %add3A_367, %get3A_440 : vector<16xf32>
            %mul3A_442 = arith.constant 4 : i32
            %mul3A_443 = arith.muli %mul3A_442, %scan3A_414 : i32
            %add3A_444 = arith.constant 1 : i32
            %add3A_445 = arith.addi %mul3A_443, %add3A_444 : i32
            %get3A_446 = arith.index_cast %add3A_445 : i32 to index
            %get3A_447 = arith.constant 16 : index
            %get3A_448 = tpu.vector_load %arg8[%get3A_446, %get3A_447] {strides = array<i32>} : memref<200x32xf32, #tpu.memory_space<vmem>>, vector<1x16xf32>,
            %get3A_449 = vector.shape_cast %get3A_448 : vector<1x16xf32> to vector<16xf32>
            %add3A_450 = arith.addf %add3A_376, %get3A_449 : vector<16xf32>
            %mul3A_451 = arith.constant 4 : i32
            %mul3A_452 = arith.muli %mul3A_451, %scan3A_414 : i32
            %add3A_453 = arith.constant 2 : i32
            %add3A_454 = arith.addi %mul3A_452, %add3A_453 : i32
            %get3A_455 = arith.index_cast %add3A_454 : i32 to index
            %get3A_456 = arith.constant 0 : index
            %get3A_457 = tpu.vector_load %arg8[%get3A_455, %get3A_456] {strides = array<i32>} : memref<200x32xf32, #tpu.memory_space<vmem>>, vector<1x16xf32>,
            %get3A_458 = vector.shape_cast %get3A_457 : vector<1x16xf32> to vector<16xf32>
            %add3A_459 = arith.addf %add3A_385, %get3A_458 : vector<16xf32>
            %mul3A_460 = arith.constant 4 : i32
            %mul3A_461 = arith.muli %mul3A_460, %scan3A_414 : i32
            %add3A_462 = arith.constant 2 : i32
            %add3A_463 = arith.addi %mul3A_461, %add3A_462 : i32
            %get3A_464 = arith.index_cast %add3A_463 : i32 to index
            %get3A_465 = arith.constant 16 : index
            %get3A_466 = tpu.vector_load %arg8[%get3A_464, %get3A_465] {strides = array<i32>} : memref<200x32xf32, #tpu.memory_space<vmem>>, vector<1x16xf32>,
            %get3A_467 = vector.shape_cast %get3A_466 : vector<1x16xf32> to vector<16xf32>
            %add3A_468 = arith.addf %add3A_394, %get3A_467 : vector<16xf32>
            %mul3A_469 = arith.constant 4 : i32
            %mul3A_470 = arith.muli %mul3A_469, %scan3A_414 : i32
            %add3A_471 = arith.constant 3 : i32
            %add3A_472 = arith.addi %mul3A_470, %add3A_471 : i32
            %get3A_473 = arith.index_cast %add3A_472 : i32 to index
            %get3A_474 = arith.constant 0 : index
            %get3A_475 = tpu.vector_load %arg8[%get3A_473, %get3A_474] {strides = array<i32>} : memref<200x32xf32, #tpu.memory_space<vmem>>, vector<1x16xf32>,
            %get3A_476 = vector.shape_cast %get3A_475 : vector<1x16xf32> to vector<16xf32>
            %add3A_477 = arith.addf %add3A_403, %get3A_476 : vector<16xf32>
            %mul3A_478 = arith.constant 4 : i32
            %mul3A_479 = arith.muli %mul3A_478, %scan3A_414 : i32
            %add3A_480 = arith.constant 3 : i32
            %add3A_481 = arith.addi %mul3A_479, %add3A_480 : i32
            %get3A_482 = arith.index_cast %add3A_481 : i32 to index
            %get3A_483 = arith.constant 16 : index
            %get3A_484 = tpu.vector_load %arg8[%get3A_482, %get3A_483] {strides = array<i32>} : memref<200x32xf32, #tpu.memory_space<vmem>>, vector<1x16xf32>,
            %get3A_485 = vector.shape_cast %get3A_484 : vector<1x16xf32> to vector<16xf32>
            %add3A_486 = arith.addf %add3A_412, %get3A_485 : vector<16xf32>
            %scan3A_487 = arith.constant 3 : i32
            %scan3A_488 = arith.addi %scan3A_258, %scan3A_487 : i32
            %mul3A_489 = arith.constant 4 : i32
            %mul3A_490 = arith.muli %mul3A_489, %scan3A_488 : i32
            %add3A_491 = arith.constant 0 : i32
            %add3A_492 = arith.addi %mul3A_490, %add3A_491 : i32
            %get3A_493 = arith.index_cast %add3A_492 : i32 to index
            %get3A_494 = arith.constant 0 : index
            %get3A_495 = tpu.vector_load %arg8[%get3A_493, %get3A_494] {strides = array<i32>} : memref<200x32xf32, #tpu.memory_space<vmem>>, vector<1x16xf32>,
            %get3A_496 = vector.shape_cast %get3A_495 : vector<1x16xf32> to vector<16xf32>
            %add3A_497 = arith.addf %add3A_423, %get3A_496 : vector<16xf32>
            %mul3A_498 = arith.constant 4 : i32
            %mul3A_499 = arith.muli %mul3A_498, %scan3A_488 : i32
            %add3A_500 = arith.constant 0 : i32
            %add3A_501 = arith.addi %mul3A_499, %add3A_500 : i32
            %get3A_502 = arith.index_cast %add3A_501 : i32 to index
            %get3A_503 = arith.constant 16 : index
            %get3A_504 = tpu.vector_load %arg8[%get3A_502, %get3A_503] {strides = array<i32>} : memref<200x32xf32, #tpu.memory_space<vmem>>, vector<1x16xf32>,
            %get3A_505 = vector.shape_cast %get3A_504 : vector<1x16xf32> to vector<16xf32>
            %add3A_506 = arith.addf %add3A_432, %get3A_505 : vector<16xf32>
            %mul3A_507 = arith.constant 4 : i32
            %mul3A_508 = arith.muli %mul3A_507, %scan3A_488 : i32
            %add3A_509 = arith.constant 1 : i32
            %add3A_510 = arith.addi %mul3A_508, %add3A_509 : i32
            %get3A_511 = arith.index_cast %add3A_510 : i32 to index
            %get3A_512 = arith.constant 0 : index
            %get3A_513 = tpu.vector_load %arg8[%get3A_511, %get3A_512] {strides = array<i32>} : memref<200x32xf32, #tpu.memory_space<vmem>>, vector<1x16xf32>,
            %get3A_514 = vector.shape_cast %get3A_513 : vector<1x16xf32> to vector<16xf32>
            %add3A_515 = arith.addf %add3A_441, %get3A_514 : vector<16xf32>
            %mul3A_516 = arith.constant 4 : i32
            %mul3A_517 = arith.muli %mul3A_516, %scan3A_488 : i32
            %add3A_518 = arith.constant 1 : i32
            %add3A_519 = arith.addi %mul3A_517, %add3A_518 : i32
            %get3A_520 = arith.index_cast %add3A_519 : i32 to index
            %get3A_521 = arith.constant 16 : index
            %get3A_522 = tpu.vector_load %arg8[%get3A_520, %get3A_521] {strides = array<i32>} : memref<200x32xf32, #tpu.memory_space<vmem>>, vector<1x16xf32>,
            %get3A_523 = vector.shape_cast %get3A_522 : vector<1x16xf32> to vector<16xf32>
            %add3A_524 = arith.addf %add3A_450, %get3A_523 : vector<16xf32>
            %mul3A_525 = arith.constant 4 : i32
            %mul3A_526 = arith.muli %mul3A_525, %scan3A_488 : i32
            %add3A_527 = arith.constant 2 : i32
            %add3A_528 = arith.addi %mul3A_526, %add3A_527 : i32
            %get3A_529 = arith.index_cast %add3A_528 : i32 to index
            %get3A_530 = arith.constant 0 : index
            %get3A_531 = tpu.vector_load %arg8[%get3A_529, %get3A_530] {strides = array<i32>} : memref<200x32xf32, #tpu.memory_space<vmem>>, vector<1x16xf32>,
            %get3A_532 = vector.shape_cast %get3A_531 : vector<1x16xf32> to vector<16xf32>
            %add3A_533 = arith.addf %add3A_459, %get3A_532 : vector<16xf32>
            %mul3A_534 = arith.constant 4 : i32
            %mul3A_535 = arith.muli %mul3A_534, %scan3A_488 : i32
            %add3A_536 = arith.constant 2 : i32
            %add3A_537 = arith.addi %mul3A_535, %add3A_536 : i32
            %get3A_538 = arith.index_cast %add3A_537 : i32 to index
            %get3A_539 = arith.constant 16 : index
            %get3A_540 = tpu.vector_load %arg8[%get3A_538, %get3A_539] {strides = array<i32>} : memref<200x32xf32, #tpu.memory_space<vmem>>, vector<1x16xf32>,
            %get3A_541 = vector.shape_cast %get3A_540 : vector<1x16xf32> to vector<16xf32>
            %add3A_542 = arith.addf %add3A_468, %get3A_541 : vector<16xf32>
            %mul3A_543 = arith.constant 4 : i32
            %mul3A_544 = arith.muli %mul3A_543, %scan3A_488 : i32
            %add3A_545 = arith.constant 3 : i32
            %add3A_546 = arith.addi %mul3A_544, %add3A_545 : i32
            %get3A_547 = arith.index_cast %add3A_546 : i32 to index
            %get3A_548 = arith.constant 0 : index
            %get3A_549 = tpu.vector_load %arg8[%get3A_547, %get3A_548] {strides = array<i32>} : memref<200x32xf32, #tpu.memory_space<vmem>>, vector<1x16xf32>,
            %get3A_550 = vector.shape_cast %get3A_549 : vector<1x16xf32> to vector<16xf32>
            %add3A_551 = arith.addf %add3A_477, %get3A_550 : vector<16xf32>
            %mul3A_552 = arith.constant 4 : i32
            %mul3A_553 = arith.muli %mul3A_552, %scan3A_488 : i32
            %add3A_554 = arith.constant 3 : i32
            %add3A_555 = arith.addi %mul3A_553, %add3A_554 : i32
            %get3A_556 = arith.index_cast %add3A_555 : i32 to index
            %get3A_557 = arith.constant 16 : index
            %get3A_558 = tpu.vector_load %arg8[%get3A_556, %get3A_557] {strides = array<i32>} : memref<200x32xf32, #tpu.memory_space<vmem>>, vector<1x16xf32>,
            %get3A_559 = vector.shape_cast %get3A_558 : vector<1x16xf32> to vector<16xf32>
            %add3A_560 = arith.addf %add3A_486, %get3A_559 : vector<16xf32>
            %scan3A_561 = arith.constant 4 : i32
            %scan3A_562 = arith.addi %scan3A_258, %scan3A_561 : i32
            %mul3A_563 = arith.constant 4 : i32
            %mul3A_564 = arith.muli %mul3A_563, %scan3A_562 : i32
            %add3A_565 = arith.constant 0 : i32
            %add3A_566 = arith.addi %mul3A_564, %add3A_565 : i32
            %get3A_567 = arith.index_cast %add3A_566 : i32 to index
            %get3A_568 = arith.constant 0 : index
            %get3A_569 = tpu.vector_load %arg8[%get3A_567, %get3A_568] {strides = array<i32>} : memref<200x32xf32, #tpu.memory_space<vmem>>, vector<1x16xf32>,
            %get3A_570 = vector.shape_cast %get3A_569 : vector<1x16xf32> to vector<16xf32>
            %add3A_571 = arith.addf %add3A_497, %get3A_570 : vector<16xf32>
            %mul3A_572 = arith.constant 4 : i32
            %mul3A_573 = arith.muli %mul3A_572, %scan3A_562 : i32
            %add3A_574 = arith.constant 0 : i32
            %add3A_575 = arith.addi %mul3A_573, %add3A_574 : i32
            %get3A_576 = arith.index_cast %add3A_575 : i32 to index
            %get3A_577 = arith.constant 16 : index
            %get3A_578 = tpu.vector_load %arg8[%get3A_576, %get3A_577] {strides = array<i32>} : memref<200x32xf32, #tpu.memory_space<vmem>>, vector<1x16xf32>,
            %get3A_579 = vector.shape_cast %get3A_578 : vector<1x16xf32> to vector<16xf32>
            %add3A_580 = arith.addf %add3A_506, %get3A_579 : vector<16xf32>
            %mul3A_581 = arith.constant 4 : i32
            %mul3A_582 = arith.muli %mul3A_581, %scan3A_562 : i32
            %add3A_583 = arith.constant 1 : i32
            %add3A_584 = arith.addi %mul3A_582, %add3A_583 : i32
            %get3A_585 = arith.index_cast %add3A_584 : i32 to index
            %get3A_586 = arith.constant 0 : index
            %get3A_587 = tpu.vector_load %arg8[%get3A_585, %get3A_586] {strides = array<i32>} : memref<200x32xf32, #tpu.memory_space<vmem>>, vector<1x16xf32>,
            %get3A_588 = vector.shape_cast %get3A_587 : vector<1x16xf32> to vector<16xf32>
            %add3A_589 = arith.addf %add3A_515, %get3A_588 : vector<16xf32>
            %mul3A_590 = arith.constant 4 : i32
            %mul3A_591 = arith.muli %mul3A_590, %scan3A_562 : i32
            %add3A_592 = arith.constant 1 : i32
            %add3A_593 = arith.addi %mul3A_591, %add3A_592 : i32
            %get3A_594 = arith.index_cast %add3A_593 : i32 to index
            %get3A_595 = arith.constant 16 : index
            %get3A_596 = tpu.vector_load %arg8[%get3A_594, %get3A_595] {strides = array<i32>} : memref<200x32xf32, #tpu.memory_space<vmem>>, vector<1x16xf32>,
            %get3A_597 = vector.shape_cast %get3A_596 : vector<1x16xf32> to vector<16xf32>
            %add3A_598 = arith.addf %add3A_524, %get3A_597 : vector<16xf32>
            %mul3A_599 = arith.constant 4 : i32
            %mul3A_600 = arith.muli %mul3A_599, %scan3A_562 : i32
            %add3A_601 = arith.constant 2 : i32
            %add3A_602 = arith.addi %mul3A_600, %add3A_601 : i32
            %get3A_603 = arith.index_cast %add3A_602 : i32 to index
            %get3A_604 = arith.constant 0 : index
            %get3A_605 = tpu.vector_load %arg8[%get3A_603, %get3A_604] {strides = array<i32>} : memref<200x32xf32, #tpu.memory_space<vmem>>, vector<1x16xf32>,
            %get3A_606 = vector.shape_cast %get3A_605 : vector<1x16xf32> to vector<16xf32>
            %add3A_607 = arith.addf %add3A_533, %get3A_606 : vector<16xf32>
            %mul3A_608 = arith.constant 4 : i32
            %mul3A_609 = arith.muli %mul3A_608, %scan3A_562 : i32
            %add3A_610 = arith.constant 2 : i32
            %add3A_611 = arith.addi %mul3A_609, %add3A_610 : i32
            %get3A_612 = arith.index_cast %add3A_611 : i32 to index
            %get3A_613 = arith.constant 16 : index
            %get3A_614 = tpu.vector_load %arg8[%get3A_612, %get3A_613] {strides = array<i32>} : memref<200x32xf32, #tpu.memory_space<vmem>>, vector<1x16xf32>,
            %get3A_615 = vector.shape_cast %get3A_614 : vector<1x16xf32> to vector<16xf32>
            %add3A_616 = arith.addf %add3A_542, %get3A_615 : vector<16xf32>
            %mul3A_617 = arith.constant 4 : i32
            %mul3A_618 = arith.muli %mul3A_617, %scan3A_562 : i32
            %add3A_619 = arith.constant 3 : i32
            %add3A_620 = arith.addi %mul3A_618, %add3A_619 : i32
            %get3A_621 = arith.index_cast %add3A_620 : i32 to index
            %get3A_622 = arith.constant 0 : index
            %get3A_623 = tpu.vector_load %arg8[%get3A_621, %get3A_622] {strides = array<i32>} : memref<200x32xf32, #tpu.memory_space<vmem>>, vector<1x16xf32>,
            %get3A_624 = vector.shape_cast %get3A_623 : vector<1x16xf32> to vector<16xf32>
            %add3A_625 = arith.addf %add3A_551, %get3A_624 : vector<16xf32>
            %mul3A_626 = arith.constant 4 : i32
            %mul3A_627 = arith.muli %mul3A_626, %scan3A_562 : i32
            %add3A_628 = arith.constant 3 : i32
            %add3A_629 = arith.addi %mul3A_627, %add3A_628 : i32
            %get3A_630 = arith.index_cast %add3A_629 : i32 to index
            %get3A_631 = arith.constant 16 : index
            %get3A_632 = tpu.vector_load %arg8[%get3A_630, %get3A_631] {strides = array<i32>} : memref<200x32xf32, #tpu.memory_space<vmem>>, vector<1x16xf32>,
            %get3A_633 = vector.shape_cast %get3A_632 : vector<1x16xf32> to vector<16xf32>
            %add3A_634 = arith.addf %add3A_560, %get3A_633 : vector<16xf32>
            scf.yield %add3A_571, %add3A_589, %add3A_607, %add3A_625, %add3A_580, %add3A_598, %add3A_616, %add3A_634 : vector<16xf32>, vector<16xf32>, vector<16xf32>, vector<16xf32>, vector<16xf32>, vector<16xf32>, vector<16xf32>, vector<16xf32>
          }
          %scan3A_237 = arith.constant 50 : i32
          %add3A_238 = arith.addf %scan3A_236#0, %scan3A_236#1 : vector<16xf32>
          %add3A_239 = arith.addf %scan3A_236#2, %scan3A_236#3 : vector<16xf32>
          %add3A_240 = arith.addf %add3A_238, %add3A_239 : vector<16xf32>
          %mul3A_241 = arith.constant 32 : i32
          %mul3A_242 = arith.muli %sub3A_215, %mul3A_241 : i32
          %swap3A_243 = arith.index_cast %mul3A_242 : i32 to index
          %swap3A_244 = tpu.vector_load %arg9[%swap3A_243] {strides = array<i32>} : memref<4096xf32, #tpu.memory_space<vmem>>, vector<16xf32>,
          %swap3A_245 = vector.shape_cast %swap3A_244 : vector<16xf32> to vector<16xf32>
          %swap3A_246 = vector.shape_cast %add3A_240 : vector<16xf32> to vector<16xf32>
          tpu.vector_store %arg9[%swap3A_243], %swap3A_246 {strides = array<i32>} : memref<4096xf32, #tpu.memory_space<vmem>>, vector<16xf32>,
          %add3A_247 = arith.addf %scan3A_236#4, %scan3A_236#5 : vector<16xf32>
          %add3A_248 = arith.addf %scan3A_236#6, %scan3A_236#7 : vector<16xf32>
          %add3A_249 = arith.addf %add3A_247, %add3A_248 : vector<16xf32>
          %mul3A_250 = arith.constant 32 : i32
          %mul3A_251 = arith.muli %sub3A_215, %mul3A_250 : i32
          %add3A_252 = arith.constant 16 : i32
          %add3A_253 = arith.addi %mul3A_251, %add3A_252 : i32
          %swap3A_254 = arith.index_cast %add3A_253 : i32 to index
          %swap3A_255 = tpu.vector_load %arg9[%swap3A_254] {strides = array<i32>} : memref<4096xf32, #tpu.memory_space<vmem>>, vector<16xf32>,
          %swap3A_256 = vector.shape_cast %swap3A_255 : vector<16xf32> to vector<16xf32>
          %swap3A_257 = vector.shape_cast %add3A_249 : vector<16xf32> to vector<16xf32>
          tpu.vector_store %arg9[%swap3A_254], %swap3A_257 {strides = array<i32>} : memref<4096xf32, #tpu.memory_space<vmem>>, vector<16xf32>,
        } else {
        }
      } else {
        %add3A_67 = arith.addi %mul3A_2, %scan3A_61 : i32
        %mul3A_68 = arith.constant 200 : i32
        %mul3A_69 = arith.muli %add3A_67, %mul3A_68 : i32
        %dma_wait3A_70 = tpu.memref_slice %arg3[%mul3A_69] : memref<819200xi32, #tpu.memory_space<hbm>> -> memref<200xi32, #tpu.memory_space<hbm>>
        %dma_wait3A_71 = tpu.memref_slice %arg3[%mul3A_69] : memref<819200xi32, #tpu.memory_space<hbm>> -> memref<200xi32, #tpu.memory_space<hbm>>
        tpu.wait_dma2 semaphore(%arg13 : memref<!tpu.dma_semaphore, #tpu.memory_space<semaphore_mem>>) src(%dma_wait3A_71 : memref<200xi32, #tpu.memory_space<hbm>>) dst(%arg6 : memref<200xi32, #tpu.memory_space<vmem>>)
        %scan3A_72 = arith.constant 0 : i32
        %scan3A_73 = arith.constant 0 : i32
        %scan3A_74 = arith.constant 12 : i32
        %scan3A_75 = arith.addi %scan3A_73, %scan3A_74 : i32
        %scan3A_76 = arith.constant 1 : i32
        %scan3A_77 = scf.for %scan3A_209 = %scan3A_73 to %scan3A_75 step %scan3A_76 iter_args(%scan3A_210 = %scan3A_72) -> (i32)  : i32 {
          %mul3A_211 = arith.constant 16 : i32
          %mul3A_212 = arith.muli %scan3A_209, %mul3A_211 : i32
          %get3A_213 = arith.index_cast %mul3A_212 : i32 to index
          %get3A_214 = tpu.vector_load %arg6[%get3A_213] {strides = array<i32>} : memref<200xi32, #tpu.memory_space<vmem>>, vector<16xi32>,
          %get3A_215 = vector.shape_cast %get3A_214 : vector<16xi32> to vector<16xi32>
          %slice3A_216 = vector.extract_strided_slice %get3A_215 {offsets = [0], sizes = [1], strides = [1]} : vector<16xi32> to vector<1xi32>
          %squeeze3A_217 = vector.extract %slice3A_216[0] : i32 from vector<1xi32>
          %mul3A_218 = arith.constant 16 : i32
          %mul3A_219 = arith.muli %scan3A_209, %mul3A_218 : i32
          %add3A_220 = arith.constant 0 : i32
          %add3A_221 = arith.addi %mul3A_219, %add3A_220 : i32
          %dma_start3A_222 = arith.constant 0 : i32
          %dma_start3A_223 = tpu.memref_slice %arg8[%add3A_221, %dma_start3A_222] : memref<200x32xf32, #tpu.memory_space<vmem>> -> memref<1x32xf32, #tpu.memory_space<vmem>>
          %dma_start3A_224 = tpu.memref_squeeze %dma_start3A_223 : memref<1x32xf32, #tpu.memory_space<vmem>> -> memref<32xf32, #tpu.memory_space<vmem>>
          %dma_start3A_225 = arith.constant 0 : i32
          %dma_start3A_226 = tpu.memref_slice %arg2[%squeeze3A_217, %dma_start3A_225] : memref<1000000x32xf32, #tpu.memory_space<hbm>> -> memref<1x32xf32, #tpu.memory_space<hbm>>
          %dma_start3A_227 = tpu.memref_squeeze %dma_start3A_226 : memref<1x32xf32, #tpu.memory_space<hbm>> -> memref<32xf32, #tpu.memory_space<hbm>>
          %dma_start3A_228 = arith.constant 0 : i32
          %dma_start3A_229 = tpu.memref_slice %arg8[%add3A_221, %dma_start3A_228] : memref<200x32xf32, #tpu.memory_space<vmem>> -> memref<1x32xf32, #tpu.memory_space<vmem>>
          %dma_start3A_230 = tpu.memref_squeeze %dma_start3A_229 : memref<1x32xf32, #tpu.memory_space<vmem>> -> memref<32xf32, #tpu.memory_space<vmem>>
          %dma_start3A_231 = arith.constant 0 : i32
          %dma_start3A_232 = tpu.memref_slice %arg2[%squeeze3A_217, %dma_start3A_231] : memref<1000000x32xf32, #tpu.memory_space<hbm>> -> memref<1x32xf32, #tpu.memory_space<hbm>>
          %dma_start3A_233 = tpu.memref_squeeze %dma_start3A_232 : memref<1x32xf32, #tpu.memory_space<hbm>> -> memref<32xf32, #tpu.memory_space<hbm>>
          tpu.enqueue_dma source(%dma_start3A_233 : memref<32xf32, #tpu.memory_space<hbm>>) target(%dma_start3A_230 : memref<32xf32, #tpu.memory_space<vmem>>) target_semaphore(%arg11 : memref<!tpu.dma_semaphore, #tpu.memory_space<semaphore_mem>>)
          %slice3A_234 = vector.extract_strided_slice %get3A_215 {offsets = [1], sizes = [1], strides = [1]} : vector<16xi32> to vector<1xi32>
          %squeeze3A_235 = vector.extract %slice3A_234[0] : i32 from vector<1xi32>
          %mul3A_236 = arith.constant 16 : i32
          %mul3A_237 = arith.muli %scan3A_209, %mul3A_236 : i32
          %add3A_238 = arith.constant 1 : i32
          %add3A_239 = arith.addi %mul3A_237, %add3A_238 : i32
          %dma_start3A_240 = arith.constant 0 : i32
          %dma_start3A_241 = tpu.memref_slice %arg8[%add3A_239, %dma_start3A_240] : memref<200x32xf32, #tpu.memory_space<vmem>> -> memref<1x32xf32, #tpu.memory_space<vmem>>
          %dma_start3A_242 = tpu.memref_squeeze %dma_start3A_241 : memref<1x32xf32, #tpu.memory_space<vmem>> -> memref<32xf32, #tpu.memory_space<vmem>>
          %dma_start3A_243 = arith.constant 0 : i32
          %dma_start3A_244 = tpu.memref_slice %arg2[%squeeze3A_235, %dma_start3A_243] : memref<1000000x32xf32, #tpu.memory_space<hbm>> -> memref<1x32xf32, #tpu.memory_space<hbm>>
          %dma_start3A_245 = tpu.memref_squeeze %dma_start3A_244 : memref<1x32xf32, #tpu.memory_space<hbm>> -> memref<32xf32, #tpu.memory_space<hbm>>
          %dma_start3A_246 = arith.constant 0 : i32
          %dma_start3A_247 = tpu.memref_slice %arg8[%add3A_239, %dma_start3A_246] : memref<200x32xf32, #tpu.memory_space<vmem>> -> memref<1x32xf32, #tpu.memory_space<vmem>>
          %dma_start3A_248 = tpu.memref_squeeze %dma_start3A_247 : memref<1x32xf32, #tpu.memory_space<vmem>> -> memref<32xf32, #tpu.memory_space<vmem>>
          %dma_start3A_249 = arith.constant 0 : i32
          %dma_start3A_250 = tpu.memref_slice %arg2[%squeeze3A_235, %dma_start3A_249] : memref<1000000x32xf32, #tpu.memory_space<hbm>> -> memref<1x32xf32, #tpu.memory_space<hbm>>
          %dma_start3A_251 = tpu.memref_squeeze %dma_start3A_250 : memref<1x32xf32, #tpu.memory_space<hbm>> -> memref<32xf32, #tpu.memory_space<hbm>>
          tpu.enqueue_dma source(%dma_start3A_251 : memref<32xf32, #tpu.memory_space<hbm>>) target(%dma_start3A_248 : memref<32xf32, #tpu.memory_space<vmem>>) target_semaphore(%arg11 : memref<!tpu.dma_semaphore, #tpu.memory_space<semaphore_mem>>)
          %slice3A_252 = vector.extract_strided_slice %get3A_215 {offsets = [2], sizes = [1], strides = [1]} : vector<16xi32> to vector<1xi32>
          %squeeze3A_253 = vector.extract %slice3A_252[0] : i32 from vector<1xi32>
          %mul3A_254 = arith.constant 16 : i32
          %mul3A_255 = arith.muli %scan3A_209, %mul3A_254 : i32
          %add3A_256 = arith.constant 2 : i32
          %add3A_257 = arith.addi %mul3A_255, %add3A_256 : i32
          %dma_start3A_258 = arith.constant 0 : i32
          %dma_start3A_259 = tpu.memref_slice %arg8[%add3A_257, %dma_start3A_258] : memref<200x32xf32, #tpu.memory_space<vmem>> -> memref<1x32xf32, #tpu.memory_space<vmem>>
          %dma_start3A_260 = tpu.memref_squeeze %dma_start3A_259 : memref<1x32xf32, #tpu.memory_space<vmem>> -> memref<32xf32, #tpu.memory_space<vmem>>
          %dma_start3A_261 = arith.constant 0 : i32
          %dma_start3A_262 = tpu.memref_slice %arg2[%squeeze3A_253, %dma_start3A_261] : memref<1000000x32xf32, #tpu.memory_space<hbm>> -> memref<1x32xf32, #tpu.memory_space<hbm>>
          %dma_start3A_263 = tpu.memref_squeeze %dma_start3A_262 : memref<1x32xf32, #tpu.memory_space<hbm>> -> memref<32xf32, #tpu.memory_space<hbm>>
          %dma_start3A_264 = arith.constant 0 : i32
          %dma_start3A_265 = tpu.memref_slice %arg8[%add3A_257, %dma_start3A_264] : memref<200x32xf32, #tpu.memory_space<vmem>> -> memref<1x32xf32, #tpu.memory_space<vmem>>
          %dma_start3A_266 = tpu.memref_squeeze %dma_start3A_265 : memref<1x32xf32, #tpu.memory_space<vmem>> -> memref<32xf32, #tpu.memory_space<vmem>>
          %dma_start3A_267 = arith.constant 0 : i32
          %dma_start3A_268 = tpu.memref_slice %arg2[%squeeze3A_253, %dma_start3A_267] : memref<1000000x32xf32, #tpu.memory_space<hbm>> -> memref<1x32xf32, #tpu.memory_space<hbm>>
          %dma_start3A_269 = tpu.memref_squeeze %dma_start3A_268 : memref<1x32xf32, #tpu.memory_space<hbm>> -> memref<32xf32, #tpu.memory_space<hbm>>
          tpu.enqueue_dma source(%dma_start3A_269 : memref<32xf32, #tpu.memory_space<hbm>>) target(%dma_start3A_266 : memref<32xf32, #tpu.memory_space<vmem>>) target_semaphore(%arg11 : memref<!tpu.dma_semaphore, #tpu.memory_space<semaphore_mem>>)
          %slice3A_270 = vector.extract_strided_slice %get3A_215 {offsets = [3], sizes = [1], strides = [1]} : vector<16xi32> to vector<1xi32>
          %squeeze3A_271 = vector.extract %slice3A_270[0] : i32 from vector<1xi32>
          %mul3A_272 = arith.constant 16 : i32
          %mul3A_273 = arith.muli %scan3A_209, %mul3A_272 : i32
          %add3A_274 = arith.constant 3 : i32
          %add3A_275 = arith.addi %mul3A_273, %add3A_274 : i32
          %dma_start3A_276 = arith.constant 0 : i32
          %dma_start3A_277 = tpu.memref_slice %arg8[%add3A_275, %dma_start3A_276] : memref<200x32xf32, #tpu.memory_space<vmem>> -> memref<1x32xf32, #tpu.memory_space<vmem>>
          %dma_start3A_278 = tpu.memref_squeeze %dma_start3A_277 : memref<1x32xf32, #tpu.memory_space<vmem>> -> memref<32xf32, #tpu.memory_space<vmem>>
          %dma_start3A_279 = arith.constant 0 : i32
          %dma_start3A_280 = tpu.memref_slice %arg2[%squeeze3A_271, %dma_start3A_279] : memref<1000000x32xf32, #tpu.memory_space<hbm>> -> memref<1x32xf32, #tpu.memory_space<hbm>>
          %dma_start3A_281 = tpu.memref_squeeze %dma_start3A_280 : memref<1x32xf32, #tpu.memory_space<hbm>> -> memref<32xf32, #tpu.memory_space<hbm>>
          %dma_start3A_282 = arith.constant 0 : i32
          %dma_start3A_283 = tpu.memref_slice %arg8[%add3A_275, %dma_start3A_282] : memref<200x32xf32, #tpu.memory_space<vmem>> -> memref<1x32xf32, #tpu.memory_space<vmem>>
          %dma_start3A_284 = tpu.memref_squeeze %dma_start3A_283 : memref<1x32xf32, #tpu.memory_space<vmem>> -> memref<32xf32, #tpu.memory_space<vmem>>
          %dma_start3A_285 = arith.constant 0 : i32
          %dma_start3A_286 = tpu.memref_slice %arg2[%squeeze3A_271, %dma_start3A_285] : memref<1000000x32xf32, #tpu.memory_space<hbm>> -> memref<1x32xf32, #tpu.memory_space<hbm>>
          %dma_start3A_287 = tpu.memref_squeeze %dma_start3A_286 : memref<1x32xf32, #tpu.memory_space<hbm>> -> memref<32xf32, #tpu.memory_space<hbm>>
          tpu.enqueue_dma source(%dma_start3A_287 : memref<32xf32, #tpu.memory_space<hbm>>) target(%dma_start3A_284 : memref<32xf32, #tpu.memory_space<vmem>>) target_semaphore(%arg11 : memref<!tpu.dma_semaphore, #tpu.memory_space<semaphore_mem>>)
          %slice3A_288 = vector.extract_strided_slice %get3A_215 {offsets = [4], sizes = [1], strides = [1]} : vector<16xi32> to vector<1xi32>
          %squeeze3A_289 = vector.extract %slice3A_288[0] : i32 from vector<1xi32>
          %mul3A_290 = arith.constant 16 : i32
          %mul3A_291 = arith.muli %scan3A_209, %mul3A_290 : i32
          %add3A_292 = arith.constant 4 : i32
          %add3A_293 = arith.addi %mul3A_291, %add3A_292 : i32
          %dma_start3A_294 = arith.constant 0 : i32
          %dma_start3A_295 = tpu.memref_slice %arg8[%add3A_293, %dma_start3A_294] : memref<200x32xf32, #tpu.memory_space<vmem>> -> memref<1x32xf32, #tpu.memory_space<vmem>>
          %dma_start3A_296 = tpu.memref_squeeze %dma_start3A_295 : memref<1x32xf32, #tpu.memory_space<vmem>> -> memref<32xf32, #tpu.memory_space<vmem>>
          %dma_start3A_297 = arith.constant 0 : i32
          %dma_start3A_298 = tpu.memref_slice %arg2[%squeeze3A_289, %dma_start3A_297] : memref<1000000x32xf32, #tpu.memory_space<hbm>> -> memref<1x32xf32, #tpu.memory_space<hbm>>
          %dma_start3A_299 = tpu.memref_squeeze %dma_start3A_298 : memref<1x32xf32, #tpu.memory_space<hbm>> -> memref<32xf32, #tpu.memory_space<hbm>>
          %dma_start3A_300 = arith.constant 0 : i32
          %dma_start3A_301 = tpu.memref_slice %arg8[%add3A_293, %dma_start3A_300] : memref<200x32xf32, #tpu.memory_space<vmem>> -> memref<1x32xf32, #tpu.memory_space<vmem>>
          %dma_start3A_302 = tpu.memref_squeeze %dma_start3A_301 : memref<1x32xf32, #tpu.memory_space<vmem>> -> memref<32xf32, #tpu.memory_space<vmem>>
          %dma_start3A_303 = arith.constant 0 : i32
          %dma_start3A_304 = tpu.memref_slice %arg2[%squeeze3A_289, %dma_start3A_303] : memref<1000000x32xf32, #tpu.memory_space<hbm>> -> memref<1x32xf32, #tpu.memory_space<hbm>>
          %dma_start3A_305 = tpu.memref_squeeze %dma_start3A_304 : memref<1x32xf32, #tpu.memory_space<hbm>> -> memref<32xf32, #tpu.memory_space<hbm>>
          tpu.enqueue_dma source(%dma_start3A_305 : memref<32xf32, #tpu.memory_space<hbm>>) target(%dma_start3A_302 : memref<32xf32, #tpu.memory_space<vmem>>) target_semaphore(%arg11 : memref<!tpu.dma_semaphore, #tpu.memory_space<semaphore_mem>>)
          %slice3A_306 = vector.extract_strided_slice %get3A_215 {offsets = [5], sizes = [1], strides = [1]} : vector<16xi32> to vector<1xi32>
          %squeeze3A_307 = vector.extract %slice3A_306[0] : i32 from vector<1xi32>
          %mul3A_308 = arith.constant 16 : i32
          %mul3A_309 = arith.muli %scan3A_209, %mul3A_308 : i32
          %add3A_310 = arith.constant 5 : i32
          %add3A_311 = arith.addi %mul3A_309, %add3A_310 : i32
          %dma_start3A_312 = arith.constant 0 : i32
          %dma_start3A_313 = tpu.memref_slice %arg8[%add3A_311, %dma_start3A_312] : memref<200x32xf32, #tpu.memory_space<vmem>> -> memref<1x32xf32, #tpu.memory_space<vmem>>
          %dma_start3A_314 = tpu.memref_squeeze %dma_start3A_313 : memref<1x32xf32, #tpu.memory_space<vmem>> -> memref<32xf32, #tpu.memory_space<vmem>>
          %dma_start3A_315 = arith.constant 0 : i32
          %dma_start3A_316 = tpu.memref_slice %arg2[%squeeze3A_307, %dma_start3A_315] : memref<1000000x32xf32, #tpu.memory_space<hbm>> -> memref<1x32xf32, #tpu.memory_space<hbm>>
          %dma_start3A_317 = tpu.memref_squeeze %dma_start3A_316 : memref<1x32xf32, #tpu.memory_space<hbm>> -> memref<32xf32, #tpu.memory_space<hbm>>
          %dma_start3A_318 = arith.constant 0 : i32
          %dma_start3A_319 = tpu.memref_slice %arg8[%add3A_311, %dma_start3A_318] : memref<200x32xf32, #tpu.memory_space<vmem>> -> memref<1x32xf32, #tpu.memory_space<vmem>>
          %dma_start3A_320 = tpu.memref_squeeze %dma_start3A_319 : memref<1x32xf32, #tpu.memory_space<vmem>> -> memref<32xf32, #tpu.memory_space<vmem>>
          %dma_start3A_321 = arith.constant 0 : i32
          %dma_start3A_322 = tpu.memref_slice %arg2[%squeeze3A_307, %dma_start3A_321] : memref<1000000x32xf32, #tpu.memory_space<hbm>> -> memref<1x32xf32, #tpu.memory_space<hbm>>
          %dma_start3A_323 = tpu.memref_squeeze %dma_start3A_322 : memref<1x32xf32, #tpu.memory_space<hbm>> -> memref<32xf32, #tpu.memory_space<hbm>>
          tpu.enqueue_dma source(%dma_start3A_323 : memref<32xf32, #tpu.memory_space<hbm>>) target(%dma_start3A_320 : memref<32xf32, #tpu.memory_space<vmem>>) target_semaphore(%arg11 : memref<!tpu.dma_semaphore, #tpu.memory_space<semaphore_mem>>)
          %slice3A_324 = vector.extract_strided_slice %get3A_215 {offsets = [6], sizes = [1], strides = [1]} : vector<16xi32> to vector<1xi32>
          %squeeze3A_325 = vector.extract %slice3A_324[0] : i32 from vector<1xi32>
          %mul3A_326 = arith.constant 16 : i32
          %mul3A_327 = arith.muli %scan3A_209, %mul3A_326 : i32
          %add3A_328 = arith.constant 6 : i32
          %add3A_329 = arith.addi %mul3A_327, %add3A_328 : i32
          %dma_start3A_330 = arith.constant 0 : i32
          %dma_start3A_331 = tpu.memref_slice %arg8[%add3A_329, %dma_start3A_330] : memref<200x32xf32, #tpu.memory_space<vmem>> -> memref<1x32xf32, #tpu.memory_space<vmem>>
          %dma_start3A_332 = tpu.memref_squeeze %dma_start3A_331 : memref<1x32xf32, #tpu.memory_space<vmem>> -> memref<32xf32, #tpu.memory_space<vmem>>
          %dma_start3A_333 = arith.constant 0 : i32
          %dma_start3A_334 = tpu.memref_slice %arg2[%squeeze3A_325, %dma_start3A_333] : memref<1000000x32xf32, #tpu.memory_space<hbm>> -> memref<1x32xf32, #tpu.memory_space<hbm>>
          %dma_start3A_335 = tpu.memref_squeeze %dma_start3A_334 : memref<1x32xf32, #tpu.memory_space<hbm>> -> memref<32xf32, #tpu.memory_space<hbm>>
          %dma_start3A_336 = arith.constant 0 : i32
          %dma_start3A_337 = tpu.memref_slice %arg8[%add3A_329, %dma_start3A_336] : memref<200x32xf32, #tpu.memory_space<vmem>> -> memref<1x32xf32, #tpu.memory_space<vmem>>
          %dma_start3A_338 = tpu.memref_squeeze %dma_start3A_337 : memref<1x32xf32, #tpu.memory_space<vmem>> -> memref<32xf32, #tpu.memory_space<vmem>>
          %dma_start3A_339 = arith.constant 0 : i32
          %dma_start3A_340 = tpu.memref_slice %arg2[%squeeze3A_325, %dma_start3A_339] : memref<1000000x32xf32, #tpu.memory_space<hbm>> -> memref<1x32xf32, #tpu.memory_space<hbm>>
          %dma_start3A_341 = tpu.memref_squeeze %dma_start3A_340 : memref<1x32xf32, #tpu.memory_space<hbm>> -> memref<32xf32, #tpu.memory_space<hbm>>
          tpu.enqueue_dma source(%dma_start3A_341 : memref<32xf32, #tpu.memory_space<hbm>>) target(%dma_start3A_338 : memref<32xf32, #tpu.memory_space<vmem>>) target_semaphore(%arg11 : memref<!tpu.dma_semaphore, #tpu.memory_space<semaphore_mem>>)
          %slice3A_342 = vector.extract_strided_slice %get3A_215 {offsets = [7], sizes = [1], strides = [1]} : vector<16xi32> to vector<1xi32>
          %squeeze3A_343 = vector.extract %slice3A_342[0] : i32 from vector<1xi32>
          %mul3A_344 = arith.constant 16 : i32
          %mul3A_345 = arith.muli %scan3A_209, %mul3A_344 : i32
          %add3A_346 = arith.constant 7 : i32
          %add3A_347 = arith.addi %mul3A_345, %add3A_346 : i32
          %dma_start3A_348 = arith.constant 0 : i32
          %dma_start3A_349 = tpu.memref_slice %arg8[%add3A_347, %dma_start3A_348] : memref<200x32xf32, #tpu.memory_space<vmem>> -> memref<1x32xf32, #tpu.memory_space<vmem>>
          %dma_start3A_350 = tpu.memref_squeeze %dma_start3A_349 : memref<1x32xf32, #tpu.memory_space<vmem>> -> memref<32xf32, #tpu.memory_space<vmem>>
          %dma_start3A_351 = arith.constant 0 : i32
          %dma_start3A_352 = tpu.memref_slice %arg2[%squeeze3A_343, %dma_start3A_351] : memref<1000000x32xf32, #tpu.memory_space<hbm>> -> memref<1x32xf32, #tpu.memory_space<hbm>>
          %dma_start3A_353 = tpu.memref_squeeze %dma_start3A_352 : memref<1x32xf32, #tpu.memory_space<hbm>> -> memref<32xf32, #tpu.memory_space<hbm>>
          %dma_start3A_354 = arith.constant 0 : i32
          %dma_start3A_355 = tpu.memref_slice %arg8[%add3A_347, %dma_start3A_354] : memref<200x32xf32, #tpu.memory_space<vmem>> -> memref<1x32xf32, #tpu.memory_space<vmem>>
          %dma_start3A_356 = tpu.memref_squeeze %dma_start3A_355 : memref<1x32xf32, #tpu.memory_space<vmem>> -> memref<32xf32, #tpu.memory_space<vmem>>
          %dma_start3A_357 = arith.constant 0 : i32
          %dma_start3A_358 = tpu.memref_slice %arg2[%squeeze3A_343, %dma_start3A_357] : memref<1000000x32xf32, #tpu.memory_space<hbm>> -> memref<1x32xf32, #tpu.memory_space<hbm>>
          %dma_start3A_359 = tpu.memref_squeeze %dma_start3A_358 : memref<1x32xf32, #tpu.memory_space<hbm>> -> memref<32xf32, #tpu.memory_space<hbm>>
          tpu.enqueue_dma source(%dma_start3A_359 : memref<32xf32, #tpu.memory_space<hbm>>) target(%dma_start3A_356 : memref<32xf32, #tpu.memory_space<vmem>>) target_semaphore(%arg11 : memref<!tpu.dma_semaphore, #tpu.memory_space<semaphore_mem>>)
          %slice3A_360 = vector.extract_strided_slice %get3A_215 {offsets = [8], sizes = [1], strides = [1]} : vector<16xi32> to vector<1xi32>
          %squeeze3A_361 = vector.extract %slice3A_360[0] : i32 from vector<1xi32>
          %mul3A_362 = arith.constant 16 : i32
          %mul3A_363 = arith.muli %scan3A_209, %mul3A_362 : i32
          %add3A_364 = arith.constant 8 : i32
          %add3A_365 = arith.addi %mul3A_363, %add3A_364 : i32
          %dma_start3A_366 = arith.constant 0 : i32
          %dma_start3A_367 = tpu.memref_slice %arg8[%add3A_365, %dma_start3A_366] : memref<200x32xf32, #tpu.memory_space<vmem>> -> memref<1x32xf32, #tpu.memory_space<vmem>>
          %dma_start3A_368 = tpu.memref_squeeze %dma_start3A_367 : memref<1x32xf32, #tpu.memory_space<vmem>> -> memref<32xf32, #tpu.memory_space<vmem>>
          %dma_start3A_369 = arith.constant 0 : i32
          %dma_start3A_370 = tpu.memref_slice %arg2[%squeeze3A_361, %dma_start3A_369] : memref<1000000x32xf32, #tpu.memory_space<hbm>> -> memref<1x32xf32, #tpu.memory_space<hbm>>
          %dma_start3A_371 = tpu.memref_squeeze %dma_start3A_370 : memref<1x32xf32, #tpu.memory_space<hbm>> -> memref<32xf32, #tpu.memory_space<hbm>>
          %dma_start3A_372 = arith.constant 0 : i32
          %dma_start3A_373 = tpu.memref_slice %arg8[%add3A_365, %dma_start3A_372] : memref<200x32xf32, #tpu.memory_space<vmem>> -> memref<1x32xf32, #tpu.memory_space<vmem>>
          %dma_start3A_374 = tpu.memref_squeeze %dma_start3A_373 : memref<1x32xf32, #tpu.memory_space<vmem>> -> memref<32xf32, #tpu.memory_space<vmem>>
          %dma_start3A_375 = arith.constant 0 : i32
          %dma_start3A_376 = tpu.memref_slice %arg2[%squeeze3A_361, %dma_start3A_375] : memref<1000000x32xf32, #tpu.memory_space<hbm>> -> memref<1x32xf32, #tpu.memory_space<hbm>>
          %dma_start3A_377 = tpu.memref_squeeze %dma_start3A_376 : memref<1x32xf32, #tpu.memory_space<hbm>> -> memref<32xf32, #tpu.memory_space<hbm>>
          tpu.enqueue_dma source(%dma_start3A_377 : memref<32xf32, #tpu.memory_space<hbm>>) target(%dma_start3A_374 : memref<32xf32, #tpu.memory_space<vmem>>) target_semaphore(%arg11 : memref<!tpu.dma_semaphore, #tpu.memory_space<semaphore_mem>>)
          %slice3A_378 = vector.extract_strided_slice %get3A_215 {offsets = [9], sizes = [1], strides = [1]} : vector<16xi32> to vector<1xi32>
          %squeeze3A_379 = vector.extract %slice3A_378[0] : i32 from vector<1xi32>
          %mul3A_380 = arith.constant 16 : i32
          %mul3A_381 = arith.muli %scan3A_209, %mul3A_380 : i32
          %add3A_382 = arith.constant 9 : i32
          %add3A_383 = arith.addi %mul3A_381, %add3A_382 : i32
          %dma_start3A_384 = arith.constant 0 : i32
          %dma_start3A_385 = tpu.memref_slice %arg8[%add3A_383, %dma_start3A_384] : memref<200x32xf32, #tpu.memory_space<vmem>> -> memref<1x32xf32, #tpu.memory_space<vmem>>
          %dma_start3A_386 = tpu.memref_squeeze %dma_start3A_385 : memref<1x32xf32, #tpu.memory_space<vmem>> -> memref<32xf32, #tpu.memory_space<vmem>>
          %dma_start3A_387 = arith.constant 0 : i32
          %dma_start3A_388 = tpu.memref_slice %arg2[%squeeze3A_379, %dma_start3A_387] : memref<1000000x32xf32, #tpu.memory_space<hbm>> -> memref<1x32xf32, #tpu.memory_space<hbm>>
          %dma_start3A_389 = tpu.memref_squeeze %dma_start3A_388 : memref<1x32xf32, #tpu.memory_space<hbm>> -> memref<32xf32, #tpu.memory_space<hbm>>
          %dma_start3A_390 = arith.constant 0 : i32
          %dma_start3A_391 = tpu.memref_slice %arg8[%add3A_383, %dma_start3A_390] : memref<200x32xf32, #tpu.memory_space<vmem>> -> memref<1x32xf32, #tpu.memory_space<vmem>>
          %dma_start3A_392 = tpu.memref_squeeze %dma_start3A_391 : memref<1x32xf32, #tpu.memory_space<vmem>> -> memref<32xf32, #tpu.memory_space<vmem>>
          %dma_start3A_393 = arith.constant 0 : i32
          %dma_start3A_394 = tpu.memref_slice %arg2[%squeeze3A_379, %dma_start3A_393] : memref<1000000x32xf32, #tpu.memory_space<hbm>> -> memref<1x32xf32, #tpu.memory_space<hbm>>
          %dma_start3A_395 = tpu.memref_squeeze %dma_start3A_394 : memref<1x32xf32, #tpu.memory_space<hbm>> -> memref<32xf32, #tpu.memory_space<hbm>>
          tpu.enqueue_dma source(%dma_start3A_395 : memref<32xf32, #tpu.memory_space<hbm>>) target(%dma_start3A_392 : memref<32xf32, #tpu.memory_space<vmem>>) target_semaphore(%arg11 : memref<!tpu.dma_semaphore, #tpu.memory_space<semaphore_mem>>)
          %slice3A_396 = vector.extract_strided_slice %get3A_215 {offsets = [10], sizes = [1], strides = [1]} : vector<16xi32> to vector<1xi32>
          %squeeze3A_397 = vector.extract %slice3A_396[0] : i32 from vector<1xi32>
          %mul3A_398 = arith.constant 16 : i32
          %mul3A_399 = arith.muli %scan3A_209, %mul3A_398 : i32
          %add3A_400 = arith.constant 10 : i32
          %add3A_401 = arith.addi %mul3A_399, %add3A_400 : i32
          %dma_start3A_402 = arith.constant 0 : i32
          %dma_start3A_403 = tpu.memref_slice %arg8[%add3A_401, %dma_start3A_402] : memref<200x32xf32, #tpu.memory_space<vmem>> -> memref<1x32xf32, #tpu.memory_space<vmem>>
          %dma_start3A_404 = tpu.memref_squeeze %dma_start3A_403 : memref<1x32xf32, #tpu.memory_space<vmem>> -> memref<32xf32, #tpu.memory_space<vmem>>
          %dma_start3A_405 = arith.constant 0 : i32
          %dma_start3A_406 = tpu.memref_slice %arg2[%squeeze3A_397, %dma_start3A_405] : memref<1000000x32xf32, #tpu.memory_space<hbm>> -> memref<1x32xf32, #tpu.memory_space<hbm>>
          %dma_start3A_407 = tpu.memref_squeeze %dma_start3A_406 : memref<1x32xf32, #tpu.memory_space<hbm>> -> memref<32xf32, #tpu.memory_space<hbm>>
          %dma_start3A_408 = arith.constant 0 : i32
          %dma_start3A_409 = tpu.memref_slice %arg8[%add3A_401, %dma_start3A_408] : memref<200x32xf32, #tpu.memory_space<vmem>> -> memref<1x32xf32, #tpu.memory_space<vmem>>
          %dma_start3A_410 = tpu.memref_squeeze %dma_start3A_409 : memref<1x32xf32, #tpu.memory_space<vmem>> -> memref<32xf32, #tpu.memory_space<vmem>>
          %dma_start3A_411 = arith.constant 0 : i32
          %dma_start3A_412 = tpu.memref_slice %arg2[%squeeze3A_397, %dma_start3A_411] : memref<1000000x32xf32, #tpu.memory_space<hbm>> -> memref<1x32xf32, #tpu.memory_space<hbm>>
          %dma_start3A_413 = tpu.memref_squeeze %dma_start3A_412 : memref<1x32xf32, #tpu.memory_space<hbm>> -> memref<32xf32, #tpu.memory_space<hbm>>
          tpu.enqueue_dma source(%dma_start3A_413 : memref<32xf32, #tpu.memory_space<hbm>>) target(%dma_start3A_410 : memref<32xf32, #tpu.memory_space<vmem>>) target_semaphore(%arg11 : memref<!tpu.dma_semaphore, #tpu.memory_space<semaphore_mem>>)
          %slice3A_414 = vector.extract_strided_slice %get3A_215 {offsets = [11], sizes = [1], strides = [1]} : vector<16xi32> to vector<1xi32>
          %squeeze3A_415 = vector.extract %slice3A_414[0] : i32 from vector<1xi32>
          %mul3A_416 = arith.constant 16 : i32
          %mul3A_417 = arith.muli %scan3A_209, %mul3A_416 : i32
          %add3A_418 = arith.constant 11 : i32
          %add3A_419 = arith.addi %mul3A_417, %add3A_418 : i32
          %dma_start3A_420 = arith.constant 0 : i32
          %dma_start3A_421 = tpu.memref_slice %arg8[%add3A_419, %dma_start3A_420] : memref<200x32xf32, #tpu.memory_space<vmem>> -> memref<1x32xf32, #tpu.memory_space<vmem>>
          %dma_start3A_422 = tpu.memref_squeeze %dma_start3A_421 : memref<1x32xf32, #tpu.memory_space<vmem>> -> memref<32xf32, #tpu.memory_space<vmem>>
          %dma_start3A_423 = arith.constant 0 : i32
          %dma_start3A_424 = tpu.memref_slice %arg2[%squeeze3A_415, %dma_start3A_423] : memref<1000000x32xf32, #tpu.memory_space<hbm>> -> memref<1x32xf32, #tpu.memory_space<hbm>>
          %dma_start3A_425 = tpu.memref_squeeze %dma_start3A_424 : memref<1x32xf32, #tpu.memory_space<hbm>> -> memref<32xf32, #tpu.memory_space<hbm>>
          %dma_start3A_426 = arith.constant 0 : i32
          %dma_start3A_427 = tpu.memref_slice %arg8[%add3A_419, %dma_start3A_426] : memref<200x32xf32, #tpu.memory_space<vmem>> -> memref<1x32xf32, #tpu.memory_space<vmem>>
          %dma_start3A_428 = tpu.memref_squeeze %dma_start3A_427 : memref<1x32xf32, #tpu.memory_space<vmem>> -> memref<32xf32, #tpu.memory_space<vmem>>
          %dma_start3A_429 = arith.constant 0 : i32
          %dma_start3A_430 = tpu.memref_slice %arg2[%squeeze3A_415, %dma_start3A_429] : memref<1000000x32xf32, #tpu.memory_space<hbm>> -> memref<1x32xf32, #tpu.memory_space<hbm>>
          %dma_start3A_431 = tpu.memref_squeeze %dma_start3A_430 : memref<1x32xf32, #tpu.memory_space<hbm>> -> memref<32xf32, #tpu.memory_space<hbm>>
          tpu.enqueue_dma source(%dma_start3A_431 : memref<32xf32, #tpu.memory_space<hbm>>) target(%dma_start3A_428 : memref<32xf32, #tpu.memory_space<vmem>>) target_semaphore(%arg11 : memref<!tpu.dma_semaphore, #tpu.memory_space<semaphore_mem>>)
          %slice3A_432 = vector.extract_strided_slice %get3A_215 {offsets = [12], sizes = [1], strides = [1]} : vector<16xi32> to vector<1xi32>
          %squeeze3A_433 = vector.extract %slice3A_432[0] : i32 from vector<1xi32>
          %mul3A_434 = arith.constant 16 : i32
          %mul3A_435 = arith.muli %scan3A_209, %mul3A_434 : i32
          %add3A_436 = arith.constant 12 : i32
          %add3A_437 = arith.addi %mul3A_435, %add3A_436 : i32
          %dma_start3A_438 = arith.constant 0 : i32
          %dma_start3A_439 = tpu.memref_slice %arg8[%add3A_437, %dma_start3A_438] : memref<200x32xf32, #tpu.memory_space<vmem>> -> memref<1x32xf32, #tpu.memory_space<vmem>>
          %dma_start3A_440 = tpu.memref_squeeze %dma_start3A_439 : memref<1x32xf32, #tpu.memory_space<vmem>> -> memref<32xf32, #tpu.memory_space<vmem>>
          %dma_start3A_441 = arith.constant 0 : i32
          %dma_start3A_442 = tpu.memref_slice %arg2[%squeeze3A_433, %dma_start3A_441] : memref<1000000x32xf32, #tpu.memory_space<hbm>> -> memref<1x32xf32, #tpu.memory_space<hbm>>
          %dma_start3A_443 = tpu.memref_squeeze %dma_start3A_442 : memref<1x32xf32, #tpu.memory_space<hbm>> -> memref<32xf32, #tpu.memory_space<hbm>>
          %dma_start3A_444 = arith.constant 0 : i32
          %dma_start3A_445 = tpu.memref_slice %arg8[%add3A_437, %dma_start3A_444] : memref<200x32xf32, #tpu.memory_space<vmem>> -> memref<1x32xf32, #tpu.memory_space<vmem>>
          %dma_start3A_446 = tpu.memref_squeeze %dma_start3A_445 : memref<1x32xf32, #tpu.memory_space<vmem>> -> memref<32xf32, #tpu.memory_space<vmem>>
          %dma_start3A_447 = arith.constant 0 : i32
          %dma_start3A_448 = tpu.memref_slice %arg2[%squeeze3A_433, %dma_start3A_447] : memref<1000000x32xf32, #tpu.memory_space<hbm>> -> memref<1x32xf32, #tpu.memory_space<hbm>>
          %dma_start3A_449 = tpu.memref_squeeze %dma_start3A_448 : memref<1x32xf32, #tpu.memory_space<hbm>> -> memref<32xf32, #tpu.memory_space<hbm>>
          tpu.enqueue_dma source(%dma_start3A_449 : memref<32xf32, #tpu.memory_space<hbm>>) target(%dma_start3A_446 : memref<32xf32, #tpu.memory_space<vmem>>) target_semaphore(%arg11 : memref<!tpu.dma_semaphore, #tpu.memory_space<semaphore_mem>>)
          %slice3A_450 = vector.extract_strided_slice %get3A_215 {offsets = [13], sizes = [1], strides = [1]} : vector<16xi32> to vector<1xi32>
          %squeeze3A_451 = vector.extract %slice3A_450[0] : i32 from vector<1xi32>
          %mul3A_452 = arith.constant 16 : i32
          %mul3A_453 = arith.muli %scan3A_209, %mul3A_452 : i32
          %add3A_454 = arith.constant 13 : i32
          %add3A_455 = arith.addi %mul3A_453, %add3A_454 : i32
          %dma_start3A_456 = arith.constant 0 : i32
          %dma_start3A_457 = tpu.memref_slice %arg8[%add3A_455, %dma_start3A_456] : memref<200x32xf32, #tpu.memory_space<vmem>> -> memref<1x32xf32, #tpu.memory_space<vmem>>
          %dma_start3A_458 = tpu.memref_squeeze %dma_start3A_457 : memref<1x32xf32, #tpu.memory_space<vmem>> -> memref<32xf32, #tpu.memory_space<vmem>>
          %dma_start3A_459 = arith.constant 0 : i32
          %dma_start3A_460 = tpu.memref_slice %arg2[%squeeze3A_451, %dma_start3A_459] : memref<1000000x32xf32, #tpu.memory_space<hbm>> -> memref<1x32xf32, #tpu.memory_space<hbm>>
          %dma_start3A_461 = tpu.memref_squeeze %dma_start3A_460 : memref<1x32xf32, #tpu.memory_space<hbm>> -> memref<32xf32, #tpu.memory_space<hbm>>
          %dma_start3A_462 = arith.constant 0 : i32
          %dma_start3A_463 = tpu.memref_slice %arg8[%add3A_455, %dma_start3A_462] : memref<200x32xf32, #tpu.memory_space<vmem>> -> memref<1x32xf32, #tpu.memory_space<vmem>>
          %dma_start3A_464 = tpu.memref_squeeze %dma_start3A_463 : memref<1x32xf32, #tpu.memory_space<vmem>> -> memref<32xf32, #tpu.memory_space<vmem>>
          %dma_start3A_465 = arith.constant 0 : i32
          %dma_start3A_466 = tpu.memref_slice %arg2[%squeeze3A_451, %dma_start3A_465] : memref<1000000x32xf32, #tpu.memory_space<hbm>> -> memref<1x32xf32, #tpu.memory_space<hbm>>
          %dma_start3A_467 = tpu.memref_squeeze %dma_start3A_466 : memref<1x32xf32, #tpu.memory_space<hbm>> -> memref<32xf32, #tpu.memory_space<hbm>>
          tpu.enqueue_dma source(%dma_start3A_467 : memref<32xf32, #tpu.memory_space<hbm>>) target(%dma_start3A_464 : memref<32xf32, #tpu.memory_space<vmem>>) target_semaphore(%arg11 : memref<!tpu.dma_semaphore, #tpu.memory_space<semaphore_mem>>)
          %slice3A_468 = vector.extract_strided_slice %get3A_215 {offsets = [14], sizes = [1], strides = [1]} : vector<16xi32> to vector<1xi32>
          %squeeze3A_469 = vector.extract %slice3A_468[0] : i32 from vector<1xi32>
          %mul3A_470 = arith.constant 16 : i32
          %mul3A_471 = arith.muli %scan3A_209, %mul3A_470 : i32
          %add3A_472 = arith.constant 14 : i32
          %add3A_473 = arith.addi %mul3A_471, %add3A_472 : i32
          %dma_start3A_474 = arith.constant 0 : i32
          %dma_start3A_475 = tpu.memref_slice %arg8[%add3A_473, %dma_start3A_474] : memref<200x32xf32, #tpu.memory_space<vmem>> -> memref<1x32xf32, #tpu.memory_space<vmem>>
          %dma_start3A_476 = tpu.memref_squeeze %dma_start3A_475 : memref<1x32xf32, #tpu.memory_space<vmem>> -> memref<32xf32, #tpu.memory_space<vmem>>
          %dma_start3A_477 = arith.constant 0 : i32
          %dma_start3A_478 = tpu.memref_slice %arg2[%squeeze3A_469, %dma_start3A_477] : memref<1000000x32xf32, #tpu.memory_space<hbm>> -> memref<1x32xf32, #tpu.memory_space<hbm>>
          %dma_start3A_479 = tpu.memref_squeeze %dma_start3A_478 : memref<1x32xf32, #tpu.memory_space<hbm>> -> memref<32xf32, #tpu.memory_space<hbm>>
          %dma_start3A_480 = arith.constant 0 : i32
          %dma_start3A_481 = tpu.memref_slice %arg8[%add3A_473, %dma_start3A_480] : memref<200x32xf32, #tpu.memory_space<vmem>> -> memref<1x32xf32, #tpu.memory_space<vmem>>
          %dma_start3A_482 = tpu.memref_squeeze %dma_start3A_481 : memref<1x32xf32, #tpu.memory_space<vmem>> -> memref<32xf32, #tpu.memory_space<vmem>>
          %dma_start3A_483 = arith.constant 0 : i32
          %dma_start3A_484 = tpu.memref_slice %arg2[%squeeze3A_469, %dma_start3A_483] : memref<1000000x32xf32, #tpu.memory_space<hbm>> -> memref<1x32xf32, #tpu.memory_space<hbm>>
          %dma_start3A_485 = tpu.memref_squeeze %dma_start3A_484 : memref<1x32xf32, #tpu.memory_space<hbm>> -> memref<32xf32, #tpu.memory_space<hbm>>
          tpu.enqueue_dma source(%dma_start3A_485 : memref<32xf32, #tpu.memory_space<hbm>>) target(%dma_start3A_482 : memref<32xf32, #tpu.memory_space<vmem>>) target_semaphore(%arg11 : memref<!tpu.dma_semaphore, #tpu.memory_space<semaphore_mem>>)
          %slice3A_486 = vector.extract_strided_slice %get3A_215 {offsets = [15], sizes = [1], strides = [1]} : vector<16xi32> to vector<1xi32>
          %squeeze3A_487 = vector.extract %slice3A_486[0] : i32 from vector<1xi32>
          %mul3A_488 = arith.constant 16 : i32
          %mul3A_489 = arith.muli %scan3A_209, %mul3A_488 : i32
          %add3A_490 = arith.constant 15 : i32
          %add3A_491 = arith.addi %mul3A_489, %add3A_490 : i32
          %dma_start3A_492 = arith.constant 0 : i32
          %dma_start3A_493 = tpu.memref_slice %arg8[%add3A_491, %dma_start3A_492] : memref<200x32xf32, #tpu.memory_space<vmem>> -> memref<1x32xf32, #tpu.memory_space<vmem>>
          %dma_start3A_494 = tpu.memref_squeeze %dma_start3A_493 : memref<1x32xf32, #tpu.memory_space<vmem>> -> memref<32xf32, #tpu.memory_space<vmem>>
          %dma_start3A_495 = arith.constant 0 : i32
          %dma_start3A_496 = tpu.memref_slice %arg2[%squeeze3A_487, %dma_start3A_495] : memref<1000000x32xf32, #tpu.memory_space<hbm>> -> memref<1x32xf32, #tpu.memory_space<hbm>>
          %dma_start3A_497 = tpu.memref_squeeze %dma_start3A_496 : memref<1x32xf32, #tpu.memory_space<hbm>> -> memref<32xf32, #tpu.memory_space<hbm>>
          %dma_start3A_498 = arith.constant 0 : i32
          %dma_start3A_499 = tpu.memref_slice %arg8[%add3A_491, %dma_start3A_498] : memref<200x32xf32, #tpu.memory_space<vmem>> -> memref<1x32xf32, #tpu.memory_space<vmem>>
          %dma_start3A_500 = tpu.memref_squeeze %dma_start3A_499 : memref<1x32xf32, #tpu.memory_space<vmem>> -> memref<32xf32, #tpu.memory_space<vmem>>
          %dma_start3A_501 = arith.constant 0 : i32
          %dma_start3A_502 = tpu.memref_slice %arg2[%squeeze3A_487, %dma_start3A_501] : memref<1000000x32xf32, #tpu.memory_space<hbm>> -> memref<1x32xf32, #tpu.memory_space<hbm>>
          %dma_start3A_503 = tpu.memref_squeeze %dma_start3A_502 : memref<1x32xf32, #tpu.memory_space<hbm>> -> memref<32xf32, #tpu.memory_space<hbm>>
          tpu.enqueue_dma source(%dma_start3A_503 : memref<32xf32, #tpu.memory_space<hbm>>) target(%dma_start3A_500 : memref<32xf32, #tpu.memory_space<vmem>>) target_semaphore(%arg11 : memref<!tpu.dma_semaphore, #tpu.memory_space<semaphore_mem>>)
          %scan3A_504 = arith.constant 0 : i32
          scf.yield %scan3A_504 : i32
        }
        %scan3A_78 = arith.constant 12 : i32
        %get3A = arith.constant 184 : index
        %get3A_79 = tpu.vector_load %arg6[%get3A] {strides = array<i32>} : memref<200xi32, #tpu.memory_space<vmem>>, vector<16xi32>,
        %get3A_80 = vector.shape_cast %get3A_79 : vector<16xi32> to vector<16xi32>
        %slice3A = vector.extract_strided_slice %get3A_80 {offsets = [8], sizes = [1], strides = [1]} : vector<16xi32> to vector<1xi32>
        %squeeze3A = vector.extract %slice3A[0] : i32 from vector<1xi32>
        %dma_start3A_81 = arith.constant 192 : i32
        %dma_start3A_82 = arith.constant 0 : i32
        %dma_start3A_83 = tpu.memref_slice %arg8[%dma_start3A_81, %dma_start3A_82] : memref<200x32xf32, #tpu.memory_space<vmem>> -> memref<1x32xf32, #tpu.memory_space<vmem>>
        %dma_start3A_84 = tpu.memref_squeeze %dma_start3A_83 : memref<1x32xf32, #tpu.memory_space<vmem>> -> memref<32xf32, #tpu.memory_space<vmem>>
        %dma_start3A_85 = arith.constant 0 : i32
        %dma_start3A_86 = tpu.memref_slice %arg2[%squeeze3A, %dma_start3A_85] : memref<1000000x32xf32, #tpu.memory_space<hbm>> -> memref<1x32xf32, #tpu.memory_space<hbm>>
        %dma_start3A_87 = tpu.memref_squeeze %dma_start3A_86 : memref<1x32xf32, #tpu.memory_space<hbm>> -> memref<32xf32, #tpu.memory_space<hbm>>
        %dma_start3A_88 = arith.constant 0 : i32
        %dma_start3A_89 = tpu.memref_slice %arg8[%dma_start3A_81, %dma_start3A_88] : memref<200x32xf32, #tpu.memory_space<vmem>> -> memref<1x32xf32, #tpu.memory_space<vmem>>
        %dma_start3A_90 = tpu.memref_squeeze %dma_start3A_89 : memref<1x32xf32, #tpu.memory_space<vmem>> -> memref<32xf32, #tpu.memory_space<vmem>>
        %dma_start3A_91 = arith.constant 0 : i32
        %dma_start3A_92 = tpu.memref_slice %arg2[%squeeze3A, %dma_start3A_91] : memref<1000000x32xf32, #tpu.memory_space<hbm>> -> memref<1x32xf32, #tpu.memory_space<hbm>>
        %dma_start3A_93 = tpu.memref_squeeze %dma_start3A_92 : memref<1x32xf32, #tpu.memory_space<hbm>> -> memref<32xf32, #tpu.memory_space<hbm>>
        tpu.enqueue_dma source(%dma_start3A_93 : memref<32xf32, #tpu.memory_space<hbm>>) target(%dma_start3A_90 : memref<32xf32, #tpu.memory_space<vmem>>) target_semaphore(%arg11 : memref<!tpu.dma_semaphore, #tpu.memory_space<semaphore_mem>>)
        %slice3A_94 = vector.extract_strided_slice %get3A_80 {offsets = [9], sizes = [1], strides = [1]} : vector<16xi32> to vector<1xi32>
        %squeeze3A_95 = vector.extract %slice3A_94[0] : i32 from vector<1xi32>
        %dma_start3A_96 = arith.constant 193 : i32
        %dma_start3A_97 = arith.constant 0 : i32
        %dma_start3A_98 = tpu.memref_slice %arg8[%dma_start3A_96, %dma_start3A_97] : memref<200x32xf32, #tpu.memory_space<vmem>> -> memref<1x32xf32, #tpu.memory_space<vmem>>
        %dma_start3A_99 = tpu.memref_squeeze %dma_start3A_98 : memref<1x32xf32, #tpu.memory_space<vmem>> -> memref<32xf32, #tpu.memory_space<vmem>>
        %dma_start3A_100 = arith.constant 0 : i32
        %dma_start3A_101 = tpu.memref_slice %arg2[%squeeze3A_95, %dma_start3A_100] : memref<1000000x32xf32, #tpu.memory_space<hbm>> -> memref<1x32xf32, #tpu.memory_space<hbm>>
        %dma_start3A_102 = tpu.memref_squeeze %dma_start3A_101 : memref<1x32xf32, #tpu.memory_space<hbm>> -> memref<32xf32, #tpu.memory_space<hbm>>
        %dma_start3A_103 = arith.constant 0 : i32
        %dma_start3A_104 = tpu.memref_slice %arg8[%dma_start3A_96, %dma_start3A_103] : memref<200x32xf32, #tpu.memory_space<vmem>> -> memref<1x32xf32, #tpu.memory_space<vmem>>
        %dma_start3A_105 = tpu.memref_squeeze %dma_start3A_104 : memref<1x32xf32, #tpu.memory_space<vmem>> -> memref<32xf32, #tpu.memory_space<vmem>>
        %dma_start3A_106 = arith.constant 0 : i32
        %dma_start3A_107 = tpu.memref_slice %arg2[%squeeze3A_95, %dma_start3A_106] : memref<1000000x32xf32, #tpu.memory_space<hbm>> -> memref<1x32xf32, #tpu.memory_space<hbm>>
        %dma_start3A_108 = tpu.memref_squeeze %dma_start3A_107 : memref<1x32xf32, #tpu.memory_space<hbm>> -> memref<32xf32, #tpu.memory_space<hbm>>
        tpu.enqueue_dma source(%dma_start3A_108 : memref<32xf32, #tpu.memory_space<hbm>>) target(%dma_start3A_105 : memref<32xf32, #tpu.memory_space<vmem>>) target_semaphore(%arg11 : memref<!tpu.dma_semaphore, #tpu.memory_space<semaphore_mem>>)
        %slice3A_109 = vector.extract_strided_slice %get3A_80 {offsets = [10], sizes = [1], strides = [1]} : vector<16xi32> to vector<1xi32>
        %squeeze3A_110 = vector.extract %slice3A_109[0] : i32 from vector<1xi32>
        %dma_start3A_111 = arith.constant 194 : i32
        %dma_start3A_112 = arith.constant 0 : i32
        %dma_start3A_113 = tpu.memref_slice %arg8[%dma_start3A_111, %dma_start3A_112] : memref<200x32xf32, #tpu.memory_space<vmem>> -> memref<1x32xf32, #tpu.memory_space<vmem>>
        %dma_start3A_114 = tpu.memref_squeeze %dma_start3A_113 : memref<1x32xf32, #tpu.memory_space<vmem>> -> memref<32xf32, #tpu.memory_space<vmem>>
        %dma_start3A_115 = arith.constant 0 : i32
        %dma_start3A_116 = tpu.memref_slice %arg2[%squeeze3A_110, %dma_start3A_115] : memref<1000000x32xf32, #tpu.memory_space<hbm>> -> memref<1x32xf32, #tpu.memory_space<hbm>>
        %dma_start3A_117 = tpu.memref_squeeze %dma_start3A_116 : memref<1x32xf32, #tpu.memory_space<hbm>> -> memref<32xf32, #tpu.memory_space<hbm>>
        %dma_start3A_118 = arith.constant 0 : i32
        %dma_start3A_119 = tpu.memref_slice %arg8[%dma_start3A_111, %dma_start3A_118] : memref<200x32xf32, #tpu.memory_space<vmem>> -> memref<1x32xf32, #tpu.memory_space<vmem>>
        %dma_start3A_120 = tpu.memref_squeeze %dma_start3A_119 : memref<1x32xf32, #tpu.memory_space<vmem>> -> memref<32xf32, #tpu.memory_space<vmem>>
        %dma_start3A_121 = arith.constant 0 : i32
        %dma_start3A_122 = tpu.memref_slice %arg2[%squeeze3A_110, %dma_start3A_121] : memref<1000000x32xf32, #tpu.memory_space<hbm>> -> memref<1x32xf32, #tpu.memory_space<hbm>>
        %dma_start3A_123 = tpu.memref_squeeze %dma_start3A_122 : memref<1x32xf32, #tpu.memory_space<hbm>> -> memref<32xf32, #tpu.memory_space<hbm>>
        tpu.enqueue_dma source(%dma_start3A_123 : memref<32xf32, #tpu.memory_space<hbm>>) target(%dma_start3A_120 : memref<32xf32, #tpu.memory_space<vmem>>) target_semaphore(%arg11 : memref<!tpu.dma_semaphore, #tpu.memory_space<semaphore_mem>>)
        %slice3A_124 = vector.extract_strided_slice %get3A_80 {offsets = [11], sizes = [1], strides = [1]} : vector<16xi32> to vector<1xi32>
        %squeeze3A_125 = vector.extract %slice3A_124[0] : i32 from vector<1xi32>
        %dma_start3A_126 = arith.constant 195 : i32
        %dma_start3A_127 = arith.constant 0 : i32
        %dma_start3A_128 = tpu.memref_slice %arg8[%dma_start3A_126, %dma_start3A_127] : memref<200x32xf32, #tpu.memory_space<vmem>> -> memref<1x32xf32, #tpu.memory_space<vmem>>
        %dma_start3A_129 = tpu.memref_squeeze %dma_start3A_128 : memref<1x32xf32, #tpu.memory_space<vmem>> -> memref<32xf32, #tpu.memory_space<vmem>>
        %dma_start3A_130 = arith.constant 0 : i32
        %dma_start3A_131 = tpu.memref_slice %arg2[%squeeze3A_125, %dma_start3A_130] : memref<1000000x32xf32, #tpu.memory_space<hbm>> -> memref<1x32xf32, #tpu.memory_space<hbm>>
        %dma_start3A_132 = tpu.memref_squeeze %dma_start3A_131 : memref<1x32xf32, #tpu.memory_space<hbm>> -> memref<32xf32, #tpu.memory_space<hbm>>
        %dma_start3A_133 = arith.constant 0 : i32
        %dma_start3A_134 = tpu.memref_slice %arg8[%dma_start3A_126, %dma_start3A_133] : memref<200x32xf32, #tpu.memory_space<vmem>> -> memref<1x32xf32, #tpu.memory_space<vmem>>
        %dma_start3A_135 = tpu.memref_squeeze %dma_start3A_134 : memref<1x32xf32, #tpu.memory_space<vmem>> -> memref<32xf32, #tpu.memory_space<vmem>>
        %dma_start3A_136 = arith.constant 0 : i32
        %dma_start3A_137 = tpu.memref_slice %arg2[%squeeze3A_125, %dma_start3A_136] : memref<1000000x32xf32, #tpu.memory_space<hbm>> -> memref<1x32xf32, #tpu.memory_space<hbm>>
        %dma_start3A_138 = tpu.memref_squeeze %dma_start3A_137 : memref<1x32xf32, #tpu.memory_space<hbm>> -> memref<32xf32, #tpu.memory_space<hbm>>
        tpu.enqueue_dma source(%dma_start3A_138 : memref<32xf32, #tpu.memory_space<hbm>>) target(%dma_start3A_135 : memref<32xf32, #tpu.memory_space<vmem>>) target_semaphore(%arg11 : memref<!tpu.dma_semaphore, #tpu.memory_space<semaphore_mem>>)
        %slice3A_139 = vector.extract_strided_slice %get3A_80 {offsets = [12], sizes = [1], strides = [1]} : vector<16xi32> to vector<1xi32>
        %squeeze3A_140 = vector.extract %slice3A_139[0] : i32 from vector<1xi32>
        %dma_start3A_141 = arith.constant 196 : i32
        %dma_start3A_142 = arith.constant 0 : i32
        %dma_start3A_143 = tpu.memref_slice %arg8[%dma_start3A_141, %dma_start3A_142] : memref<200x32xf32, #tpu.memory_space<vmem>> -> memref<1x32xf32, #tpu.memory_space<vmem>>
        %dma_start3A_144 = tpu.memref_squeeze %dma_start3A_143 : memref<1x32xf32, #tpu.memory_space<vmem>> -> memref<32xf32, #tpu.memory_space<vmem>>
        %dma_start3A_145 = arith.constant 0 : i32
        %dma_start3A_146 = tpu.memref_slice %arg2[%squeeze3A_140, %dma_start3A_145] : memref<1000000x32xf32, #tpu.memory_space<hbm>> -> memref<1x32xf32, #tpu.memory_space<hbm>>
        %dma_start3A_147 = tpu.memref_squeeze %dma_start3A_146 : memref<1x32xf32, #tpu.memory_space<hbm>> -> memref<32xf32, #tpu.memory_space<hbm>>
        %dma_start3A_148 = arith.constant 0 : i32
        %dma_start3A_149 = tpu.memref_slice %arg8[%dma_start3A_141, %dma_start3A_148] : memref<200x32xf32, #tpu.memory_space<vmem>> -> memref<1x32xf32, #tpu.memory_space<vmem>>
        %dma_start3A_150 = tpu.memref_squeeze %dma_start3A_149 : memref<1x32xf32, #tpu.memory_space<vmem>> -> memref<32xf32, #tpu.memory_space<vmem>>
        %dma_start3A_151 = arith.constant 0 : i32
        %dma_start3A_152 = tpu.memref_slice %arg2[%squeeze3A_140, %dma_start3A_151] : memref<1000000x32xf32, #tpu.memory_space<hbm>> -> memref<1x32xf32, #tpu.memory_space<hbm>>
        %dma_start3A_153 = tpu.memref_squeeze %dma_start3A_152 : memref<1x32xf32, #tpu.memory_space<hbm>> -> memref<32xf32, #tpu.memory_space<hbm>>
        tpu.enqueue_dma source(%dma_start3A_153 : memref<32xf32, #tpu.memory_space<hbm>>) target(%dma_start3A_150 : memref<32xf32, #tpu.memory_space<vmem>>) target_semaphore(%arg11 : memref<!tpu.dma_semaphore, #tpu.memory_space<semaphore_mem>>)
        %slice3A_154 = vector.extract_strided_slice %get3A_80 {offsets = [13], sizes = [1], strides = [1]} : vector<16xi32> to vector<1xi32>
        %squeeze3A_155 = vector.extract %slice3A_154[0] : i32 from vector<1xi32>
        %dma_start3A_156 = arith.constant 197 : i32
        %dma_start3A_157 = arith.constant 0 : i32
        %dma_start3A_158 = tpu.memref_slice %arg8[%dma_start3A_156, %dma_start3A_157] : memref<200x32xf32, #tpu.memory_space<vmem>> -> memref<1x32xf32, #tpu.memory_space<vmem>>
        %dma_start3A_159 = tpu.memref_squeeze %dma_start3A_158 : memref<1x32xf32, #tpu.memory_space<vmem>> -> memref<32xf32, #tpu.memory_space<vmem>>
        %dma_start3A_160 = arith.constant 0 : i32
        %dma_start3A_161 = tpu.memref_slice %arg2[%squeeze3A_155, %dma_start3A_160] : memref<1000000x32xf32, #tpu.memory_space<hbm>> -> memref<1x32xf32, #tpu.memory_space<hbm>>
        %dma_start3A_162 = tpu.memref_squeeze %dma_start3A_161 : memref<1x32xf32, #tpu.memory_space<hbm>> -> memref<32xf32, #tpu.memory_space<hbm>>
        %dma_start3A_163 = arith.constant 0 : i32
        %dma_start3A_164 = tpu.memref_slice %arg8[%dma_start3A_156, %dma_start3A_163] : memref<200x32xf32, #tpu.memory_space<vmem>> -> memref<1x32xf32, #tpu.memory_space<vmem>>
        %dma_start3A_165 = tpu.memref_squeeze %dma_start3A_164 : memref<1x32xf32, #tpu.memory_space<vmem>> -> memref<32xf32, #tpu.memory_space<vmem>>
        %dma_start3A_166 = arith.constant 0 : i32
        %dma_start3A_167 = tpu.memref_slice %arg2[%squeeze3A_155, %dma_start3A_166] : memref<1000000x32xf32, #tpu.memory_space<hbm>> -> memref<1x32xf32, #tpu.memory_space<hbm>>
        %dma_start3A_168 = tpu.memref_squeeze %dma_start3A_167 : memref<1x32xf32, #tpu.memory_space<hbm>> -> memref<32xf32, #tpu.memory_space<hbm>>
        tpu.enqueue_dma source(%dma_start3A_168 : memref<32xf32, #tpu.memory_space<hbm>>) target(%dma_start3A_165 : memref<32xf32, #tpu.memory_space<vmem>>) target_semaphore(%arg11 : memref<!tpu.dma_semaphore, #tpu.memory_space<semaphore_mem>>)
        %slice3A_169 = vector.extract_strided_slice %get3A_80 {offsets = [14], sizes = [1], strides = [1]} : vector<16xi32> to vector<1xi32>
        %squeeze3A_170 = vector.extract %slice3A_169[0] : i32 from vector<1xi32>
        %dma_start3A_171 = arith.constant 198 : i32
        %dma_start3A_172 = arith.constant 0 : i32
        %dma_start3A_173 = tpu.memref_slice %arg8[%dma_start3A_171, %dma_start3A_172] : memref<200x32xf32, #tpu.memory_space<vmem>> -> memref<1x32xf32, #tpu.memory_space<vmem>>
        %dma_start3A_174 = tpu.memref_squeeze %dma_start3A_173 : memref<1x32xf32, #tpu.memory_space<vmem>> -> memref<32xf32, #tpu.memory_space<vmem>>
        %dma_start3A_175 = arith.constant 0 : i32
        %dma_start3A_176 = tpu.memref_slice %arg2[%squeeze3A_170, %dma_start3A_175] : memref<1000000x32xf32, #tpu.memory_space<hbm>> -> memref<1x32xf32, #tpu.memory_space<hbm>>
        %dma_start3A_177 = tpu.memref_squeeze %dma_start3A_176 : memref<1x32xf32, #tpu.memory_space<hbm>> -> memref<32xf32, #tpu.memory_space<hbm>>
        %dma_start3A_178 = arith.constant 0 : i32
        %dma_start3A_179 = tpu.memref_slice %arg8[%dma_start3A_171, %dma_start3A_178] : memref<200x32xf32, #tpu.memory_space<vmem>> -> memref<1x32xf32, #tpu.memory_space<vmem>>
        %dma_start3A_180 = tpu.memref_squeeze %dma_start3A_179 : memref<1x32xf32, #tpu.memory_space<vmem>> -> memref<32xf32, #tpu.memory_space<vmem>>
        %dma_start3A_181 = arith.constant 0 : i32
        %dma_start3A_182 = tpu.memref_slice %arg2[%squeeze3A_170, %dma_start3A_181] : memref<1000000x32xf32, #tpu.memory_space<hbm>> -> memref<1x32xf32, #tpu.memory_space<hbm>>
        %dma_start3A_183 = tpu.memref_squeeze %dma_start3A_182 : memref<1x32xf32, #tpu.memory_space<hbm>> -> memref<32xf32, #tpu.memory_space<hbm>>
        tpu.enqueue_dma source(%dma_start3A_183 : memref<32xf32, #tpu.memory_space<hbm>>) target(%dma_start3A_180 : memref<32xf32, #tpu.memory_space<vmem>>) target_semaphore(%arg11 : memref<!tpu.dma_semaphore, #tpu.memory_space<semaphore_mem>>)
        %slice3A_184 = vector.extract_strided_slice %get3A_80 {offsets = [15], sizes = [1], strides = [1]} : vector<16xi32> to vector<1xi32>
        %squeeze3A_185 = vector.extract %slice3A_184[0] : i32 from vector<1xi32>
        %dma_start3A_186 = arith.constant 199 : i32
        %dma_start3A_187 = arith.constant 0 : i32
        %dma_start3A_188 = tpu.memref_slice %arg8[%dma_start3A_186, %dma_start3A_187] : memref<200x32xf32, #tpu.memory_space<vmem>> -> memref<1x32xf32, #tpu.memory_space<vmem>>
        %dma_start3A_189 = tpu.memref_squeeze %dma_start3A_188 : memref<1x32xf32, #tpu.memory_space<vmem>> -> memref<32xf32, #tpu.memory_space<vmem>>
        %dma_start3A_190 = arith.constant 0 : i32
        %dma_start3A_191 = tpu.memref_slice %arg2[%squeeze3A_185, %dma_start3A_190] : memref<1000000x32xf32, #tpu.memory_space<hbm>> -> memref<1x32xf32, #tpu.memory_space<hbm>>
        %dma_start3A_192 = tpu.memref_squeeze %dma_start3A_191 : memref<1x32xf32, #tpu.memory_space<hbm>> -> memref<32xf32, #tpu.memory_space<hbm>>
        %dma_start3A_193 = arith.constant 0 : i32
        %dma_start3A_194 = tpu.memref_slice %arg8[%dma_start3A_186, %dma_start3A_193] : memref<200x32xf32, #tpu.memory_space<vmem>> -> memref<1x32xf32, #tpu.memory_space<vmem>>
        %dma_start3A_195 = tpu.memref_squeeze %dma_start3A_194 : memref<1x32xf32, #tpu.memory_space<vmem>> -> memref<32xf32, #tpu.memory_space<vmem>>
        %dma_start3A_196 = arith.constant 0 : i32
        %dma_start3A_197 = tpu.memref_slice %arg2[%squeeze3A_185, %dma_start3A_196] : memref<1000000x32xf32, #tpu.memory_space<hbm>> -> memref<1x32xf32, #tpu.memory_space<hbm>>
        %dma_start3A_198 = tpu.memref_squeeze %dma_start3A_197 : memref<1x32xf32, #tpu.memory_space<hbm>> -> memref<32xf32, #tpu.memory_space<hbm>>
        tpu.enqueue_dma source(%dma_start3A_198 : memref<32xf32, #tpu.memory_space<hbm>>) target(%dma_start3A_195 : memref<32xf32, #tpu.memory_space<vmem>>) target_semaphore(%arg11 : memref<!tpu.dma_semaphore, #tpu.memory_space<semaphore_mem>>)
        %add3A_199 = arith.constant 2 : i32
        %add3A_200 = arith.addi %scan3A_61, %add3A_199 : i32
        %lt3A = arith.constant 128 : i32
        %lt3A_201 = arith.cmpi slt, %add3A_200, %lt3A : i32
        %convert_element_type3A_202 = arith.extui %lt3A_201 : i1 to i32
        %cond3A_203 = arith.constant 0 : i32
        %cond3A_204 = arith.cmpi ne, %convert_element_type3A_202, %cond3A_203 : i32
        scf.if %cond3A_204 {
          %add3A_209 = arith.constant 2 : i32
          %add3A_210 = arith.addi %scan3A_61, %add3A_209 : i32
          %add3A_211 = arith.addi %mul3A_2, %add3A_210 : i32
          %mul3A_212 = arith.constant 200 : i32
          %mul3A_213 = arith.muli %add3A_211, %mul3A_212 : i32
          %dma_start3A_214 = tpu.memref_slice %arg3[%mul3A_213] : memref<819200xi32, #tpu.memory_space<hbm>> -> memref<200xi32, #tpu.memory_space<hbm>>
          %dma_start3A_215 = tpu.memref_slice %arg3[%mul3A_213] : memref<819200xi32, #tpu.memory_space<hbm>> -> memref<200xi32, #tpu.memory_space<hbm>>
          tpu.enqueue_dma source(%dma_start3A_215 : memref<200xi32, #tpu.memory_space<hbm>>) target(%arg6 : memref<200xi32, #tpu.memory_space<vmem>>) target_semaphore(%arg13 : memref<!tpu.dma_semaphore, #tpu.memory_space<semaphore_mem>>)
        } else {
        }
        %gt3A = arith.constant 0 : i32
        %gt3A_205 = arith.cmpi sgt, %scan3A_61, %gt3A : i32
        %convert_element_type3A_206 = arith.extui %gt3A_205 : i1 to i32
        %cond3A_207 = arith.constant 0 : i32
        %cond3A_208 = arith.cmpi ne, %convert_element_type3A_206, %cond3A_207 : i32
        scf.if %cond3A_208 {
          %dma_wait3A_209 = arith.constant 0 : i32
          %dma_wait3A_210 = arith.constant 0 : i32
          %dma_wait3A_211 = tpu.memref_slice %arg2[%dma_wait3A_209, %dma_wait3A_210] : memref<1000000x32xf32, #tpu.memory_space<hbm>> -> memref<200x32xf32, #tpu.memory_space<hbm>>
          %dma_wait3A_212 = arith.constant 0 : i32
          %dma_wait3A_213 = arith.constant 0 : i32
          %dma_wait3A_214 = tpu.memref_slice %arg2[%dma_wait3A_212, %dma_wait3A_213] : memref<1000000x32xf32, #tpu.memory_space<hbm>> -> memref<200x32xf32, #tpu.memory_space<hbm>>
          tpu.wait_dma2 semaphore(%arg10 : memref<!tpu.dma_semaphore, #tpu.memory_space<semaphore_mem>>) src(%dma_wait3A_214 : memref<200x32xf32, #tpu.memory_space<hbm>>) dst(%arg7 : memref<200x32xf32, #tpu.memory_space<vmem>>)
          %sub3A = arith.constant 1 : i32
          %sub3A_215 = arith.subi %scan3A_61, %sub3A : i32
          %broadcast_in_dim3A_216 = arith.constant 0.000000e+00 : f32
          %broadcast_in_dim3A_217 = vector.broadcast %broadcast_in_dim3A_216 : f32 to vector<16xf32>
          %broadcast_in_dim3A_218 = arith.constant 0.000000e+00 : f32
          %broadcast_in_dim3A_219 = vector.broadcast %broadcast_in_dim3A_218 : f32 to vector<16xf32>
          %broadcast_in_dim3A_220 = arith.constant 0.000000e+00 : f32
          %broadcast_in_dim3A_221 = vector.broadcast %broadcast_in_dim3A_220 : f32 to vector<16xf32>
          %broadcast_in_dim3A_222 = arith.constant 0.000000e+00 : f32
          %broadcast_in_dim3A_223 = vector.broadcast %broadcast_in_dim3A_222 : f32 to vector<16xf32>
          %broadcast_in_dim3A_224 = arith.constant 0.000000e+00 : f32
          %broadcast_in_dim3A_225 = vector.broadcast %broadcast_in_dim3A_224 : f32 to vector<16xf32>
          %broadcast_in_dim3A_226 = arith.constant 0.000000e+00 : f32
          %broadcast_in_dim3A_227 = vector.broadcast %broadcast_in_dim3A_226 : f32 to vector<16xf32>
          %broadcast_in_dim3A_228 = arith.constant 0.000000e+00 : f32
          %broadcast_in_dim3A_229 = vector.broadcast %broadcast_in_dim3A_228 : f32 to vector<16xf32>
          %broadcast_in_dim3A_230 = arith.constant 0.000000e+00 : f32
          %broadcast_in_dim3A_231 = vector.broadcast %broadcast_in_dim3A_230 : f32 to vector<16xf32>
          %scan3A_232 = arith.constant 0 : i32
          %scan3A_233 = arith.constant 50 : i32
          %scan3A_234 = arith.addi %scan3A_232, %scan3A_233 : i32
          %scan3A_235 = arith.constant 5 : i32
          %scan3A_236:8 = scf.for %scan3A_258 = %scan3A_232 to %scan3A_234 step %scan3A_235 iter_args(%scan3A_259 = %broadcast_in_dim3A_217, %scan3A_260 = %broadcast_in_dim3A_219, %scan3A_261 = %broadcast_in_dim3A_221, %scan3A_262 = %broadcast_in_dim3A_223, %scan3A_263 = %broadcast_in_dim3A_225, %scan3A_264 = %broadcast_in_dim3A_227, %scan3A_265 = %broadcast_in_dim3A_229, %scan3A_266 = %broadcast_in_dim3A_231) -> (vector<16xf32>, vector<16xf32>, vector<16xf32>, vector<16xf32>, vector<16xf32>, vector<16xf32>, vector<16xf32>, vector<16xf32>)  : i32 {
            %mul3A_267 = arith.constant 4 : i32
            %mul3A_268 = arith.muli %mul3A_267, %scan3A_258 : i32
            %add3A_269 = arith.constant 0 : i32
            %add3A_270 = arith.addi %mul3A_268, %add3A_269 : i32
            %get3A_271 = arith.index_cast %add3A_270 : i32 to index
            %get3A_272 = arith.constant 0 : index
            %get3A_273 = tpu.vector_load %arg7[%get3A_271, %get3A_272] {strides = array<i32>} : memref<200x32xf32, #tpu.memory_space<vmem>>, vector<1x16xf32>,
            %get3A_274 = vector.shape_cast %get3A_273 : vector<1x16xf32> to vector<16xf32>
            %add3A_275 = arith.addf %scan3A_259, %get3A_274 : vector<16xf32>
            %mul3A_276 = arith.constant 4 : i32
            %mul3A_277 = arith.muli %mul3A_276, %scan3A_258 : i32
            %add3A_278 = arith.constant 0 : i32
            %add3A_279 = arith.addi %mul3A_277, %add3A_278 : i32
            %get3A_280 = arith.index_cast %add3A_279 : i32 to index
            %get3A_281 = arith.constant 16 : index
            %get3A_282 = tpu.vector_load %arg7[%get3A_280, %get3A_281] {strides = array<i32>} : memref<200x32xf32, #tpu.memory_space<vmem>>, vector<1x16xf32>,
            %get3A_283 = vector.shape_cast %get3A_282 : vector<1x16xf32> to vector<16xf32>
            %add3A_284 = arith.addf %scan3A_263, %get3A_283 : vector<16xf32>
            %mul3A_285 = arith.constant 4 : i32
            %mul3A_286 = arith.muli %mul3A_285, %scan3A_258 : i32
            %add3A_287 = arith.constant 1 : i32
            %add3A_288 = arith.addi %mul3A_286, %add3A_287 : i32
            %get3A_289 = arith.index_cast %add3A_288 : i32 to index
            %get3A_290 = arith.constant 0 : index
            %get3A_291 = tpu.vector_load %arg7[%get3A_289, %get3A_290] {strides = array<i32>} : memref<200x32xf32, #tpu.memory_space<vmem>>, vector<1x16xf32>,
            %get3A_292 = vector.shape_cast %get3A_291 : vector<1x16xf32> to vector<16xf32>
            %add3A_293 = arith.addf %scan3A_260, %get3A_292 : vector<16xf32>
            %mul3A_294 = arith.constant 4 : i32
            %mul3A_295 = arith.muli %mul3A_294, %scan3A_258 : i32
            %add3A_296 = arith.constant 1 : i32
            %add3A_297 = arith.addi %mul3A_295, %add3A_296 : i32
            %get3A_298 = arith.index_cast %add3A_297 : i32 to index
            %get3A_299 = arith.constant 16 : index
            %get3A_300 = tpu.vector_load %arg7[%get3A_298, %get3A_299] {strides = array<i32>} : memref<200x32xf32, #tpu.memory_space<vmem>>, vector<1x16xf32>,
            %get3A_301 = vector.shape_cast %get3A_300 : vector<1x16xf32> to vector<16xf32>
            %add3A_302 = arith.addf %scan3A_264, %get3A_301 : vector<16xf32>
            %mul3A_303 = arith.constant 4 : i32
            %mul3A_304 = arith.muli %mul3A_303, %scan3A_258 : i32
            %add3A_305 = arith.constant 2 : i32
            %add3A_306 = arith.addi %mul3A_304, %add3A_305 : i32
            %get3A_307 = arith.index_cast %add3A_306 : i32 to index
            %get3A_308 = arith.constant 0 : index
            %get3A_309 = tpu.vector_load %arg7[%get3A_307, %get3A_308] {strides = array<i32>} : memref<200x32xf32, #tpu.memory_space<vmem>>, vector<1x16xf32>,
            %get3A_310 = vector.shape_cast %get3A_309 : vector<1x16xf32> to vector<16xf32>
            %add3A_311 = arith.addf %scan3A_261, %get3A_310 : vector<16xf32>
            %mul3A_312 = arith.constant 4 : i32
            %mul3A_313 = arith.muli %mul3A_312, %scan3A_258 : i32
            %add3A_314 = arith.constant 2 : i32
            %add3A_315 = arith.addi %mul3A_313, %add3A_314 : i32
            %get3A_316 = arith.index_cast %add3A_315 : i32 to index
            %get3A_317 = arith.constant 16 : index
            %get3A_318 = tpu.vector_load %arg7[%get3A_316, %get3A_317] {strides = array<i32>} : memref<200x32xf32, #tpu.memory_space<vmem>>, vector<1x16xf32>,
            %get3A_319 = vector.shape_cast %get3A_318 : vector<1x16xf32> to vector<16xf32>
            %add3A_320 = arith.addf %scan3A_265, %get3A_319 : vector<16xf32>
            %mul3A_321 = arith.constant 4 : i32
            %mul3A_322 = arith.muli %mul3A_321, %scan3A_258 : i32
            %add3A_323 = arith.constant 3 : i32
            %add3A_324 = arith.addi %mul3A_322, %add3A_323 : i32
            %get3A_325 = arith.index_cast %add3A_324 : i32 to index
            %get3A_326 = arith.constant 0 : index
            %get3A_327 = tpu.vector_load %arg7[%get3A_325, %get3A_326] {strides = array<i32>} : memref<200x32xf32, #tpu.memory_space<vmem>>, vector<1x16xf32>,
            %get3A_328 = vector.shape_cast %get3A_327 : vector<1x16xf32> to vector<16xf32>
            %add3A_329 = arith.addf %scan3A_262, %get3A_328 : vector<16xf32>
            %mul3A_330 = arith.constant 4 : i32
            %mul3A_331 = arith.muli %mul3A_330, %scan3A_258 : i32
            %add3A_332 = arith.constant 3 : i32
            %add3A_333 = arith.addi %mul3A_331, %add3A_332 : i32
            %get3A_334 = arith.index_cast %add3A_333 : i32 to index
            %get3A_335 = arith.constant 16 : index
            %get3A_336 = tpu.vector_load %arg7[%get3A_334, %get3A_335] {strides = array<i32>} : memref<200x32xf32, #tpu.memory_space<vmem>>, vector<1x16xf32>,
            %get3A_337 = vector.shape_cast %get3A_336 : vector<1x16xf32> to vector<16xf32>
            %add3A_338 = arith.addf %scan3A_266, %get3A_337 : vector<16xf32>
            %scan3A_339 = arith.constant 1 : i32
            %scan3A_340 = arith.addi %scan3A_258, %scan3A_339 : i32
            %mul3A_341 = arith.constant 4 : i32
            %mul3A_342 = arith.muli %mul3A_341, %scan3A_340 : i32
            %add3A_343 = arith.constant 0 : i32
            %add3A_344 = arith.addi %mul3A_342, %add3A_343 : i32
            %get3A_345 = arith.index_cast %add3A_344 : i32 to index
            %get3A_346 = arith.constant 0 : index
            %get3A_347 = tpu.vector_load %arg7[%get3A_345, %get3A_346] {strides = array<i32>} : memref<200x32xf32, #tpu.memory_space<vmem>>, vector<1x16xf32>,
            %get3A_348 = vector.shape_cast %get3A_347 : vector<1x16xf32> to vector<16xf32>
            %add3A_349 = arith.addf %add3A_275, %get3A_348 : vector<16xf32>
            %mul3A_350 = arith.constant 4 : i32
            %mul3A_351 = arith.muli %mul3A_350, %scan3A_340 : i32
            %add3A_352 = arith.constant 0 : i32
            %add3A_353 = arith.addi %mul3A_351, %add3A_352 : i32
            %get3A_354 = arith.index_cast %add3A_353 : i32 to index
            %get3A_355 = arith.constant 16 : index
            %get3A_356 = tpu.vector_load %arg7[%get3A_354, %get3A_355] {strides = array<i32>} : memref<200x32xf32, #tpu.memory_space<vmem>>, vector<1x16xf32>,
            %get3A_357 = vector.shape_cast %get3A_356 : vector<1x16xf32> to vector<16xf32>
            %add3A_358 = arith.addf %add3A_284, %get3A_357 : vector<16xf32>
            %mul3A_359 = arith.constant 4 : i32
            %mul3A_360 = arith.muli %mul3A_359, %scan3A_340 : i32
            %add3A_361 = arith.constant 1 : i32
            %add3A_362 = arith.addi %mul3A_360, %add3A_361 : i32
            %get3A_363 = arith.index_cast %add3A_362 : i32 to index
            %get3A_364 = arith.constant 0 : index
            %get3A_365 = tpu.vector_load %arg7[%get3A_363, %get3A_364] {strides = array<i32>} : memref<200x32xf32, #tpu.memory_space<vmem>>, vector<1x16xf32>,
            %get3A_366 = vector.shape_cast %get3A_365 : vector<1x16xf32> to vector<16xf32>
            %add3A_367 = arith.addf %add3A_293, %get3A_366 : vector<16xf32>
            %mul3A_368 = arith.constant 4 : i32
            %mul3A_369 = arith.muli %mul3A_368, %scan3A_340 : i32
            %add3A_370 = arith.constant 1 : i32
            %add3A_371 = arith.addi %mul3A_369, %add3A_370 : i32
            %get3A_372 = arith.index_cast %add3A_371 : i32 to index
            %get3A_373 = arith.constant 16 : index
            %get3A_374 = tpu.vector_load %arg7[%get3A_372, %get3A_373] {strides = array<i32>} : memref<200x32xf32, #tpu.memory_space<vmem>>, vector<1x16xf32>,
            %get3A_375 = vector.shape_cast %get3A_374 : vector<1x16xf32> to vector<16xf32>
            %add3A_376 = arith.addf %add3A_302, %get3A_375 : vector<16xf32>
            %mul3A_377 = arith.constant 4 : i32
            %mul3A_378 = arith.muli %mul3A_377, %scan3A_340 : i32
            %add3A_379 = arith.constant 2 : i32
            %add3A_380 = arith.addi %mul3A_378, %add3A_379 : i32
            %get3A_381 = arith.index_cast %add3A_380 : i32 to index
            %get3A_382 = arith.constant 0 : index
            %get3A_383 = tpu.vector_load %arg7[%get3A_381, %get3A_382] {strides = array<i32>} : memref<200x32xf32, #tpu.memory_space<vmem>>, vector<1x16xf32>,
            %get3A_384 = vector.shape_cast %get3A_383 : vector<1x16xf32> to vector<16xf32>
            %add3A_385 = arith.addf %add3A_311, %get3A_384 : vector<16xf32>
            %mul3A_386 = arith.constant 4 : i32
            %mul3A_387 = arith.muli %mul3A_386, %scan3A_340 : i32
            %add3A_388 = arith.constant 2 : i32
            %add3A_389 = arith.addi %mul3A_387, %add3A_388 : i32
            %get3A_390 = arith.index_cast %add3A_389 : i32 to index
            %get3A_391 = arith.constant 16 : index
            %get3A_392 = tpu.vector_load %arg7[%get3A_390, %get3A_391] {strides = array<i32>} : memref<200x32xf32, #tpu.memory_space<vmem>>, vector<1x16xf32>,
            %get3A_393 = vector.shape_cast %get3A_392 : vector<1x16xf32> to vector<16xf32>
            %add3A_394 = arith.addf %add3A_320, %get3A_393 : vector<16xf32>
            %mul3A_395 = arith.constant 4 : i32
            %mul3A_396 = arith.muli %mul3A_395, %scan3A_340 : i32
            %add3A_397 = arith.constant 3 : i32
            %add3A_398 = arith.addi %mul3A_396, %add3A_397 : i32
            %get3A_399 = arith.index_cast %add3A_398 : i32 to index
            %get3A_400 = arith.constant 0 : index
            %get3A_401 = tpu.vector_load %arg7[%get3A_399, %get3A_400] {strides = array<i32>} : memref<200x32xf32, #tpu.memory_space<vmem>>, vector<1x16xf32>,
            %get3A_402 = vector.shape_cast %get3A_401 : vector<1x16xf32> to vector<16xf32>
            %add3A_403 = arith.addf %add3A_329, %get3A_402 : vector<16xf32>
            %mul3A_404 = arith.constant 4 : i32
            %mul3A_405 = arith.muli %mul3A_404, %scan3A_340 : i32
            %add3A_406 = arith.constant 3 : i32
            %add3A_407 = arith.addi %mul3A_405, %add3A_406 : i32
            %get3A_408 = arith.index_cast %add3A_407 : i32 to index
            %get3A_409 = arith.constant 16 : index
            %get3A_410 = tpu.vector_load %arg7[%get3A_408, %get3A_409] {strides = array<i32>} : memref<200x32xf32, #tpu.memory_space<vmem>>, vector<1x16xf32>,
            %get3A_411 = vector.shape_cast %get3A_410 : vector<1x16xf32> to vector<16xf32>
            %add3A_412 = arith.addf %add3A_338, %get3A_411 : vector<16xf32>
            %scan3A_413 = arith.constant 2 : i32
            %scan3A_414 = arith.addi %scan3A_258, %scan3A_413 : i32
            %mul3A_415 = arith.constant 4 : i32
            %mul3A_416 = arith.muli %mul3A_415, %scan3A_414 : i32
            %add3A_417 = arith.constant 0 : i32
            %add3A_418 = arith.addi %mul3A_416, %add3A_417 : i32
            %get3A_419 = arith.index_cast %add3A_418 : i32 to index
            %get3A_420 = arith.constant 0 : index
            %get3A_421 = tpu.vector_load %arg7[%get3A_419, %get3A_420] {strides = array<i32>} : memref<200x32xf32, #tpu.memory_space<vmem>>, vector<1x16xf32>,
            %get3A_422 = vector.shape_cast %get3A_421 : vector<1x16xf32> to vector<16xf32>
            %add3A_423 = arith.addf %add3A_349, %get3A_422 : vector<16xf32>
            %mul3A_424 = arith.constant 4 : i32
            %mul3A_425 = arith.muli %mul3A_424, %scan3A_414 : i32
            %add3A_426 = arith.constant 0 : i32
            %add3A_427 = arith.addi %mul3A_425, %add3A_426 : i32
            %get3A_428 = arith.index_cast %add3A_427 : i32 to index
            %get3A_429 = arith.constant 16 : index
            %get3A_430 = tpu.vector_load %arg7[%get3A_428, %get3A_429] {strides = array<i32>} : memref<200x32xf32, #tpu.memory_space<vmem>>, vector<1x16xf32>,
            %get3A_431 = vector.shape_cast %get3A_430 : vector<1x16xf32> to vector<16xf32>
            %add3A_432 = arith.addf %add3A_358, %get3A_431 : vector<16xf32>
            %mul3A_433 = arith.constant 4 : i32
            %mul3A_434 = arith.muli %mul3A_433, %scan3A_414 : i32
            %add3A_435 = arith.constant 1 : i32
            %add3A_436 = arith.addi %mul3A_434, %add3A_435 : i32
            %get3A_437 = arith.index_cast %add3A_436 : i32 to index
            %get3A_438 = arith.constant 0 : index
            %get3A_439 = tpu.vector_load %arg7[%get3A_437, %get3A_438] {strides = array<i32>} : memref<200x32xf32, #tpu.memory_space<vmem>>, vector<1x16xf32>,
            %get3A_440 = vector.shape_cast %get3A_439 : vector<1x16xf32> to vector<16xf32>
            %add3A_441 = arith.addf %add3A_367, %get3A_440 : vector<16xf32>
            %mul3A_442 = arith.constant 4 : i32
            %mul3A_443 = arith.muli %mul3A_442, %scan3A_414 : i32
            %add3A_444 = arith.constant 1 : i32
            %add3A_445 = arith.addi %mul3A_443, %add3A_444 : i32
            %get3A_446 = arith.index_cast %add3A_445 : i32 to index
            %get3A_447 = arith.constant 16 : index
            %get3A_448 = tpu.vector_load %arg7[%get3A_446, %get3A_447] {strides = array<i32>} : memref<200x32xf32, #tpu.memory_space<vmem>>, vector<1x16xf32>,
            %get3A_449 = vector.shape_cast %get3A_448 : vector<1x16xf32> to vector<16xf32>
            %add3A_450 = arith.addf %add3A_376, %get3A_449 : vector<16xf32>
            %mul3A_451 = arith.constant 4 : i32
            %mul3A_452 = arith.muli %mul3A_451, %scan3A_414 : i32
            %add3A_453 = arith.constant 2 : i32
            %add3A_454 = arith.addi %mul3A_452, %add3A_453 : i32
            %get3A_455 = arith.index_cast %add3A_454 : i32 to index
            %get3A_456 = arith.constant 0 : index
            %get3A_457 = tpu.vector_load %arg7[%get3A_455, %get3A_456] {strides = array<i32>} : memref<200x32xf32, #tpu.memory_space<vmem>>, vector<1x16xf32>,
            %get3A_458 = vector.shape_cast %get3A_457 : vector<1x16xf32> to vector<16xf32>
            %add3A_459 = arith.addf %add3A_385, %get3A_458 : vector<16xf32>
            %mul3A_460 = arith.constant 4 : i32
            %mul3A_461 = arith.muli %mul3A_460, %scan3A_414 : i32
            %add3A_462 = arith.constant 2 : i32
            %add3A_463 = arith.addi %mul3A_461, %add3A_462 : i32
            %get3A_464 = arith.index_cast %add3A_463 : i32 to index
            %get3A_465 = arith.constant 16 : index
            %get3A_466 = tpu.vector_load %arg7[%get3A_464, %get3A_465] {strides = array<i32>} : memref<200x32xf32, #tpu.memory_space<vmem>>, vector<1x16xf32>,
            %get3A_467 = vector.shape_cast %get3A_466 : vector<1x16xf32> to vector<16xf32>
            %add3A_468 = arith.addf %add3A_394, %get3A_467 : vector<16xf32>
            %mul3A_469 = arith.constant 4 : i32
            %mul3A_470 = arith.muli %mul3A_469, %scan3A_414 : i32
            %add3A_471 = arith.constant 3 : i32
            %add3A_472 = arith.addi %mul3A_470, %add3A_471 : i32
            %get3A_473 = arith.index_cast %add3A_472 : i32 to index
            %get3A_474 = arith.constant 0 : index
            %get3A_475 = tpu.vector_load %arg7[%get3A_473, %get3A_474] {strides = array<i32>} : memref<200x32xf32, #tpu.memory_space<vmem>>, vector<1x16xf32>,
            %get3A_476 = vector.shape_cast %get3A_475 : vector<1x16xf32> to vector<16xf32>
            %add3A_477 = arith.addf %add3A_403, %get3A_476 : vector<16xf32>
            %mul3A_478 = arith.constant 4 : i32
            %mul3A_479 = arith.muli %mul3A_478, %scan3A_414 : i32
            %add3A_480 = arith.constant 3 : i32
            %add3A_481 = arith.addi %mul3A_479, %add3A_480 : i32
            %get3A_482 = arith.index_cast %add3A_481 : i32 to index
            %get3A_483 = arith.constant 16 : index
            %get3A_484 = tpu.vector_load %arg7[%get3A_482, %get3A_483] {strides = array<i32>} : memref<200x32xf32, #tpu.memory_space<vmem>>, vector<1x16xf32>,
            %get3A_485 = vector.shape_cast %get3A_484 : vector<1x16xf32> to vector<16xf32>
            %add3A_486 = arith.addf %add3A_412, %get3A_485 : vector<16xf32>
            %scan3A_487 = arith.constant 3 : i32
            %scan3A_488 = arith.addi %scan3A_258, %scan3A_487 : i32
            %mul3A_489 = arith.constant 4 : i32
            %mul3A_490 = arith.muli %mul3A_489, %scan3A_488 : i32
            %add3A_491 = arith.constant 0 : i32
            %add3A_492 = arith.addi %mul3A_490, %add3A_491 : i32
            %get3A_493 = arith.index_cast %add3A_492 : i32 to index
            %get3A_494 = arith.constant 0 : index
            %get3A_495 = tpu.vector_load %arg7[%get3A_493, %get3A_494] {strides = array<i32>} : memref<200x32xf32, #tpu.memory_space<vmem>>, vector<1x16xf32>,
            %get3A_496 = vector.shape_cast %get3A_495 : vector<1x16xf32> to vector<16xf32>
            %add3A_497 = arith.addf %add3A_423, %get3A_496 : vector<16xf32>
            %mul3A_498 = arith.constant 4 : i32
            %mul3A_499 = arith.muli %mul3A_498, %scan3A_488 : i32
            %add3A_500 = arith.constant 0 : i32
            %add3A_501 = arith.addi %mul3A_499, %add3A_500 : i32
            %get3A_502 = arith.index_cast %add3A_501 : i32 to index
            %get3A_503 = arith.constant 16 : index
            %get3A_504 = tpu.vector_load %arg7[%get3A_502, %get3A_503] {strides = array<i32>} : memref<200x32xf32, #tpu.memory_space<vmem>>, vector<1x16xf32>,
            %get3A_505 = vector.shape_cast %get3A_504 : vector<1x16xf32> to vector<16xf32>
            %add3A_506 = arith.addf %add3A_432, %get3A_505 : vector<16xf32>
            %mul3A_507 = arith.constant 4 : i32
            %mul3A_508 = arith.muli %mul3A_507, %scan3A_488 : i32
            %add3A_509 = arith.constant 1 : i32
            %add3A_510 = arith.addi %mul3A_508, %add3A_509 : i32
            %get3A_511 = arith.index_cast %add3A_510 : i32 to index
            %get3A_512 = arith.constant 0 : index
            %get3A_513 = tpu.vector_load %arg7[%get3A_511, %get3A_512] {strides = array<i32>} : memref<200x32xf32, #tpu.memory_space<vmem>>, vector<1x16xf32>,
            %get3A_514 = vector.shape_cast %get3A_513 : vector<1x16xf32> to vector<16xf32>
            %add3A_515 = arith.addf %add3A_441, %get3A_514 : vector<16xf32>
            %mul3A_516 = arith.constant 4 : i32
            %mul3A_517 = arith.muli %mul3A_516, %scan3A_488 : i32
            %add3A_518 = arith.constant 1 : i32
            %add3A_519 = arith.addi %mul3A_517, %add3A_518 : i32
            %get3A_520 = arith.index_cast %add3A_519 : i32 to index
            %get3A_521 = arith.constant 16 : index
            %get3A_522 = tpu.vector_load %arg7[%get3A_520, %get3A_521] {strides = array<i32>} : memref<200x32xf32, #tpu.memory_space<vmem>>, vector<1x16xf32>,
            %get3A_523 = vector.shape_cast %get3A_522 : vector<1x16xf32> to vector<16xf32>
            %add3A_524 = arith.addf %add3A_450, %get3A_523 : vector<16xf32>
            %mul3A_525 = arith.constant 4 : i32
            %mul3A_526 = arith.muli %mul3A_525, %scan3A_488 : i32
            %add3A_527 = arith.constant 2 : i32
            %add3A_528 = arith.addi %mul3A_526, %add3A_527 : i32
            %get3A_529 = arith.index_cast %add3A_528 : i32 to index
            %get3A_530 = arith.constant 0 : index
            %get3A_531 = tpu.vector_load %arg7[%get3A_529, %get3A_530] {strides = array<i32>} : memref<200x32xf32, #tpu.memory_space<vmem>>, vector<1x16xf32>,
            %get3A_532 = vector.shape_cast %get3A_531 : vector<1x16xf32> to vector<16xf32>
            %add3A_533 = arith.addf %add3A_459, %get3A_532 : vector<16xf32>
            %mul3A_534 = arith.constant 4 : i32
            %mul3A_535 = arith.muli %mul3A_534, %scan3A_488 : i32
            %add3A_536 = arith.constant 2 : i32
            %add3A_537 = arith.addi %mul3A_535, %add3A_536 : i32
            %get3A_538 = arith.index_cast %add3A_537 : i32 to index
            %get3A_539 = arith.constant 16 : index
            %get3A_540 = tpu.vector_load %arg7[%get3A_538, %get3A_539] {strides = array<i32>} : memref<200x32xf32, #tpu.memory_space<vmem>>, vector<1x16xf32>,
            %get3A_541 = vector.shape_cast %get3A_540 : vector<1x16xf32> to vector<16xf32>
            %add3A_542 = arith.addf %add3A_468, %get3A_541 : vector<16xf32>
            %mul3A_543 = arith.constant 4 : i32
            %mul3A_544 = arith.muli %mul3A_543, %scan3A_488 : i32
            %add3A_545 = arith.constant 3 : i32
            %add3A_546 = arith.addi %mul3A_544, %add3A_545 : i32
            %get3A_547 = arith.index_cast %add3A_546 : i32 to index
            %get3A_548 = arith.constant 0 : index
            %get3A_549 = tpu.vector_load %arg7[%get3A_547, %get3A_548] {strides = array<i32>} : memref<200x32xf32, #tpu.memory_space<vmem>>, vector<1x16xf32>,
            %get3A_550 = vector.shape_cast %get3A_549 : vector<1x16xf32> to vector<16xf32>
            %add3A_551 = arith.addf %add3A_477, %get3A_550 : vector<16xf32>
            %mul3A_552 = arith.constant 4 : i32
            %mul3A_553 = arith.muli %mul3A_552, %scan3A_488 : i32
            %add3A_554 = arith.constant 3 : i32
            %add3A_555 = arith.addi %mul3A_553, %add3A_554 : i32
            %get3A_556 = arith.index_cast %add3A_555 : i32 to index
            %get3A_557 = arith.constant 16 : index
            %get3A_558 = tpu.vector_load %arg7[%get3A_556, %get3A_557] {strides = array<i32>} : memref<200x32xf32, #tpu.memory_space<vmem>>, vector<1x16xf32>,
            %get3A_559 = vector.shape_cast %get3A_558 : vector<1x16xf32> to vector<16xf32>
            %add3A_560 = arith.addf %add3A_486, %get3A_559 : vector<16xf32>
            %scan3A_561 = arith.constant 4 : i32
            %scan3A_562 = arith.addi %scan3A_258, %scan3A_561 : i32
            %mul3A_563 = arith.constant 4 : i32
            %mul3A_564 = arith.muli %mul3A_563, %scan3A_562 : i32
            %add3A_565 = arith.constant 0 : i32
            %add3A_566 = arith.addi %mul3A_564, %add3A_565 : i32
            %get3A_567 = arith.index_cast %add3A_566 : i32 to index
            %get3A_568 = arith.constant 0 : index
            %get3A_569 = tpu.vector_load %arg7[%get3A_567, %get3A_568] {strides = array<i32>} : memref<200x32xf32, #tpu.memory_space<vmem>>, vector<1x16xf32>,
            %get3A_570 = vector.shape_cast %get3A_569 : vector<1x16xf32> to vector<16xf32>
            %add3A_571 = arith.addf %add3A_497, %get3A_570 : vector<16xf32>
            %mul3A_572 = arith.constant 4 : i32
            %mul3A_573 = arith.muli %mul3A_572, %scan3A_562 : i32
            %add3A_574 = arith.constant 0 : i32
            %add3A_575 = arith.addi %mul3A_573, %add3A_574 : i32
            %get3A_576 = arith.index_cast %add3A_575 : i32 to index
            %get3A_577 = arith.constant 16 : index
            %get3A_578 = tpu.vector_load %arg7[%get3A_576, %get3A_577] {strides = array<i32>} : memref<200x32xf32, #tpu.memory_space<vmem>>, vector<1x16xf32>,
            %get3A_579 = vector.shape_cast %get3A_578 : vector<1x16xf32> to vector<16xf32>
            %add3A_580 = arith.addf %add3A_506, %get3A_579 : vector<16xf32>
            %mul3A_581 = arith.constant 4 : i32
            %mul3A_582 = arith.muli %mul3A_581, %scan3A_562 : i32
            %add3A_583 = arith.constant 1 : i32
            %add3A_584 = arith.addi %mul3A_582, %add3A_583 : i32
            %get3A_585 = arith.index_cast %add3A_584 : i32 to index
            %get3A_586 = arith.constant 0 : index
            %get3A_587 = tpu.vector_load %arg7[%get3A_585, %get3A_586] {strides = array<i32>} : memref<200x32xf32, #tpu.memory_space<vmem>>, vector<1x16xf32>,
            %get3A_588 = vector.shape_cast %get3A_587 : vector<1x16xf32> to vector<16xf32>
            %add3A_589 = arith.addf %add3A_515, %get3A_588 : vector<16xf32>
            %mul3A_590 = arith.constant 4 : i32
            %mul3A_591 = arith.muli %mul3A_590, %scan3A_562 : i32
            %add3A_592 = arith.constant 1 : i32
            %add3A_593 = arith.addi %mul3A_591, %add3A_592 : i32
            %get3A_594 = arith.index_cast %add3A_593 : i32 to index
            %get3A_595 = arith.constant 16 : index
            %get3A_596 = tpu.vector_load %arg7[%get3A_594, %get3A_595] {strides = array<i32>} : memref<200x32xf32, #tpu.memory_space<vmem>>, vector<1x16xf32>,
            %get3A_597 = vector.shape_cast %get3A_596 : vector<1x16xf32> to vector<16xf32>
            %add3A_598 = arith.addf %add3A_524, %get3A_597 : vector<16xf32>
            %mul3A_599 = arith.constant 4 : i32
            %mul3A_600 = arith.muli %mul3A_599, %scan3A_562 : i32
            %add3A_601 = arith.constant 2 : i32
            %add3A_602 = arith.addi %mul3A_600, %add3A_601 : i32
            %get3A_603 = arith.index_cast %add3A_602 : i32 to index
            %get3A_604 = arith.constant 0 : index
            %get3A_605 = tpu.vector_load %arg7[%get3A_603, %get3A_604] {strides = array<i32>} : memref<200x32xf32, #tpu.memory_space<vmem>>, vector<1x16xf32>,
            %get3A_606 = vector.shape_cast %get3A_605 : vector<1x16xf32> to vector<16xf32>
            %add3A_607 = arith.addf %add3A_533, %get3A_606 : vector<16xf32>
            %mul3A_608 = arith.constant 4 : i32
            %mul3A_609 = arith.muli %mul3A_608, %scan3A_562 : i32
            %add3A_610 = arith.constant 2 : i32
            %add3A_611 = arith.addi %mul3A_609, %add3A_610 : i32
            %get3A_612 = arith.index_cast %add3A_611 : i32 to index
            %get3A_613 = arith.constant 16 : index
            %get3A_614 = tpu.vector_load %arg7[%get3A_612, %get3A_613] {strides = array<i32>} : memref<200x32xf32, #tpu.memory_space<vmem>>, vector<1x16xf32>,
            %get3A_615 = vector.shape_cast %get3A_614 : vector<1x16xf32> to vector<16xf32>
            %add3A_616 = arith.addf %add3A_542, %get3A_615 : vector<16xf32>
            %mul3A_617 = arith.constant 4 : i32
            %mul3A_618 = arith.muli %mul3A_617, %scan3A_562 : i32
            %add3A_619 = arith.constant 3 : i32
            %add3A_620 = arith.addi %mul3A_618, %add3A_619 : i32
            %get3A_621 = arith.index_cast %add3A_620 : i32 to index
            %get3A_622 = arith.constant 0 : index
            %get3A_623 = tpu.vector_load %arg7[%get3A_621, %get3A_622] {strides = array<i32>} : memref<200x32xf32, #tpu.memory_space<vmem>>, vector<1x16xf32>,
            %get3A_624 = vector.shape_cast %get3A_623 : vector<1x16xf32> to vector<16xf32>
            %add3A_625 = arith.addf %add3A_551, %get3A_624 : vector<16xf32>
            %mul3A_626 = arith.constant 4 : i32
            %mul3A_627 = arith.muli %mul3A_626, %scan3A_562 : i32
            %add3A_628 = arith.constant 3 : i32
            %add3A_629 = arith.addi %mul3A_627, %add3A_628 : i32
            %get3A_630 = arith.index_cast %add3A_629 : i32 to index
            %get3A_631 = arith.constant 16 : index
            %get3A_632 = tpu.vector_load %arg7[%get3A_630, %get3A_631] {strides = array<i32>} : memref<200x32xf32, #tpu.memory_space<vmem>>, vector<1x16xf32>,
            %get3A_633 = vector.shape_cast %get3A_632 : vector<1x16xf32> to vector<16xf32>
            %add3A_634 = arith.addf %add3A_560, %get3A_633 : vector<16xf32>
            scf.yield %add3A_571, %add3A_589, %add3A_607, %add3A_625, %add3A_580, %add3A_598, %add3A_616, %add3A_634 : vector<16xf32>, vector<16xf32>, vector<16xf32>, vector<16xf32>, vector<16xf32>, vector<16xf32>, vector<16xf32>, vector<16xf32>
          }
          %scan3A_237 = arith.constant 50 : i32
          %add3A_238 = arith.addf %scan3A_236#0, %scan3A_236#1 : vector<16xf32>
          %add3A_239 = arith.addf %scan3A_236#2, %scan3A_236#3 : vector<16xf32>
          %add3A_240 = arith.addf %add3A_238, %add3A_239 : vector<16xf32>
          %mul3A_241 = arith.constant 32 : i32
          %mul3A_242 = arith.muli %sub3A_215, %mul3A_241 : i32
          %swap3A_243 = arith.index_cast %mul3A_242 : i32 to index
          %swap3A_244 = tpu.vector_load %arg9[%swap3A_243] {strides = array<i32>} : memref<4096xf32, #tpu.memory_space<vmem>>, vector<16xf32>,
          %swap3A_245 = vector.shape_cast %swap3A_244 : vector<16xf32> to vector<16xf32>
          %swap3A_246 = vector.shape_cast %add3A_240 : vector<16xf32> to vector<16xf32>
          tpu.vector_store %arg9[%swap3A_243], %swap3A_246 {strides = array<i32>} : memref<4096xf32, #tpu.memory_space<vmem>>, vector<16xf32>,
          %add3A_247 = arith.addf %scan3A_236#4, %scan3A_236#5 : vector<16xf32>
          %add3A_248 = arith.addf %scan3A_236#6, %scan3A_236#7 : vector<16xf32>
          %add3A_249 = arith.addf %add3A_247, %add3A_248 : vector<16xf32>
          %mul3A_250 = arith.constant 32 : i32
          %mul3A_251 = arith.muli %sub3A_215, %mul3A_250 : i32
          %add3A_252 = arith.constant 16 : i32
          %add3A_253 = arith.addi %mul3A_251, %add3A_252 : i32
          %swap3A_254 = arith.index_cast %add3A_253 : i32 to index
          %swap3A_255 = tpu.vector_load %arg9[%swap3A_254] {strides = array<i32>} : memref<4096xf32, #tpu.memory_space<vmem>>, vector<16xf32>,
          %swap3A_256 = vector.shape_cast %swap3A_255 : vector<16xf32> to vector<16xf32>
          %swap3A_257 = vector.shape_cast %add3A_249 : vector<16xf32> to vector<16xf32>
          tpu.vector_store %arg9[%swap3A_254], %swap3A_257 {strides = array<i32>} : memref<4096xf32, #tpu.memory_space<vmem>>, vector<16xf32>,
        } else {
        }
      }
      %scan3A_66 = arith.constant 0 : i32
      scf.yield %scan3A_66 : i32
    }
    %scan3A_19 = arith.constant 128 : i32
    %dma_wait3A = arith.constant 0 : i32
    %dma_wait3A_20 = arith.constant 0 : i32
    %dma_wait3A_21 = tpu.memref_slice %arg2[%dma_wait3A, %dma_wait3A_20] : memref<1000000x32xf32, #tpu.memory_space<hbm>> -> memref<200x32xf32, #tpu.memory_space<hbm>>
    %dma_wait3A_22 = arith.constant 0 : i32
    %dma_wait3A_23 = arith.constant 0 : i32
    %dma_wait3A_24 = tpu.memref_slice %arg2[%dma_wait3A_22, %dma_wait3A_23] : memref<1000000x32xf32, #tpu.memory_space<hbm>> -> memref<200x32xf32, #tpu.memory_space<hbm>>
    tpu.wait_dma2 semaphore(%arg11 : memref<!tpu.dma_semaphore, #tpu.memory_space<semaphore_mem>>) src(%dma_wait3A_24 : memref<200x32xf32, #tpu.memory_space<hbm>>) dst(%arg8 : memref<200x32xf32, #tpu.memory_space<vmem>>)
    %broadcast_in_dim3A = arith.constant 0.000000e+00 : f32
    %broadcast_in_dim3A_25 = vector.broadcast %broadcast_in_dim3A : f32 to vector<16xf32>
    %broadcast_in_dim3A_26 = arith.constant 0.000000e+00 : f32
    %broadcast_in_dim3A_27 = vector.broadcast %broadcast_in_dim3A_26 : f32 to vector<16xf32>
    %broadcast_in_dim3A_28 = arith.constant 0.000000e+00 : f32
    %broadcast_in_dim3A_29 = vector.broadcast %broadcast_in_dim3A_28 : f32 to vector<16xf32>
    %broadcast_in_dim3A_30 = arith.constant 0.000000e+00 : f32
    %broadcast_in_dim3A_31 = vector.broadcast %broadcast_in_dim3A_30 : f32 to vector<16xf32>
    %broadcast_in_dim3A_32 = arith.constant 0.000000e+00 : f32
    %broadcast_in_dim3A_33 = vector.broadcast %broadcast_in_dim3A_32 : f32 to vector<16xf32>
    %broadcast_in_dim3A_34 = arith.constant 0.000000e+00 : f32
    %broadcast_in_dim3A_35 = vector.broadcast %broadcast_in_dim3A_34 : f32 to vector<16xf32>
    %broadcast_in_dim3A_36 = arith.constant 0.000000e+00 : f32
    %broadcast_in_dim3A_37 = vector.broadcast %broadcast_in_dim3A_36 : f32 to vector<16xf32>
    %broadcast_in_dim3A_38 = arith.constant 0.000000e+00 : f32
    %broadcast_in_dim3A_39 = vector.broadcast %broadcast_in_dim3A_38 : f32 to vector<16xf32>
    %scan3A_40 = arith.constant 0 : i32
    %scan3A_41 = arith.constant 50 : i32
    %scan3A_42 = arith.addi %scan3A_40, %scan3A_41 : i32
    %scan3A_43 = arith.constant 5 : i32
    %scan3A_44:8 = scf.for %scan3A_61 = %scan3A_40 to %scan3A_42 step %scan3A_43 iter_args(%scan3A_62 = %broadcast_in_dim3A_25, %scan3A_63 = %broadcast_in_dim3A_27, %scan3A_64 = %broadcast_in_dim3A_29, %scan3A_65 = %broadcast_in_dim3A_31, %scan3A_66 = %broadcast_in_dim3A_33, %scan3A_67 = %broadcast_in_dim3A_35, %scan3A_68 = %broadcast_in_dim3A_37, %scan3A_69 = %broadcast_in_dim3A_39) -> (vector<16xf32>, vector<16xf32>, vector<16xf32>, vector<16xf32>, vector<16xf32>, vector<16xf32>, vector<16xf32>, vector<16xf32>)  : i32 {
      %mul3A_70 = arith.constant 4 : i32
      %mul3A_71 = arith.muli %mul3A_70, %scan3A_61 : i32
      %add3A_72 = arith.constant 0 : i32
      %add3A_73 = arith.addi %mul3A_71, %add3A_72 : i32
      %get3A = arith.index_cast %add3A_73 : i32 to index
      %get3A_74 = arith.constant 0 : index
      %get3A_75 = tpu.vector_load %arg8[%get3A, %get3A_74] {strides = array<i32>} : memref<200x32xf32, #tpu.memory_space<vmem>>, vector<1x16xf32>,
      %get3A_76 = vector.shape_cast %get3A_75 : vector<1x16xf32> to vector<16xf32>
      %add3A_77 = arith.addf %scan3A_62, %get3A_76 : vector<16xf32>
      %mul3A_78 = arith.constant 4 : i32
      %mul3A_79 = arith.muli %mul3A_78, %scan3A_61 : i32
      %add3A_80 = arith.constant 0 : i32
      %add3A_81 = arith.addi %mul3A_79, %add3A_80 : i32
      %get3A_82 = arith.index_cast %add3A_81 : i32 to index
      %get3A_83 = arith.constant 16 : index
      %get3A_84 = tpu.vector_load %arg8[%get3A_82, %get3A_83] {strides = array<i32>} : memref<200x32xf32, #tpu.memory_space<vmem>>, vector<1x16xf32>,
      %get3A_85 = vector.shape_cast %get3A_84 : vector<1x16xf32> to vector<16xf32>
      %add3A_86 = arith.addf %scan3A_66, %get3A_85 : vector<16xf32>
      %mul3A_87 = arith.constant 4 : i32
      %mul3A_88 = arith.muli %mul3A_87, %scan3A_61 : i32
      %add3A_89 = arith.constant 1 : i32
      %add3A_90 = arith.addi %mul3A_88, %add3A_89 : i32
      %get3A_91 = arith.index_cast %add3A_90 : i32 to index
      %get3A_92 = arith.constant 0 : index
      %get3A_93 = tpu.vector_load %arg8[%get3A_91, %get3A_92] {strides = array<i32>} : memref<200x32xf32, #tpu.memory_space<vmem>>, vector<1x16xf32>,
      %get3A_94 = vector.shape_cast %get3A_93 : vector<1x16xf32> to vector<16xf32>
      %add3A_95 = arith.addf %scan3A_63, %get3A_94 : vector<16xf32>
      %mul3A_96 = arith.constant 4 : i32
      %mul3A_97 = arith.muli %mul3A_96, %scan3A_61 : i32
      %add3A_98 = arith.constant 1 : i32
      %add3A_99 = arith.addi %mul3A_97, %add3A_98 : i32
      %get3A_100 = arith.index_cast %add3A_99 : i32 to index
      %get3A_101 = arith.constant 16 : index
      %get3A_102 = tpu.vector_load %arg8[%get3A_100, %get3A_101] {strides = array<i32>} : memref<200x32xf32, #tpu.memory_space<vmem>>, vector<1x16xf32>,
      %get3A_103 = vector.shape_cast %get3A_102 : vector<1x16xf32> to vector<16xf32>
      %add3A_104 = arith.addf %scan3A_67, %get3A_103 : vector<16xf32>
      %mul3A_105 = arith.constant 4 : i32
      %mul3A_106 = arith.muli %mul3A_105, %scan3A_61 : i32
      %add3A_107 = arith.constant 2 : i32
      %add3A_108 = arith.addi %mul3A_106, %add3A_107 : i32
      %get3A_109 = arith.index_cast %add3A_108 : i32 to index
      %get3A_110 = arith.constant 0 : index
      %get3A_111 = tpu.vector_load %arg8[%get3A_109, %get3A_110] {strides = array<i32>} : memref<200x32xf32, #tpu.memory_space<vmem>>, vector<1x16xf32>,
      %get3A_112 = vector.shape_cast %get3A_111 : vector<1x16xf32> to vector<16xf32>
      %add3A_113 = arith.addf %scan3A_64, %get3A_112 : vector<16xf32>
      %mul3A_114 = arith.constant 4 : i32
      %mul3A_115 = arith.muli %mul3A_114, %scan3A_61 : i32
      %add3A_116 = arith.constant 2 : i32
      %add3A_117 = arith.addi %mul3A_115, %add3A_116 : i32
      %get3A_118 = arith.index_cast %add3A_117 : i32 to index
      %get3A_119 = arith.constant 16 : index
      %get3A_120 = tpu.vector_load %arg8[%get3A_118, %get3A_119] {strides = array<i32>} : memref<200x32xf32, #tpu.memory_space<vmem>>, vector<1x16xf32>,
      %get3A_121 = vector.shape_cast %get3A_120 : vector<1x16xf32> to vector<16xf32>
      %add3A_122 = arith.addf %scan3A_68, %get3A_121 : vector<16xf32>
      %mul3A_123 = arith.constant 4 : i32
      %mul3A_124 = arith.muli %mul3A_123, %scan3A_61 : i32
      %add3A_125 = arith.constant 3 : i32
      %add3A_126 = arith.addi %mul3A_124, %add3A_125 : i32
      %get3A_127 = arith.index_cast %add3A_126 : i32 to index
      %get3A_128 = arith.constant 0 : index
      %get3A_129 = tpu.vector_load %arg8[%get3A_127, %get3A_128] {strides = array<i32>} : memref<200x32xf32, #tpu.memory_space<vmem>>, vector<1x16xf32>,
      %get3A_130 = vector.shape_cast %get3A_129 : vector<1x16xf32> to vector<16xf32>
      %add3A_131 = arith.addf %scan3A_65, %get3A_130 : vector<16xf32>
      %mul3A_132 = arith.constant 4 : i32
      %mul3A_133 = arith.muli %mul3A_132, %scan3A_61 : i32
      %add3A_134 = arith.constant 3 : i32
      %add3A_135 = arith.addi %mul3A_133, %add3A_134 : i32
      %get3A_136 = arith.index_cast %add3A_135 : i32 to index
      %get3A_137 = arith.constant 16 : index
      %get3A_138 = tpu.vector_load %arg8[%get3A_136, %get3A_137] {strides = array<i32>} : memref<200x32xf32, #tpu.memory_space<vmem>>, vector<1x16xf32>,
      %get3A_139 = vector.shape_cast %get3A_138 : vector<1x16xf32> to vector<16xf32>
      %add3A_140 = arith.addf %scan3A_69, %get3A_139 : vector<16xf32>
      %scan3A_141 = arith.constant 1 : i32
      %scan3A_142 = arith.addi %scan3A_61, %scan3A_141 : i32
      %mul3A_143 = arith.constant 4 : i32
      %mul3A_144 = arith.muli %mul3A_143, %scan3A_142 : i32
      %add3A_145 = arith.constant 0 : i32
      %add3A_146 = arith.addi %mul3A_144, %add3A_145 : i32
      %get3A_147 = arith.index_cast %add3A_146 : i32 to index
      %get3A_148 = arith.constant 0 : index
      %get3A_149 = tpu.vector_load %arg8[%get3A_147, %get3A_148] {strides = array<i32>} : memref<200x32xf32, #tpu.memory_space<vmem>>, vector<1x16xf32>,
      %get3A_150 = vector.shape_cast %get3A_149 : vector<1x16xf32> to vector<16xf32>
      %add3A_151 = arith.addf %add3A_77, %get3A_150 : vector<16xf32>
      %mul3A_152 = arith.constant 4 : i32
      %mul3A_153 = arith.muli %mul3A_152, %scan3A_142 : i32
      %add3A_154 = arith.constant 0 : i32
      %add3A_155 = arith.addi %mul3A_153, %add3A_154 : i32
      %get3A_156 = arith.index_cast %add3A_155 : i32 to index
      %get3A_157 = arith.constant 16 : index
      %get3A_158 = tpu.vector_load %arg8[%get3A_156, %get3A_157] {strides = array<i32>} : memref<200x32xf32, #tpu.memory_space<vmem>>, vector<1x16xf32>,
      %get3A_159 = vector.shape_cast %get3A_158 : vector<1x16xf32> to vector<16xf32>
      %add3A_160 = arith.addf %add3A_86, %get3A_159 : vector<16xf32>
      %mul3A_161 = arith.constant 4 : i32
      %mul3A_162 = arith.muli %mul3A_161, %scan3A_142 : i32
      %add3A_163 = arith.constant 1 : i32
      %add3A_164 = arith.addi %mul3A_162, %add3A_163 : i32
      %get3A_165 = arith.index_cast %add3A_164 : i32 to index
      %get3A_166 = arith.constant 0 : index
      %get3A_167 = tpu.vector_load %arg8[%get3A_165, %get3A_166] {strides = array<i32>} : memref<200x32xf32, #tpu.memory_space<vmem>>, vector<1x16xf32>,
      %get3A_168 = vector.shape_cast %get3A_167 : vector<1x16xf32> to vector<16xf32>
      %add3A_169 = arith.addf %add3A_95, %get3A_168 : vector<16xf32>
      %mul3A_170 = arith.constant 4 : i32
      %mul3A_171 = arith.muli %mul3A_170, %scan3A_142 : i32
      %add3A_172 = arith.constant 1 : i32
      %add3A_173 = arith.addi %mul3A_171, %add3A_172 : i32
      %get3A_174 = arith.index_cast %add3A_173 : i32 to index
      %get3A_175 = arith.constant 16 : index
      %get3A_176 = tpu.vector_load %arg8[%get3A_174, %get3A_175] {strides = array<i32>} : memref<200x32xf32, #tpu.memory_space<vmem>>, vector<1x16xf32>,
      %get3A_177 = vector.shape_cast %get3A_176 : vector<1x16xf32> to vector<16xf32>
      %add3A_178 = arith.addf %add3A_104, %get3A_177 : vector<16xf32>
      %mul3A_179 = arith.constant 4 : i32
      %mul3A_180 = arith.muli %mul3A_179, %scan3A_142 : i32
      %add3A_181 = arith.constant 2 : i32
      %add3A_182 = arith.addi %mul3A_180, %add3A_181 : i32
      %get3A_183 = arith.index_cast %add3A_182 : i32 to index
      %get3A_184 = arith.constant 0 : index
      %get3A_185 = tpu.vector_load %arg8[%get3A_183, %get3A_184] {strides = array<i32>} : memref<200x32xf32, #tpu.memory_space<vmem>>, vector<1x16xf32>,
      %get3A_186 = vector.shape_cast %get3A_185 : vector<1x16xf32> to vector<16xf32>
      %add3A_187 = arith.addf %add3A_113, %get3A_186 : vector<16xf32>
      %mul3A_188 = arith.constant 4 : i32
      %mul3A_189 = arith.muli %mul3A_188, %scan3A_142 : i32
      %add3A_190 = arith.constant 2 : i32
      %add3A_191 = arith.addi %mul3A_189, %add3A_190 : i32
      %get3A_192 = arith.index_cast %add3A_191 : i32 to index
      %get3A_193 = arith.constant 16 : index
      %get3A_194 = tpu.vector_load %arg8[%get3A_192, %get3A_193] {strides = array<i32>} : memref<200x32xf32, #tpu.memory_space<vmem>>, vector<1x16xf32>,
      %get3A_195 = vector.shape_cast %get3A_194 : vector<1x16xf32> to vector<16xf32>
      %add3A_196 = arith.addf %add3A_122, %get3A_195 : vector<16xf32>
      %mul3A_197 = arith.constant 4 : i32
      %mul3A_198 = arith.muli %mul3A_197, %scan3A_142 : i32
      %add3A_199 = arith.constant 3 : i32
      %add3A_200 = arith.addi %mul3A_198, %add3A_199 : i32
      %get3A_201 = arith.index_cast %add3A_200 : i32 to index
      %get3A_202 = arith.constant 0 : index
      %get3A_203 = tpu.vector_load %arg8[%get3A_201, %get3A_202] {strides = array<i32>} : memref<200x32xf32, #tpu.memory_space<vmem>>, vector<1x16xf32>,
      %get3A_204 = vector.shape_cast %get3A_203 : vector<1x16xf32> to vector<16xf32>
      %add3A_205 = arith.addf %add3A_131, %get3A_204 : vector<16xf32>
      %mul3A_206 = arith.constant 4 : i32
      %mul3A_207 = arith.muli %mul3A_206, %scan3A_142 : i32
      %add3A_208 = arith.constant 3 : i32
      %add3A_209 = arith.addi %mul3A_207, %add3A_208 : i32
      %get3A_210 = arith.index_cast %add3A_209 : i32 to index
      %get3A_211 = arith.constant 16 : index
      %get3A_212 = tpu.vector_load %arg8[%get3A_210, %get3A_211] {strides = array<i32>} : memref<200x32xf32, #tpu.memory_space<vmem>>, vector<1x16xf32>,
      %get3A_213 = vector.shape_cast %get3A_212 : vector<1x16xf32> to vector<16xf32>
      %add3A_214 = arith.addf %add3A_140, %get3A_213 : vector<16xf32>
      %scan3A_215 = arith.constant 2 : i32
      %scan3A_216 = arith.addi %scan3A_61, %scan3A_215 : i32
      %mul3A_217 = arith.constant 4 : i32
      %mul3A_218 = arith.muli %mul3A_217, %scan3A_216 : i32
      %add3A_219 = arith.constant 0 : i32
      %add3A_220 = arith.addi %mul3A_218, %add3A_219 : i32
      %get3A_221 = arith.index_cast %add3A_220 : i32 to index
      %get3A_222 = arith.constant 0 : index
      %get3A_223 = tpu.vector_load %arg8[%get3A_221, %get3A_222] {strides = array<i32>} : memref<200x32xf32, #tpu.memory_space<vmem>>, vector<1x16xf32>,
      %get3A_224 = vector.shape_cast %get3A_223 : vector<1x16xf32> to vector<16xf32>
      %add3A_225 = arith.addf %add3A_151, %get3A_224 : vector<16xf32>
      %mul3A_226 = arith.constant 4 : i32
      %mul3A_227 = arith.muli %mul3A_226, %scan3A_216 : i32
      %add3A_228 = arith.constant 0 : i32
      %add3A_229 = arith.addi %mul3A_227, %add3A_228 : i32
      %get3A_230 = arith.index_cast %add3A_229 : i32 to index
      %get3A_231 = arith.constant 16 : index
      %get3A_232 = tpu.vector_load %arg8[%get3A_230, %get3A_231] {strides = array<i32>} : memref<200x32xf32, #tpu.memory_space<vmem>>, vector<1x16xf32>,
      %get3A_233 = vector.shape_cast %get3A_232 : vector<1x16xf32> to vector<16xf32>
      %add3A_234 = arith.addf %add3A_160, %get3A_233 : vector<16xf32>
      %mul3A_235 = arith.constant 4 : i32
      %mul3A_236 = arith.muli %mul3A_235, %scan3A_216 : i32
      %add3A_237 = arith.constant 1 : i32
      %add3A_238 = arith.addi %mul3A_236, %add3A_237 : i32
      %get3A_239 = arith.index_cast %add3A_238 : i32 to index
      %get3A_240 = arith.constant 0 : index
      %get3A_241 = tpu.vector_load %arg8[%get3A_239, %get3A_240] {strides = array<i32>} : memref<200x32xf32, #tpu.memory_space<vmem>>, vector<1x16xf32>,
      %get3A_242 = vector.shape_cast %get3A_241 : vector<1x16xf32> to vector<16xf32>
      %add3A_243 = arith.addf %add3A_169, %get3A_242 : vector<16xf32>
      %mul3A_244 = arith.constant 4 : i32
      %mul3A_245 = arith.muli %mul3A_244, %scan3A_216 : i32
      %add3A_246 = arith.constant 1 : i32
      %add3A_247 = arith.addi %mul3A_245, %add3A_246 : i32
      %get3A_248 = arith.index_cast %add3A_247 : i32 to index
      %get3A_249 = arith.constant 16 : index
      %get3A_250 = tpu.vector_load %arg8[%get3A_248, %get3A_249] {strides = array<i32>} : memref<200x32xf32, #tpu.memory_space<vmem>>, vector<1x16xf32>,
      %get3A_251 = vector.shape_cast %get3A_250 : vector<1x16xf32> to vector<16xf32>
      %add3A_252 = arith.addf %add3A_178, %get3A_251 : vector<16xf32>
      %mul3A_253 = arith.constant 4 : i32
      %mul3A_254 = arith.muli %mul3A_253, %scan3A_216 : i32
      %add3A_255 = arith.constant 2 : i32
      %add3A_256 = arith.addi %mul3A_254, %add3A_255 : i32
      %get3A_257 = arith.index_cast %add3A_256 : i32 to index
      %get3A_258 = arith.constant 0 : index
      %get3A_259 = tpu.vector_load %arg8[%get3A_257, %get3A_258] {strides = array<i32>} : memref<200x32xf32, #tpu.memory_space<vmem>>, vector<1x16xf32>,
      %get3A_260 = vector.shape_cast %get3A_259 : vector<1x16xf32> to vector<16xf32>
      %add3A_261 = arith.addf %add3A_187, %get3A_260 : vector<16xf32>
      %mul3A_262 = arith.constant 4 : i32
      %mul3A_263 = arith.muli %mul3A_262, %scan3A_216 : i32
      %add3A_264 = arith.constant 2 : i32
      %add3A_265 = arith.addi %mul3A_263, %add3A_264 : i32
      %get3A_266 = arith.index_cast %add3A_265 : i32 to index
      %get3A_267 = arith.constant 16 : index
      %get3A_268 = tpu.vector_load %arg8[%get3A_266, %get3A_267] {strides = array<i32>} : memref<200x32xf32, #tpu.memory_space<vmem>>, vector<1x16xf32>,
      %get3A_269 = vector.shape_cast %get3A_268 : vector<1x16xf32> to vector<16xf32>
      %add3A_270 = arith.addf %add3A_196, %get3A_269 : vector<16xf32>
      %mul3A_271 = arith.constant 4 : i32
      %mul3A_272 = arith.muli %mul3A_271, %scan3A_216 : i32
      %add3A_273 = arith.constant 3 : i32
      %add3A_274 = arith.addi %mul3A_272, %add3A_273 : i32
      %get3A_275 = arith.index_cast %add3A_274 : i32 to index
      %get3A_276 = arith.constant 0 : index
      %get3A_277 = tpu.vector_load %arg8[%get3A_275, %get3A_276] {strides = array<i32>} : memref<200x32xf32, #tpu.memory_space<vmem>>, vector<1x16xf32>,
      %get3A_278 = vector.shape_cast %get3A_277 : vector<1x16xf32> to vector<16xf32>
      %add3A_279 = arith.addf %add3A_205, %get3A_278 : vector<16xf32>
      %mul3A_280 = arith.constant 4 : i32
      %mul3A_281 = arith.muli %mul3A_280, %scan3A_216 : i32
      %add3A_282 = arith.constant 3 : i32
      %add3A_283 = arith.addi %mul3A_281, %add3A_282 : i32
      %get3A_284 = arith.index_cast %add3A_283 : i32 to index
      %get3A_285 = arith.constant 16 : index
      %get3A_286 = tpu.vector_load %arg8[%get3A_284, %get3A_285] {strides = array<i32>} : memref<200x32xf32, #tpu.memory_space<vmem>>, vector<1x16xf32>,
      %get3A_287 = vector.shape_cast %get3A_286 : vector<1x16xf32> to vector<16xf32>
      %add3A_288 = arith.addf %add3A_214, %get3A_287 : vector<16xf32>
      %scan3A_289 = arith.constant 3 : i32
      %scan3A_290 = arith.addi %scan3A_61, %scan3A_289 : i32
      %mul3A_291 = arith.constant 4 : i32
      %mul3A_292 = arith.muli %mul3A_291, %scan3A_290 : i32
      %add3A_293 = arith.constant 0 : i32
      %add3A_294 = arith.addi %mul3A_292, %add3A_293 : i32
      %get3A_295 = arith.index_cast %add3A_294 : i32 to index
      %get3A_296 = arith.constant 0 : index
      %get3A_297 = tpu.vector_load %arg8[%get3A_295, %get3A_296] {strides = array<i32>} : memref<200x32xf32, #tpu.memory_space<vmem>>, vector<1x16xf32>,
      %get3A_298 = vector.shape_cast %get3A_297 : vector<1x16xf32> to vector<16xf32>
      %add3A_299 = arith.addf %add3A_225, %get3A_298 : vector<16xf32>
      %mul3A_300 = arith.constant 4 : i32
      %mul3A_301 = arith.muli %mul3A_300, %scan3A_290 : i32
      %add3A_302 = arith.constant 0 : i32
      %add3A_303 = arith.addi %mul3A_301, %add3A_302 : i32
      %get3A_304 = arith.index_cast %add3A_303 : i32 to index
      %get3A_305 = arith.constant 16 : index
      %get3A_306 = tpu.vector_load %arg8[%get3A_304, %get3A_305] {strides = array<i32>} : memref<200x32xf32, #tpu.memory_space<vmem>>, vector<1x16xf32>,
      %get3A_307 = vector.shape_cast %get3A_306 : vector<1x16xf32> to vector<16xf32>
      %add3A_308 = arith.addf %add3A_234, %get3A_307 : vector<16xf32>
      %mul3A_309 = arith.constant 4 : i32
      %mul3A_310 = arith.muli %mul3A_309, %scan3A_290 : i32
      %add3A_311 = arith.constant 1 : i32
      %add3A_312 = arith.addi %mul3A_310, %add3A_311 : i32
      %get3A_313 = arith.index_cast %add3A_312 : i32 to index
      %get3A_314 = arith.constant 0 : index
      %get3A_315 = tpu.vector_load %arg8[%get3A_313, %get3A_314] {strides = array<i32>} : memref<200x32xf32, #tpu.memory_space<vmem>>, vector<1x16xf32>,
      %get3A_316 = vector.shape_cast %get3A_315 : vector<1x16xf32> to vector<16xf32>
      %add3A_317 = arith.addf %add3A_243, %get3A_316 : vector<16xf32>
      %mul3A_318 = arith.constant 4 : i32
      %mul3A_319 = arith.muli %mul3A_318, %scan3A_290 : i32
      %add3A_320 = arith.constant 1 : i32
      %add3A_321 = arith.addi %mul3A_319, %add3A_320 : i32
      %get3A_322 = arith.index_cast %add3A_321 : i32 to index
      %get3A_323 = arith.constant 16 : index
      %get3A_324 = tpu.vector_load %arg8[%get3A_322, %get3A_323] {strides = array<i32>} : memref<200x32xf32, #tpu.memory_space<vmem>>, vector<1x16xf32>,
      %get3A_325 = vector.shape_cast %get3A_324 : vector<1x16xf32> to vector<16xf32>
      %add3A_326 = arith.addf %add3A_252, %get3A_325 : vector<16xf32>
      %mul3A_327 = arith.constant 4 : i32
      %mul3A_328 = arith.muli %mul3A_327, %scan3A_290 : i32
      %add3A_329 = arith.constant 2 : i32
      %add3A_330 = arith.addi %mul3A_328, %add3A_329 : i32
      %get3A_331 = arith.index_cast %add3A_330 : i32 to index
      %get3A_332 = arith.constant 0 : index
      %get3A_333 = tpu.vector_load %arg8[%get3A_331, %get3A_332] {strides = array<i32>} : memref<200x32xf32, #tpu.memory_space<vmem>>, vector<1x16xf32>,
      %get3A_334 = vector.shape_cast %get3A_333 : vector<1x16xf32> to vector<16xf32>
      %add3A_335 = arith.addf %add3A_261, %get3A_334 : vector<16xf32>
      %mul3A_336 = arith.constant 4 : i32
      %mul3A_337 = arith.muli %mul3A_336, %scan3A_290 : i32
      %add3A_338 = arith.constant 2 : i32
      %add3A_339 = arith.addi %mul3A_337, %add3A_338 : i32
      %get3A_340 = arith.index_cast %add3A_339 : i32 to index
      %get3A_341 = arith.constant 16 : index
      %get3A_342 = tpu.vector_load %arg8[%get3A_340, %get3A_341] {strides = array<i32>} : memref<200x32xf32, #tpu.memory_space<vmem>>, vector<1x16xf32>,
      %get3A_343 = vector.shape_cast %get3A_342 : vector<1x16xf32> to vector<16xf32>
      %add3A_344 = arith.addf %add3A_270, %get3A_343 : vector<16xf32>
      %mul3A_345 = arith.constant 4 : i32
      %mul3A_346 = arith.muli %mul3A_345, %scan3A_290 : i32
      %add3A_347 = arith.constant 3 : i32
      %add3A_348 = arith.addi %mul3A_346, %add3A_347 : i32
      %get3A_349 = arith.index_cast %add3A_348 : i32 to index
      %get3A_350 = arith.constant 0 : index
      %get3A_351 = tpu.vector_load %arg8[%get3A_349, %get3A_350] {strides = array<i32>} : memref<200x32xf32, #tpu.memory_space<vmem>>, vector<1x16xf32>,
      %get3A_352 = vector.shape_cast %get3A_351 : vector<1x16xf32> to vector<16xf32>
      %add3A_353 = arith.addf %add3A_279, %get3A_352 : vector<16xf32>
      %mul3A_354 = arith.constant 4 : i32
      %mul3A_355 = arith.muli %mul3A_354, %scan3A_290 : i32
      %add3A_356 = arith.constant 3 : i32
      %add3A_357 = arith.addi %mul3A_355, %add3A_356 : i32
      %get3A_358 = arith.index_cast %add3A_357 : i32 to index
      %get3A_359 = arith.constant 16 : index
      %get3A_360 = tpu.vector_load %arg8[%get3A_358, %get3A_359] {strides = array<i32>} : memref<200x32xf32, #tpu.memory_space<vmem>>, vector<1x16xf32>,
      %get3A_361 = vector.shape_cast %get3A_360 : vector<1x16xf32> to vector<16xf32>
      %add3A_362 = arith.addf %add3A_288, %get3A_361 : vector<16xf32>
      %scan3A_363 = arith.constant 4 : i32
      %scan3A_364 = arith.addi %scan3A_61, %scan3A_363 : i32
      %mul3A_365 = arith.constant 4 : i32
      %mul3A_366 = arith.muli %mul3A_365, %scan3A_364 : i32
      %add3A_367 = arith.constant 0 : i32
      %add3A_368 = arith.addi %mul3A_366, %add3A_367 : i32
      %get3A_369 = arith.index_cast %add3A_368 : i32 to index
      %get3A_370 = arith.constant 0 : index
      %get3A_371 = tpu.vector_load %arg8[%get3A_369, %get3A_370] {strides = array<i32>} : memref<200x32xf32, #tpu.memory_space<vmem>>, vector<1x16xf32>,
      %get3A_372 = vector.shape_cast %get3A_371 : vector<1x16xf32> to vector<16xf32>
      %add3A_373 = arith.addf %add3A_299, %get3A_372 : vector<16xf32>
      %mul3A_374 = arith.constant 4 : i32
      %mul3A_375 = arith.muli %mul3A_374, %scan3A_364 : i32
      %add3A_376 = arith.constant 0 : i32
      %add3A_377 = arith.addi %mul3A_375, %add3A_376 : i32
      %get3A_378 = arith.index_cast %add3A_377 : i32 to index
      %get3A_379 = arith.constant 16 : index
      %get3A_380 = tpu.vector_load %arg8[%get3A_378, %get3A_379] {strides = array<i32>} : memref<200x32xf32, #tpu.memory_space<vmem>>, vector<1x16xf32>,
      %get3A_381 = vector.shape_cast %get3A_380 : vector<1x16xf32> to vector<16xf32>
      %add3A_382 = arith.addf %add3A_308, %get3A_381 : vector<16xf32>
      %mul3A_383 = arith.constant 4 : i32
      %mul3A_384 = arith.muli %mul3A_383, %scan3A_364 : i32
      %add3A_385 = arith.constant 1 : i32
      %add3A_386 = arith.addi %mul3A_384, %add3A_385 : i32
      %get3A_387 = arith.index_cast %add3A_386 : i32 to index
      %get3A_388 = arith.constant 0 : index
      %get3A_389 = tpu.vector_load %arg8[%get3A_387, %get3A_388] {strides = array<i32>} : memref<200x32xf32, #tpu.memory_space<vmem>>, vector<1x16xf32>,
      %get3A_390 = vector.shape_cast %get3A_389 : vector<1x16xf32> to vector<16xf32>
      %add3A_391 = arith.addf %add3A_317, %get3A_390 : vector<16xf32>
      %mul3A_392 = arith.constant 4 : i32
      %mul3A_393 = arith.muli %mul3A_392, %scan3A_364 : i32
      %add3A_394 = arith.constant 1 : i32
      %add3A_395 = arith.addi %mul3A_393, %add3A_394 : i32
      %get3A_396 = arith.index_cast %add3A_395 : i32 to index
      %get3A_397 = arith.constant 16 : index
      %get3A_398 = tpu.vector_load %arg8[%get3A_396, %get3A_397] {strides = array<i32>} : memref<200x32xf32, #tpu.memory_space<vmem>>, vector<1x16xf32>,
      %get3A_399 = vector.shape_cast %get3A_398 : vector<1x16xf32> to vector<16xf32>
      %add3A_400 = arith.addf %add3A_326, %get3A_399 : vector<16xf32>
      %mul3A_401 = arith.constant 4 : i32
      %mul3A_402 = arith.muli %mul3A_401, %scan3A_364 : i32
      %add3A_403 = arith.constant 2 : i32
      %add3A_404 = arith.addi %mul3A_402, %add3A_403 : i32
      %get3A_405 = arith.index_cast %add3A_404 : i32 to index
      %get3A_406 = arith.constant 0 : index
      %get3A_407 = tpu.vector_load %arg8[%get3A_405, %get3A_406] {strides = array<i32>} : memref<200x32xf32, #tpu.memory_space<vmem>>, vector<1x16xf32>,
      %get3A_408 = vector.shape_cast %get3A_407 : vector<1x16xf32> to vector<16xf32>
      %add3A_409 = arith.addf %add3A_335, %get3A_408 : vector<16xf32>
      %mul3A_410 = arith.constant 4 : i32
      %mul3A_411 = arith.muli %mul3A_410, %scan3A_364 : i32
      %add3A_412 = arith.constant 2 : i32
      %add3A_413 = arith.addi %mul3A_411, %add3A_412 : i32
      %get3A_414 = arith.index_cast %add3A_413 : i32 to index
      %get3A_415 = arith.constant 16 : index
      %get3A_416 = tpu.vector_load %arg8[%get3A_414, %get3A_415] {strides = array<i32>} : memref<200x32xf32, #tpu.memory_space<vmem>>, vector<1x16xf32>,
      %get3A_417 = vector.shape_cast %get3A_416 : vector<1x16xf32> to vector<16xf32>
      %add3A_418 = arith.addf %add3A_344, %get3A_417 : vector<16xf32>
      %mul3A_419 = arith.constant 4 : i32
      %mul3A_420 = arith.muli %mul3A_419, %scan3A_364 : i32
      %add3A_421 = arith.constant 3 : i32
      %add3A_422 = arith.addi %mul3A_420, %add3A_421 : i32
      %get3A_423 = arith.index_cast %add3A_422 : i32 to index
      %get3A_424 = arith.constant 0 : index
      %get3A_425 = tpu.vector_load %arg8[%get3A_423, %get3A_424] {strides = array<i32>} : memref<200x32xf32, #tpu.memory_space<vmem>>, vector<1x16xf32>,
      %get3A_426 = vector.shape_cast %get3A_425 : vector<1x16xf32> to vector<16xf32>
      %add3A_427 = arith.addf %add3A_353, %get3A_426 : vector<16xf32>
      %mul3A_428 = arith.constant 4 : i32
      %mul3A_429 = arith.muli %mul3A_428, %scan3A_364 : i32
      %add3A_430 = arith.constant 3 : i32
      %add3A_431 = arith.addi %mul3A_429, %add3A_430 : i32
      %get3A_432 = arith.index_cast %add3A_431 : i32 to index
      %get3A_433 = arith.constant 16 : index
      %get3A_434 = tpu.vector_load %arg8[%get3A_432, %get3A_433] {strides = array<i32>} : memref<200x32xf32, #tpu.memory_space<vmem>>, vector<1x16xf32>,
      %get3A_435 = vector.shape_cast %get3A_434 : vector<1x16xf32> to vector<16xf32>
      %add3A_436 = arith.addf %add3A_362, %get3A_435 : vector<16xf32>
      scf.yield %add3A_373, %add3A_391, %add3A_409, %add3A_427, %add3A_382, %add3A_400, %add3A_418, %add3A_436 : vector<16xf32>, vector<16xf32>, vector<16xf32>, vector<16xf32>, vector<16xf32>, vector<16xf32>, vector<16xf32>, vector<16xf32>
    }
    %scan3A_45 = arith.constant 50 : i32
    %add3A_46 = arith.addf %scan3A_44#0, %scan3A_44#1 : vector<16xf32>
    %add3A_47 = arith.addf %scan3A_44#2, %scan3A_44#3 : vector<16xf32>
    %add3A_48 = arith.addf %add3A_46, %add3A_47 : vector<16xf32>
    %swap3A = arith.constant 4064 : index
    %swap3A_49 = tpu.vector_load %arg9[%swap3A] {strides = array<i32>} : memref<4096xf32, #tpu.memory_space<vmem>>, vector<16xf32>,
    %swap3A_50 = vector.shape_cast %swap3A_49 : vector<16xf32> to vector<16xf32>
    %swap3A_51 = vector.shape_cast %add3A_48 : vector<16xf32> to vector<16xf32>
    tpu.vector_store %arg9[%swap3A], %swap3A_51 {strides = array<i32>} : memref<4096xf32, #tpu.memory_space<vmem>>, vector<16xf32>,
    %add3A_52 = arith.addf %scan3A_44#4, %scan3A_44#5 : vector<16xf32>
    %add3A_53 = arith.addf %scan3A_44#6, %scan3A_44#7 : vector<16xf32>
    %add3A_54 = arith.addf %add3A_52, %add3A_53 : vector<16xf32>
    %swap3A_55 = arith.constant 4080 : index
    %swap3A_56 = tpu.vector_load %arg9[%swap3A_55] {strides = array<i32>} : memref<4096xf32, #tpu.memory_space<vmem>>, vector<16xf32>,
    %swap3A_57 = vector.shape_cast %swap3A_56 : vector<16xf32> to vector<16xf32>
    %swap3A_58 = vector.shape_cast %add3A_54 : vector<16xf32> to vector<16xf32>
    tpu.vector_store %arg9[%swap3A_55], %swap3A_58 {strides = array<i32>} : memref<4096xf32, #tpu.memory_space<vmem>>, vector<16xf32>,
    %mul3A_59 = arith.constant 32 : i32
    %mul3A_60 = arith.muli %mul3A_2, %mul3A_59 : i32
    "tpu.region"() ({
      %run_scoped3A = tpu.sem_alloc : memref<!tpu.dma_semaphore, #tpu.memory_space<semaphore_mem>>
      %dma_start3A_61 = tpu.memref_slice %arg4[%mul3A_60] : memref<131072xf32, #tpu.memory_space<hbm>> -> memref<4096xf32, #tpu.memory_space<hbm>>
      %dma_start3A_62 = tpu.memref_slice %arg4[%mul3A_60] : memref<131072xf32, #tpu.memory_space<hbm>> -> memref<4096xf32, #tpu.memory_space<hbm>>
      tpu.enqueue_dma source(%arg9 : memref<4096xf32, #tpu.memory_space<vmem>>) target(%dma_start3A_62 : memref<4096xf32, #tpu.memory_space<hbm>>) target_semaphore(%run_scoped3A : memref<!tpu.dma_semaphore, #tpu.memory_space<semaphore_mem>>)
      %dma_wait3A_63 = tpu.memref_slice %arg4[%mul3A_60] : memref<131072xf32, #tpu.memory_space<hbm>> -> memref<4096xf32, #tpu.memory_space<hbm>>
      %dma_wait3A_64 = tpu.memref_slice %arg4[%mul3A_60] : memref<131072xf32, #tpu.memory_space<hbm>> -> memref<4096xf32, #tpu.memory_space<hbm>>
      tpu.wait_dma2 semaphore(%run_scoped3A : memref<!tpu.dma_semaphore, #tpu.memory_space<semaphore_mem>>) src(%arg9 : memref<4096xf32, #tpu.memory_space<vmem>>) dst(%dma_wait3A_64 : memref<4096xf32, #tpu.memory_space<hbm>>)
      tpu.yield
    }) : () -> ()
    return
  }
}

module attributes {stable_mosaic.version = 14 : i64} {
  func.func @_mlp_body(%arg0: memref<4096x32xf32, #tpu.memory_space<vmem>>, %arg1: memref<32x100xf32, #tpu.memory_space<vmem>>, %arg2: memref<1x100xf32, #tpu.memory_space<vmem>>, %arg3: memref<100x100xf32, #tpu.memory_space<vmem>>, %arg4: memref<1x100xf32, #tpu.memory_space<vmem>>, %arg5: memref<4096x100xf32, #tpu.memory_space<vmem>>) attributes {dimension_semantics = [], scalar_prefetch = 0 : i64, scratch_operands = 0 : i64, tpu.core_type = #tpu.core_type<tc>} {
    %get3A = arith.constant 0 : index
    %get3A_0 = arith.constant 0 : index
    %get3A_1 = vector.load %arg0[%get3A, %get3A_0] : memref<4096x32xf32, #tpu.memory_space<vmem>>, vector<4096x32xf32>
    %get3A_2 = arith.constant 0 : index
    %get3A_3 = arith.constant 0 : index
    %get3A_4 = vector.load %arg1[%get3A_2, %get3A_3] : memref<32x100xf32, #tpu.memory_space<vmem>>, vector<32x100xf32>
    %dot_general3A = arith.constant dense<0.000000e+00> : vector<4096x100xf32>
    %dot_general3A_5 = tpu.matmul %get3A_1, %get3A_4, %dot_general3A {dimension_numbers = #tpu.dot_dimension_numbers<[1], [0], [0], [1], [0, 0, 1, 1], [], []>, transpose_lhs_hint = false} : vector<4096x32xf32>, vector<32x100xf32>, vector<4096x100xf32> -> vector<4096x100xf32>
    %get3A_6 = arith.constant 0 : index
    %get3A_7 = arith.constant 0 : index
    %get3A_8 = vector.load %arg2[%get3A_6, %get3A_7] : memref<1x100xf32, #tpu.memory_space<vmem>>, vector<1x100xf32>
    %add3A = vector.broadcast %get3A_8 : vector<1x100xf32> to vector<4096x100xf32>
    %add3A_9 = arith.addf %dot_general3A_5, %add3A : vector<4096x100xf32>
    %max3A = arith.constant 0.000000e+00 : f32
    %max3A_10 = vector.broadcast %max3A : f32 to vector<4096x100xf32>
    %max3A_11 = arith.maximumf %add3A_9, %max3A_10 : vector<4096x100xf32>
    %get3A_12 = arith.constant 0 : index
    %get3A_13 = arith.constant 0 : index
    %get3A_14 = vector.load %arg3[%get3A_12, %get3A_13] : memref<100x100xf32, #tpu.memory_space<vmem>>, vector<100x100xf32>
    %dot_general3A_15 = arith.constant dense<0.000000e+00> : vector<4096x100xf32>
    %dot_general3A_16 = tpu.matmul %max3A_11, %get3A_14, %dot_general3A_15 {dimension_numbers = #tpu.dot_dimension_numbers<[1], [0], [0], [1], [0, 0, 1, 1], [], []>, transpose_lhs_hint = false} : vector<4096x100xf32>, vector<100x100xf32>, vector<4096x100xf32> -> vector<4096x100xf32>
    %get3A_17 = arith.constant 0 : index
    %get3A_18 = arith.constant 0 : index
    %get3A_19 = vector.load %arg4[%get3A_17, %get3A_18] : memref<1x100xf32, #tpu.memory_space<vmem>>, vector<1x100xf32>
    %add3A_20 = vector.broadcast %get3A_19 : vector<1x100xf32> to vector<4096x100xf32>
    %add3A_21 = arith.addf %dot_general3A_16, %add3A_20 : vector<4096x100xf32>
    %swap3A = arith.constant 0 : index
    %swap3A_22 = arith.constant 0 : index
    %swap3A_23 = vector.load %arg5[%swap3A, %swap3A_22] : memref<4096x100xf32, #tpu.memory_space<vmem>>, vector<4096x100xf32>
    tpu.vector_store %arg5[%swap3A, %swap3A_22], %add3A_21 {strides = array<i32>} : memref<4096x100xf32, #tpu.memory_space<vmem>>, vector<4096x100xf32>,
    return
  }
}

</mosaic_0001>

<sc_bundles>
// kernel: kernel.4.cloned.1.call-start
scs
__scs_entry_jumppad:
0x0: {  	(pc) =	sbr.rel $0x88, $3  }
0x1: {  	(tag) =	ssettag $0x0;
	lr =	simm.s32 $0x1  }
0x2: {  	[smem:$0x3F9B] =	sst lr;
	_ =	strace $0xD0000000  }
0x3: {  	_ = 	snop  }
0x4: {  	_ = 	snop  }
0x5: {  	_ = 	snop  }
0x6: {  	_ = 	snop  }
0x7: {  	_ = 	snop  }
__scs_overlays_trampoline_lowered:
0x8: {  	[smem:$0x3FAA] =	sst s0  }
0x9: {  	[smem:$0x3FAB] =	sst s1  }
0xa: {  	[smem:$0x3FAC] =	sst s2  }
0xb: {  	[smem:$0x3FAD] =	sst s3  }
0xc: {  	[smem:$0x3FAE] =	sst s4  }
0xd: {  	[smem:$0x3FAF] =	sst s5  }
0xe: {  	[smem:$0x3FB0] =	sst s6  }
0xf: {  	[smem:$0x3FB1] =	sst s7  }
0x10: {  	[smem:$0x3FB2] =	sst s8  }
0x11: {  	[smem:$0x3FB3] =	sst s9;
	s0 =	simm.s32 @!p0 $0x0  }
0x12: {  	s1 =	sld [smem:$0x3F99];
	s0 =	simm.s32 @p0 $0x1  }
0x13: {  	[smem:$0x3FB4] =	sst s0;
	s0 =	simm.s32 @!p1 $0x0  }
0x14: {  	s2 =	sld [smem:$0x3F98];
	s0 =	simm.s32 @p1 $0x1  }
0x15: {  	[smem:$0x3FB5] =	sst s0;
	s0 =	simm.s32 @!p2 $0x0  }
0x16: {  	s3 =	sld [smem:$0x3FDB];
	s0 =	simm.s32 @p2 $0x1  }
0x17: {  	s4 =	simm.s32 $0x1BF5;
	[smem:$0x3FB7] =	sst s0  }
0x18: {  	s0 =	sld [smem:$0x3F9A];
	_ =	swait.ge [sflag:s4], $0x0  }
0x19: {  	s7 =	sld [smem:$0x3F9B]  }
0x1a: {  	s8 =	sadd.s32 $0xFFFFE003, lr  }
0x1b: {  	s9 =	sadd.s32 $0xFFFFFEF7, lr;
	s5 =	simm.s32 $0xFFFFFFFF;
	p2 =	slt.u32 s8, $0xFFFFF086  }
0x1c: {  	p1 =	slt.u32 s9, $0xF7A;
	s5 =	simm.s32 @!p2 $0x0  }
0x1d: {  	s5 =	simm.s32 @p1 $0x1;
	p0 =	seq.s32 s7, s2  }
0x1e: {  	s7 =	smul.u32 @!p0 $0xF7A, s2;
	p2 =	seq.s32 @!p0 s5, $0x0  }
0x1f: {  	s9 =	smul.u32 $0xF7A, s1;
	s8 =	simm.s32 @!p0 $0x1BF5;
	p2 =	por !p2, p0  }
0x20: {  	[sflag:s8] =	ssyncset.s32 @!p0 $0xFFFFF086;
	s6 =	sadd.s32 @!p0 s3, s7;
	s7 =	simm.s32 @!p0 $0x108  }
0x21: {  	s3 =	sadd.s32 s3, s9;
	s6 =	sadd.s32 @!p0 $0x88, s6;
	s7 =	simm.s32 @p2 $0x1082  }
0x22: {  	[simem:s7], [sflag:s8] =	dma.local @!p0 [hbm:s6], $0xF7A  }
0x23: {  	s9 =	sor.u32 $0xD0000000, s2;
	s6 =	simm.s32 $0x108;
	_ =	swait.ge @!p0 [sflag:s8], $0x0  }
0x24: {  	s3 =	sadd.s32 $0x88, s3;
	s6 =	simm.s32 @!p1 $0x1082;
	[sflag:s4] =	ssyncset.s32 $0xFFFFF086  }
0x25: {  	[simem:s6], [sflag:s4] =	dma.local [hbm:s3], $0xF7A  }
0x26: {  	[smem:$0x3F9B] =	sst s1;
	(tag) =	ssettag s2;
	_ =	strace s9  }
0x27: {  	s1 =	sld [smem:$0x3FAB]  }
0x28: {  	s2 =	sld [smem:$0x3FAC]  }
0x29: {  	s4 =	sld [smem:$0x3FAE]  }
0x2a: {  	p0 =	seq.s32 s5, $0x0;
	s5 =	sld [smem:$0x3FAF]  }
0x2b: {  	s6 =	sld [smem:$0x3FB0]  }
0x2c: {  	s7 =	sld [smem:$0x3FB1]  }
0x2d: {  	s3 =	simm.s32 $0x108;
	s8 =	sld [smem:$0x3FB2]  }
0x2e: {  	s3 =	simm.s32 @!p0 $0x1082;
	s9 =	sld [smem:$0x3FB3]  }
0x2f: {  	lr =	sadd.s32 s0, s3;
	s0 =	sld [smem:$0x3FAA]  }
0x30: {  	s3 =	sld [smem:$0x3FAD]  }
0x31: {  	[smem:$0x3FB6] =	sst s10  }
0x32: {  	s10 =	sld [smem:$0x3FB4];
	_ =	sdelay $0x3  }
0x33: {  	p0 =	seq.s32 s10, $0x1;
	s10 =	sld [smem:$0x3FB6];
	_ =	sdelay $0x3  }
0x34: {  	[smem:$0x3FB6] =	sst s10  }
0x35: {  	s10 =	sld [smem:$0x3FB5];
	_ =	sdelay $0x3  }
0x36: {  	p1 =	seq.s32 s10, $0x1;
	s10 =	sld [smem:$0x3FB6];
	_ =	sdelay $0x3  }
0x37: {  	[smem:$0x3FB6] =	sst s10  }
0x38: {  	s10 =	sld [smem:$0x3FB7]  }
0x39: {  	_ = 	snop;
	(pc) =	sbr.ind lr, $3  }
0x3a: {  	_ = 	snop  }
0x3b: {  	_ = 	snop  }
0x3c: {  	p2 =	seq.s32 s10, $0x1;
	s10 =	sld [smem:$0x3FB6]  }
0x3d: {  	_ =	shalt  }
0x3e: {  	_ =	shalt  }
0x3f: {  	_ =	shalt  }
0x40: {  	_ =	shalt  }
0x41: {  	_ =	shalt  }
0x42: {  	_ =	shalt  }
0x43: {  	_ =	shalt  }
0x44: {  	_ =	shalt  }
0x45: {  	_ =	shalt  }
0x46: {  	_ =	shalt  }
0x47: {  	_ =	shalt  }
0x48: {  	_ =	shalt  }
0x49: {  	_ =	shalt  }
0x4a: {  	_ =	shalt  }
0x4b: {  	_ =	shalt  }
0x4c: {  	_ =	shalt  }
0x4d: {  	_ =	shalt  }
0x4e: {  	_ =	shalt  }
0x4f: {  	_ =	shalt  }
0x50: {  	_ =	shalt  }
0x51: {  	_ =	shalt  }
0x52: {  	_ =	shalt  }
0x53: {  	_ =	shalt  }
0x54: {  	_ =	shalt  }
0x55: {  	_ =	shalt  }
0x56: {  	_ =	shalt  }
0x57: {  	_ =	shalt  }
0x58: {  	_ =	shalt  }
0x59: {  	_ =	shalt  }
0x5a: {  	_ =	shalt  }
0x5b: {  	_ =	shalt  }
0x5c: {  	_ =	shalt  }
0x5d: {  	_ =	shalt  }
0x5e: {  	_ =	shalt  }
0x5f: {  	_ =	shalt  }
0x60: {  	_ =	shalt  }
0x61: {  	_ =	shalt  }
0x62: {  	_ =	shalt  }
0x63: {  	_ =	shalt  }
0x64: {  	_ =	shalt  }
0x65: {  	_ =	shalt  }
0x66: {  	_ =	shalt  }
0x67: {  	_ =	shalt  }
0x68: {  	_ =	shalt  }
0x69: {  	_ =	shalt  }
0x6a: {  	_ =	shalt  }
0x6b: {  	_ =	shalt  }
0x6c: {  	_ =	shalt  }
0x6d: {  	_ =	shalt  }
0x6e: {  	_ =	shalt  }
0x6f: {  	_ =	shalt  }
0x70: {  	_ =	shalt  }
0x71: {  	_ =	shalt  }
0x72: {  	_ =	shalt  }
0x73: {  	_ =	shalt  }
0x74: {  	_ =	shalt  }
0x75: {  	_ =	shalt  }
0x76: {  	_ =	shalt  }
0x77: {  	_ =	shalt  }
0x78: {  	_ =	shalt  }
0x79: {  	_ =	shalt  }
0x7a: {  	_ =	shalt  }
0x7b: {  	_ =	shalt  }
0x7c: {  	_ =	shalt  }
0x7d: {  	_ =	shalt  }
0x7e: {  	_ =	shalt  }
0x7f: {  	_ =	shalt  }
0x80: {  	_ =	shalt  }
0x81: {  	_ =	shalt  }
0x82: {  	_ =	shalt  }
0x83: {  	_ =	shalt  }
0x84: {  	_ =	shalt  }
0x85: {  	_ =	shalt  }
0x86: {  	_ =	shalt  }
0x87: {  	_ =	shalt  }
.Lfunc_end0:
.L_simem_size_0:
called_computation_lowered:
.L_overlay_start_0:
0x88: {  	s2 =	sld [smem:$0x3FD9]  }
0x89: {  	s3 =	sld [smem:$0x3FFE];
	_ =	sdelay $0x1  }
0x8a: {  	s1 =	srdreg.scid  }
0x8b: {  	s0 =	sand.u32 $0x1, s1  }
0x8c: {  	s17 =	sshll.u32 s0, $0xA;
	s2 =	sadd.s32 s3, s2  }
0x8d: {  	s2 =	sadd.s32 s2, s17  }
0x8e: {  	[smem:$0x3FC2] =	sst s2  }
0x8f: {  	_ = 	snop  }
0x90: {  	s2 =	sld [smem:$0x3FD0];
	(tm) =	ssettm $0x1  }
0x91: {  	s18 =	sld [smem:$0x3FFB];
	_ =	sdelay $0x3  }
0x92: {  	_ =	strace s18  }
0x93: {  	s3 =	sld [smem:$0x3FFC];
	_ =	sdelay $0x3  }
0x94: {  	_ =	strace s3  }
0x95: {  	s3 =	sld [smem:$0x3FFD];
	_ =	sdelay $0x3  }
0x96: {  	_ =	strace s3  }
0x97: {  	_ =	strace $0x8FFFFFFF  }
0x98: {  	s19 =	sld [smem:$0x3FDB];
	_ =	sdelay $0x1  }
0x99: {  	s4 =	simm.s32 $_scs_section_size  }
0x9a: {  	s5 =	simm.s32 $_size__tile_overlayer_lowered;
	s6 =	simm.s32 $_tile_overlayer_lowered  }
0x9b: {  	s22 =	simm.s32 $0x1BFF;
	s21 =	sshll.u32 s6, $0x1;
	s3 =	sadd.s32 s4, s19  }
0x9c: {  	s7 =	simm.s32 $0x0;
	s20 =	sshll.u32 s5, $0x1;
	s5 =	sadd.s32 s21, s3  }
0x9d: {  	[timem:s7], [sflag:s22] =	dma.local [hbm:s5], s20  }
0x9e: {  	_ =	swait.ge [sflag:s22], s20  }
0x9f: {  	s4 =	ssub.s32 $0x0, s20;
	[sflag:s22] =	ssyncset.done $0x0  }
0xa0: {  	[sflag:s22] =	ssyncadd.s32 s4;
	_ =	sdelay $0x1  }
0xa1: {  	s23 =	simm.s32 $0x1B8B  }
0xa2: {  	_ =	swait.ge [sflag:s23], $0x1  }
0xa3: {  	[sflag:s23] =	ssyncset.done $0x0  }
0xa4: {  	s25 =	simm.s32 $0x1B8E;
	s24 =	sld [smem:$0x3FFE];
	[sflag:s23] =	ssyncadd.s32 $0xFFFFFFFF  }
0xa5: {  	s26 =	simm.s32 $execute0_lowered;
	[smem:$0x3FD2] =	sst s25  }
0xa6: {  	s5 =	sshll.u32 s26, $0x1;
	_ =	strace $0x80000046;
	[dreg:$0x1] =	wrdreg $0xFFFFFFFF  }
0xa7: {  	s28 =	simm.s32 $_size_execute0_lowered;
	s3 =	sadd.s32 s3, s5;
	[dreg:$0x0] =	wrdreg $0x0  }
0xa8: {  	s5 =	sshll.u32 s28, $0x1;
	[dreg:$0x2] =	wrdreg s3  }
0xa9: {  	[dreg:$0x3] =	wrdreg s5  }
0xaa: {  	[dreg:$0x4] =	wrdreg $0xC0  }
0xab: {  	_ =	task [dreg:s7], $0x5FFFF  }
0xac: {  	[dreg:$0x1] =	wrdreg $0xFFFFFFFF  }
0xad: {  	[dreg:$0x0] =	wrdreg $0x60  }
0xae: {  	[dreg:$0x2] =	wrdreg s24  }
0xaf: {  	[dreg:$0x3] =	wrdreg s2  }
0xb0: {  	[dreg:$0x4] =	wrdreg $0x9  }
0xb1: {  	_ =	task.clear_ibuf [dreg:s7], $0x5FFFF;
	_ =	strace $0x90000046  }
0xb2: {  	s29 =	simm.s32 $0x9;
	_ =	strace $0x80000048  }
0xb3: {  	_ =	swait.ge [sflag:s29], $0x1  }
0xb4: {  	[sflag:s29] =	ssyncadd.s32 $0xFFFFFFFF  }
0xb5: {  	_ =	strace $0x90000048  }
0xb6: {  	_ =	sfence  }
0xb7: {  	s30 =	sld [smem:$0x0];
	_ =	sdelay $0x2  }
0xb8: {  	s31 =	sshll.u32 s1, $0xD;
	s1 =	sshrl.u32 s1, $0x2  }
0xb9: {  	s3 =	sand.u32 $0x4000, s31;
	s1 =	sadd.s32 s1, s30  }
0xba: {  	s0 =	sor.u32 s3, s0;
	s1 =	sshll.u32 s1, $0x11  }
0xbb: {  	s0 =	sor.u32 s1, s0  }
0xbc: {  	s0 =	sadd.s32 $0x8F2B, s0  }
0xbd: {  	[sflag:s0] =	ssyncadd.remote.s32 $0x1  }
0xbe: {  	_ =	sfence.sel $0xFFFF  }
0xbf: {  	[dreg:$0x0] =	wrdreg $0xFFFFFFFF;
	(pc) =	sbr.abs _section_cstart, $3  }
0xc0: {  	[dreg:$0x1] =	wrdreg $0xFFFFFFFF  }
0xc1: {  	_ =	task.clear_ibuf [dreg:s7], $0x2FFFF;
	_ =	strace $0x9FFFFFFF  }
0xc2: {  	(tm) =	ssettm $0x7FFFFFFF  }
0xc3: {  	_ =	shalt  }
tec
execute0_lowered:
.L_overlay_start_1:
0x0: {  	(tag) =	ssettag $0x1  }
0x1: {  	s0 =	rddreg [dreg:$0x0];
	s1 =	srdreg.scid  }
0x2: {  	s2 =	stileid.u32;
	s5 =	rddreg [dreg:$0x1]  }
0x3: {  	s11 =	simm.s32 $0x3;
	s20 =	simm.s32 $0x2;
	s23 =	simm.s32 $0x4  }
0x4: {  	s31 =	simm.s32 $0xC900;
	s1 =	sand.u32 $0x1, s1;
	s3 =	sshll.u32 s2, $0x1  }
0x5: {  	s2 =	simm.s32 $0x0;
	s4 =	sadd.s32 $0x19C00, s0;
	s6 =	sor.u32 s1, s3  }
0x6: {  	[smem:$0x7FF] =	sst s2;
	s1 =	ssub.s32 $0x2, s1;
	s3 =	sadd.s32 $0xC00, s0  }
0x7: {  	s7 =	smul.u32 $0xC80, s6;
	s29 =	sshll.u32 s6, $0x7;
	s6 =	sshll.u32 s6, $0x9  }
0x8: {  	_ =	strace $0x80000047;
	s8 =	sshrl.u32 s1, $0x1;
	s30 =	sadd.s32 s5, s6  }
0x9: {  	s28 =	ssub.s32 s1, s8;
	s7 =	sadd.s32 s3, s7;
	[dreg:$0x5] =	wrdreg s30  }
0xa: {  	s1 =	simm.s32 $0xC980;
	s0 =	smax.u32 s28, $0x1;
	[dreg:$0x3] =	wrdreg s7  }
0xb: {  	s8 =	simm.s32 $0x0;
	s7 =	sadd.s32 $0x19, s7;
	[dreg:$0x6] =	wrdreg s0  }
0xc: {  	s0 =	simm.s32 $0x1;
	[dreg:$0x4] =	wrdreg s7;
	s7 =	sor.u32 $0x2, s29  }
.LBB2_1:
.Ltmp0:
0xd: {  	[dreg:$0x7] =	wrdreg s8;
	(pc) =	sbr.rel .LBB2_2-.Ltmp0, $4  }
0xe: {  	s5 =	rddreg [dreg:$0x3]  }
0xf: {  	[tilespmem:s2], [sflag:$0x3] =	stream.linear.gather [hbm4b:s5+s2], $0xC8, $0x38;
	[tilespmem:$0xDA00] =	vst v63  }
0x10: {  	s30 =	rddreg [dreg:$0x4];
	s6 =	simm.s32 $0x100;
	s21 =	simm.s32 $0x0  }
0x11: {  	[tilespmem:s6], [sflag:$0x4] =	stream.linear.gather [hbm4b:s30+s2], $0xC8, $0x38;
	[tilespmem:$0xDA00] =	vst v63  }
.LBB2_13:
0x12: {  	v8 =	vadd.f32 v8, v16  }
0x13: {  	v3 =	vadd.f32 v3, v17  }
0x14: {  	v9 =	vadd.f32 v9, v14;
	v8 =	vadd.f32 v10, v8  }
0x15: {  	v2 =	vadd.f32 v2, v15;
	v1 =	vadd.f32 v1, v3  }
0x16: {  	v63 =	vadd.f32 v11, v9;
	v3 =	vadd.f32 v12, v8  }
0x17: {  	v6 =	vadd.f32 v7, v6;
	v0 =	vadd.f32 v0, v2  }
0x18: {  	v2 =	vadd.f32 v13, v63;
	v1 =	vadd.f32 v3, v1  }
0x19: {  	v3 =	vadd.f32 v5, v4  }
0x1a: {  	s5 =	sshll.u32 s21, $0x7;
	v0 =	vadd.f32 v2, v0;
	v1 =	vadd.f32 v1, v6  }
0x1b: {  	s6 =	sshrl.u32 s5, $0x2  }
0x1c: {  	v0 =	vadd.f32 v0, v3;
	[tilespmem:s6+$0xC9E0] =	vst v1  }
.LBB2_14:
0x1d: {  	s5 =	sshrl.u32 s5, $0x2  }
0x1e: {  	[tilespmem:s5+$0xC9F0] =	vst v0  }
.LBB2_15:
0x1f: {  	s21 =	sadd.s32 $0x1, s21  }
0x20: {  	p0 =	sne.s32 s21, $0x80  }
.Ltmp1:
0x21: {  	_ = 	snop;
	(pc) =	sbr.rel @!p0 .LBB2_16-.Ltmp1, $1  }
0x22: {  	_ =	sdelay $0x3  }
.LBB2_2:
0x23: {  	s5 =	sand.u32 $0x1, s21  }
0x24: {  	p0 =	seq.s32 s5, $0x1  }
.Ltmp2:
0x25: {  	_ = 	snop;
	(pc) =	sbr.rel @p0 .LBB2_9-.Ltmp2, $1  }
0x26: {  	_ =	sdelay $0x3  }
0x27: {  	_ =	swait.ge [sflag:s11], $0xC8  }
0x28: {  	[sflag:s11] =	ssyncset.done $0x0  }
0x29: {  	s8 =	simm.s32 $0x0;
	[sflag:s11] =	ssyncadd.s32 $0xFFFFFF38  }
0x2a: {  	v0 =	vld [tilespmem:s8+$0x0];
	_ =	sdelay $0x4  }
0x2b: {  	v0 =	vshll.u32 v0, $0x4  }
0x2c: {  	(v2sf) =	vpush v0, $0x0  }
0x2d: {  	(v2sf) =	vpush v0, $0x1  }
0x2e: {  	(v2sf) =	vpush v0, $0x2;
	_ =	sdelay $0x1  }
0x2f: {  	(v2sf) =	vpush v0, $0x4;
	_ =	sdelay $0x1  }
0x30: {  	(v2sf) =	vpush v0, $0x3  }
0x31: {  	(v2sf) =	vpush v0, $0x5  }
0x32: {  	s9 =	simm.s32 $0x2000;
	s6 =	simm.s32 $0x0;
	(v2sf) =	vpush v0, $0x6  }
.LBB2_4:
0x33: {  	p0 =	sne.s32 s9, $0x16000  }
0x34: {  	s18 =	sadd.s32 $0x280, s6;
	s12 =	sadd.s32 $0x780, s6;
	s5 =	smov.u32 s9  }
0x35: {  	s9 =	sadd.s32 $0x2000, s9;
	s15 =	sadd.s32 $0x580, s6;
	s10 =	sadd.s32 $0x800, s6;
	(v2sf) =	vpush v0, $0x7  }
0x36: {  	s17 =	sadd.s32 $0x480, s6;
	s14 =	sadd.s32 $0x600, s6;
	s22 =	sadd.s32 $0x880, s6  }
0x37: {  	s19 =	sadd.s32 $0x200, s6;
	s24 =	sadd.s32 $0x400, s6;
	(v2sf) =	vpush v0, $0x8  }
0x38: {  	s25 =	sadd.s32 $0x500, s6;
	s8 =	sadd.s32 $0x10, s8  }
0x39: {  	s26 =	sadd.s32 $0x300, s6;
	s13 =	sadd.s32 $0x700, s6;
	s16 =	spop (v2sf);
	(v2sf) =	vpush v0, $0x9  }
0x3a: {  	s28 =	sand.u32 $0x1FFFFFF0, s16;
	s16 =	sadd.s32 $0x680, s6;
	s29 =	spop (v2sf)  }
0x3b: {  	s28 =	sadd.s32 s4, s28;
	s29 =	sand.u32 $0x1FFFFFF0, s29;
	s30 =	spop (v2sf);
	(v2sf) =	vpush v0, $0xA  }
0x3c: {  	[tilespmem:s19], [sflag:$0x1] =	stream.linear.gather [hbm4b:s28+s2], $0x80, $0x38;
	[tilespmem:$0xDA00] =	vst v63  }
0x3d: {  	s19 =	sadd.s32 s4, s29;
	s28 =	sadd.s32 $0x380, s6;
	s29 =	spop (v2sf);
	(v2sf) =	vpush v0, $0xB  }
0x3e: {  	[tilespmem:s18], [sflag:$0x1] =	stream.linear.gather [hbm4b:s19+s2], $0x80, $0x38;
	[tilespmem:$0xDA00] =	vst v63  }
0x3f: {  	s18 =	sand.u32 $0x1FFFFFF0, s30;
	s19 =	sand.u32 $0x1FFFFFF0, s29;
	s29 =	spop (v2sf);
	(v2sf) =	vpush v0, $0xC  }
0x40: {  	s18 =	sadd.s32 s4, s18;
	s29 =	sand.u32 $0x1FFFFFF0, s29;
	s30 =	spop (v2sf)  }
0x41: {  	[tilespmem:s26], [sflag:$0x1] =	stream.linear.gather [hbm4b:s18+s2], $0x80, $0x38;
	(v2sf) =	vpush v0, $0xD;
	[tilespmem:$0xDA00] =	vst v63  }
0x42: {  	s18 =	sadd.s32 s4, s29;
	s26 =	sand.u32 $0x1FFFFFF0, s30;
	s29 =	spop (v2sf)  }
0x43: {  	[tilespmem:s28], [sflag:$0x1] =	stream.linear.gather [hbm4b:s18+s2], $0x80, $0x38;
	(v2sf) =	vpush v0, $0xE;
	[tilespmem:$0xDA00] =	vst v63  }
0x44: {  	s18 =	sadd.s32 s4, s19;
	s19 =	sand.u32 $0x1FFFFFF0, s29;
	s28 =	spop (v2sf)  }
0x45: {  	[tilespmem:s24], [sflag:$0x1] =	stream.linear.gather [hbm4b:s18+s2], $0x80, $0x38;
	(v2sf) =	vpush v0, $0xF;
	[tilespmem:$0xDA00] =	vst v63  }
0x46: {  	s18 =	sadd.s32 s4, s26;
	s24 =	sand.u32 $0x1FFFFFF0, s28;
	s26 =	spop (v2sf)  }
0x47: {  	[tilespmem:s17], [sflag:$0x1] =	stream.linear.gather [hbm4b:s18+s2], $0x80, $0x38;
	[tilespmem:$0xDA00] =	vst v63  }
0x48: {  	s17 =	sadd.s32 s4, s19;
	s18 =	sand.u32 $0x1FFFFFF0, s26;
	s19 =	spop (v2sf)  }
0x49: {  	[tilespmem:s25], [sflag:$0x1] =	stream.linear.gather [hbm4b:s17+s2], $0x80, $0x38;
	[tilespmem:$0xDA00] =	vst v63  }
0x4a: {  	s17 =	sadd.s32 s4, s24;
	s19 =	sand.u32 $0x1FFFFFF0, s19;
	s24 =	spop (v2sf)  }
0x4b: {  	[tilespmem:s15], [sflag:$0x1] =	stream.linear.gather [hbm4b:s17+s2], $0x80, $0x38;
	[tilespmem:$0xDA00] =	vst v63  }
0x4c: {  	s15 =	sadd.s32 s4, s18;
	s17 =	sand.u32 $0x1FFFFFF0, s24;
	s18 =	spop (v2sf)  }
0x4d: {  	[tilespmem:s14], [sflag:$0x1] =	stream.linear.gather [hbm4b:s15+s2], $0x80, $0x38;
	[tilespmem:$0xDA00] =	vst v63  }
0x4e: {  	s14 =	sadd.s32 s4, s19;
	s15 =	sand.u32 $0x1FFFFFF0, s18;
	s18 =	spop (v2sf)  }
0x4f: {  	[tilespmem:s16], [sflag:$0x1] =	stream.linear.gather [hbm4b:s14+s2], $0x80, $0x38;
	[tilespmem:$0xDA00] =	vst v63  }
0x50: {  	s14 =	sadd.s32 s4, s17;
	s16 =	sand.u32 $0x1FFFFFF0, s18;
	s17 =	spop (v2sf)  }
0x51: {  	[tilespmem:s13], [sflag:$0x1] =	stream.linear.gather [hbm4b:s14+s2], $0x80, $0x38;
	[tilespmem:$0xDA00] =	vst v63  }
0x52: {  	s13 =	sadd.s32 s4, s15;
	s14 =	sand.u32 $0x1FFFFFF0, s17;
	s15 =	spop (v2sf)  }
0x53: {  	[tilespmem:s12], [sflag:$0x1] =	stream.linear.gather [hbm4b:s13+s2], $0x80, $0x38;
	[tilespmem:$0xDA00] =	vst v63  }
0x54: {  	s12 =	sadd.s32 s4, s16;
	s13 =	sand.u32 $0x1FFFFFF0, s15;
	s15 =	spop (v2sf)  }
0x55: {  	[tilespmem:s10], [sflag:$0x1] =	stream.linear.gather [hbm4b:s12+s2], $0x80, $0x38;
	[tilespmem:$0xDA00] =	vst v63  }
0x56: {  	s10 =	sadd.s32 s4, s14;
	s12 =	sand.u32 $0x1FFFFFF0, s15  }
0x57: {  	[tilespmem:s22], [sflag:$0x1] =	stream.linear.gather [hbm4b:s10+s2], $0x80, $0x38;
	[tilespmem:$0xDA00] =	vst v63  }
0x58: {  	s13 =	sadd.s32 s4, s13;
	s10 =	sadd.s32 $0x900, s6  }
0x59: {  	[tilespmem:s10], [sflag:$0x1] =	stream.linear.gather [hbm4b:s13+s2], $0x80, $0x38;
	[tilespmem:$0xDA00] =	vst v63  }
0x5a: {  	s6 =	sadd.s32 $0x980, s6;
	s10 =	sadd.s32 s4, s12  }
0x5b: {  	[tilespmem:s6], [sflag:$0x1] =	stream.linear.gather [hbm4b:s10+s2], $0x80, $0x38;
	[tilespmem:$0xDA00] =	vst v63  }
0x5c: {  	v0 =	vld [tilespmem:s8+$0x0];
	_ =	sdelay $0x4  }
0x5d: {  	v0 =	vshll.u32 v0, $0x4  }
0x5e: {  	(v2sf) =	vpush v0, $0x0  }
0x5f: {  	(v2sf) =	vpush v0, $0x1  }
0x60: {  	(v2sf) =	vpush v0, $0x2;
	_ =	sdelay $0x1  }
0x61: {  	(v2sf) =	vpush v0, $0x4  }
.Ltmp3:
0x62: {  	(pc) =	sbr.rel @p0 .LBB2_4-.Ltmp3, $3  }
0x63: {  	(v2sf) =	vpush v0, $0x3  }
0x64: {  	(v2sf) =	vpush v0, $0x5;
	_ =	sdelay $0x1  }
0x65: {  	s6 =	sshra.s32 s5, $0x2;
	(v2sf) =	vpush v0, $0x6  }
0x66: {  	_ =	sdelay $0x5  }
0x67: {  	s5 =	spop (v2sf)  }
0x68: {  	s8 =	spop (v2sf)  }
0x69: {  	s17 =	spop (v2sf)  }
0x6a: {  	s22 =	spop (v2sf);
	(v2sf) =	vpush v0, $0x7  }
0x6b: {  	s5 =	sand.u32 $0x1FFFFFF0, s5  }
0x6c: {  	s9 =	sadd.s32 $0x200, s6;
	s5 =	sadd.s32 s4, s5  }
0x6d: {  	[tilespmem:s9], [sflag:$0x1] =	stream.linear.gather [hbm4b:s5+s2], $0x80, $0x38;
	[tilespmem:$0xDA00] =	vst v63  }
0x6e: {  	s8 =	sand.u32 $0x1FFFFFF0, s8;
	s24 =	spop (v2sf);
	(v2sf) =	vpush v0, $0x8  }
0x6f: {  	s16 =	sadd.s32 $0x280, s6;
	s8 =	sadd.s32 s4, s8  }
0x70: {  	[tilespmem:s16], [sflag:$0x1] =	stream.linear.gather [hbm4b:s8+s2], $0x80, $0x38;
	[tilespmem:$0xDA00] =	vst v63  }
0x71: {  	s18 =	sand.u32 $0x1FFFFFF0, s17;
	s29 =	spop (v2sf);
	(v2sf) =	vpush v0, $0x9  }
0x72: {  	s19 =	sadd.s32 $0x300, s6;
	s5 =	sadd.s32 s4, s18  }
0x73: {  	[tilespmem:s19], [sflag:$0x1] =	stream.linear.gather [hbm4b:s5+s2], $0x80, $0x38;
	[tilespmem:$0xDA00] =	vst v63  }
0x74: {  	s5 =	sand.u32 $0x1FFFFFF0, s24;
	s8 =	spop (v2sf);
	(v2sf) =	vpush v0, $0xA  }
0x75: {  	s25 =	sadd.s32 $0x380, s6;
	s26 =	sand.u32 $0x1FFFFFF0, s22;
	s5 =	sadd.s32 s4, s5  }
0x76: {  	[tilespmem:s25], [sflag:$0x1] =	stream.linear.gather [hbm4b:s5+s2], $0x80, $0x38;
	[tilespmem:$0xDA00] =	vst v63  }
0x77: {  	s28 =	sadd.s32 $0x400, s6;
	s5 =	sadd.s32 s4, s26  }
0x78: {  	[tilespmem:s28], [sflag:$0x1] =	stream.linear.gather [hbm4b:s5+s2], $0x80, $0x38;
	[tilespmem:$0xDA00] =	vst v63  }
0x79: {  	s5 =	sand.u32 $0x1FFFFFF0, s29;
	s10 =	spop (v2sf);
	(v2sf) =	vpush v0, $0xB  }
0x7a: {  	s30 =	sadd.s32 $0x480, s6;
	s5 =	sadd.s32 s4, s5  }
0x7b: {  	[tilespmem:s30], [sflag:$0x1] =	stream.linear.gather [hbm4b:s5+s2], $0x80, $0x38;
	[tilespmem:$0xDA00] =	vst v63  }
0x7c: {  	s5 =	sand.u32 $0x1FFFFFF0, s8  }
0x7d: {  	s9 =	sadd.s32 $0x500, s6;
	s5 =	sadd.s32 s4, s5;
	s13 =	spop (v2sf);
	(v2sf) =	vpush v0, $0xC  }
0x7e: {  	[tilespmem:s9], [sflag:$0x1] =	stream.linear.gather [hbm4b:s5+s2], $0x80, $0x38;
	[tilespmem:$0xDA00] =	vst v63  }
0x7f: {  	s5 =	sand.u32 $0x1FFFFFF0, s10  }
0x80: {  	s12 =	sadd.s32 $0x580, s6;
	s5 =	sadd.s32 s4, s5;
	s15 =	spop (v2sf);
	(v2sf) =	vpush v0, $0xD  }
0x81: {  	[tilespmem:s12], [sflag:$0x1] =	stream.linear.gather [hbm4b:s5+s2], $0x80, $0x38;
	[tilespmem:$0xDA00] =	vst v63  }
0x82: {  	s5 =	sand.u32 $0x1FFFFFF0, s13  }
0x83: {  	s14 =	sadd.s32 $0x600, s6;
	s5 =	sadd.s32 s4, s5;
	s17 =	spop (v2sf);
	(v2sf) =	vpush v0, $0xE  }
0x84: {  	[tilespmem:s14], [sflag:$0x1] =	stream.linear.gather [hbm4b:s5+s2], $0x80, $0x38;
	[tilespmem:$0xDA00] =	vst v63  }
0x85: {  	s5 =	sand.u32 $0x1FFFFFF0, s15  }
0x86: {  	s16 =	sadd.s32 $0x680, s6;
	s5 =	sadd.s32 s4, s5  }
0x87: {  	[tilespmem:s16], [sflag:$0x1] =	stream.linear.gather [hbm4b:s5+s2], $0x80, $0x38;
	[tilespmem:$0xDA00] =	vst v63  }
0x88: {  	s5 =	sand.u32 $0x1FFFFFF0, s17;
	s19 =	spop (v2sf);
	(v2sf) =	vpush v0, $0xF  }
0x89: {  	s18 =	sadd.s32 $0x700, s6;
	s5 =	sadd.s32 s4, s5  }
0x8a: {  	[tilespmem:s18], [sflag:$0x1] =	stream.linear.gather [hbm4b:s5+s2], $0x80, $0x38;
	[tilespmem:$0xDA00] =	vst v63  }
0x8b: {  	s5 =	sand.u32 $0x1FFFFFF0, s19  }
0x8c: {  	s22 =	sadd.s32 $0x780, s6;
	s5 =	sadd.s32 s4, s5;
	s24 =	spop (v2sf)  }
0x8d: {  	[tilespmem:s22], [sflag:$0x1] =	stream.linear.gather [hbm4b:s5+s2], $0x80, $0x38;
	[tilespmem:$0xDA00] =	vst v63  }
0x8e: {  	s5 =	sand.u32 $0x1FFFFFF0, s24  }
0x8f: {  	s25 =	sadd.s32 $0x800, s6;
	s26 =	spop (v2sf);
	s5 =	sadd.s32 s4, s5  }
0x90: {  	[tilespmem:s25], [sflag:$0x1] =	stream.linear.gather [hbm4b:s5+s2], $0x80, $0x38;
	[tilespmem:$0xDA00] =	vst v63  }
0x91: {  	s5 =	sand.u32 $0x1FFFFFF0, s26  }
0x92: {  	s28 =	sadd.s32 $0x880, s6;
	s29 =	spop (v2sf);
	s5 =	sadd.s32 s4, s5  }
0x93: {  	[tilespmem:s28], [sflag:$0x1] =	stream.linear.gather [hbm4b:s5+s2], $0x80, $0x38;
	[tilespmem:$0xDA00] =	vst v63  }
0x94: {  	s5 =	sand.u32 $0x1FFFFFF0, s29  }
0x95: {  	s30 =	sadd.s32 $0x900, s6;
	s5 =	sadd.s32 s4, s5  }
0x96: {  	[tilespmem:s30], [sflag:$0x1] =	stream.linear.gather [hbm4b:s5+s2], $0x80, $0x38;
	[tilespmem:$0xDA00] =	vst v63  }
0x97: {  	s8 =	spop (v2sf)  }
0x98: {  	s5 =	sand.u32 $0x1FFFFFF0, s8  }
0x99: {  	s9 =	sadd.s32 $0x980, s6;
	s5 =	sadd.s32 s4, s5  }
0x9a: {  	[tilespmem:s9], [sflag:$0x1] =	stream.linear.gather [hbm4b:s5+s2], $0x80, $0x38;
	[tilespmem:$0xDA00] =	vst v63  }
0x9b: {  	v63 =	vld [tilespmem:$0xB8];
	_ =	sdelay $0x4  }
0x9c: {  	v0 =	vshll.u32 v63, $0x4  }
0x9d: {  	(v2sf) =	vpush v0, $0x8;
	_ =	sdelay $0x1  }
0x9e: {  	(v2sf) =	vpush v0, $0x9;
	_ =	sdelay $0x1  }
0x9f: {  	(v2sf) =	vpush v0, $0xA;
	_ =	sdelay $0x2  }
0xa0: {  	(v2sf) =	vpush v0, $0xB;
	_ =	sdelay $0x7  }
0xa1: {  	s10 =	spop (v2sf);
	(v2sf) =	vpush v0, $0xC;
	_ =	sdelay $0x1  }
0xa2: {  	s13 =	spop (v2sf);
	(v2sf) =	vpush v0, $0xD  }
0xa3: {  	s5 =	sand.u32 $0x1FFFFFF0, s10  }
0xa4: {  	s12 =	simm.s32 $0x6200;
	s5 =	sadd.s32 s4, s5;
	s15 =	spop (v2sf)  }
0xa5: {  	(v2sf) =	vpush v0, $0xE;
	[tilespmem:s12], [sflag:$0x1] =	stream.linear.gather [hbm4b:s5+s2], $0x80, $0x38;
	[tilespmem:$0xDA00] =	vst v63  }
0xa6: {  	s5 =	sand.u32 $0x1FFFFFF0, s13  }
0xa7: {  	s14 =	simm.s32 $0x6280;
	s17 =	spop (v2sf);
	s5 =	sadd.s32 s4, s5  }
0xa8: {  	(v2sf) =	vpush v0, $0xF;
	[tilespmem:s14], [sflag:$0x1] =	stream.linear.gather [hbm4b:s5+s2], $0x80, $0x38;
	[tilespmem:$0xDA00] =	vst v63  }
0xa9: {  	s5 =	sand.u32 $0x1FFFFFF0, s15  }
0xaa: {  	s16 =	simm.s32 $0x6300;
	s5 =	sadd.s32 s4, s5  }
0xab: {  	[tilespmem:s16], [sflag:$0x1] =	stream.linear.gather [hbm4b:s5+s2], $0x80, $0x38;
	[tilespmem:$0xDA00] =	vst v63  }
0xac: {  	s5 =	sand.u32 $0x1FFFFFF0, s17  }
0xad: {  	s18 =	simm.s32 $0x6380;
	s5 =	sadd.s32 s4, s5  }
0xae: {  	[tilespmem:s18], [sflag:$0x1] =	stream.linear.gather [hbm4b:s5+s2], $0x80, $0x38;
	[tilespmem:$0xDA00] =	vst v63  }
0xaf: {  	s19 =	spop (v2sf)  }
0xb0: {  	s5 =	sand.u32 $0x1FFFFFF0, s19  }
0xb1: {  	s22 =	simm.s32 $0x6400;
	s24 =	spop (v2sf);
	s5 =	sadd.s32 s4, s5  }
0xb2: {  	[tilespmem:s22], [sflag:$0x1] =	stream.linear.gather [hbm4b:s5+s2], $0x80, $0x38;
	[tilespmem:$0xDA00] =	vst v63  }
0xb3: {  	s5 =	sand.u32 $0x1FFFFFF0, s24  }
0xb4: {  	s25 =	simm.s32 $0x6480;
	s26 =	spop (v2sf);
	s5 =	sadd.s32 s4, s5  }
0xb5: {  	[tilespmem:s25], [sflag:$0x1] =	stream.linear.gather [hbm4b:s5+s2], $0x80, $0x38;
	[tilespmem:$0xDA00] =	vst v63  }
0xb6: {  	p0 =	sgt.u32 s21, $0x7D;
	s5 =	sand.u32 $0x1FFFFFF0, s26  }
0xb7: {  	s28 =	simm.s32 $0x6500;
	s29 =	spop (v2sf);
	s5 =	sadd.s32 s4, s5  }
0xb8: {  	[tilespmem:s28], [sflag:$0x1] =	stream.linear.gather [hbm4b:s5+s2], $0x80, $0x38;
	[tilespmem:$0xDA00] =	vst v63  }
0xb9: {  	s6 =	sadd.s32 @!p0 s21, s7;
	s5 =	sand.u32 $0x1FFFFFF0, s29  }
0xba: {  	s6 =	smul.u32 @!p0 $0x19, s6;
	s30 =	simm.s32 $0x6580;
	s5 =	sadd.s32 s4, s5  }
0xbb: {  	[tilespmem:s30], [sflag:$0x1] =	stream.linear.gather [hbm4b:s5+s2], $0x80, $0x38;
	[tilespmem:$0xDA00] =	vst v63  }
0xbc: {  	p1 =	seq.s32 @!p0 s21, $0x0;
	s5 =	sadd.s32 @!p0 s3, s6;
	s6 =	simm.s32 @!p0 $0x0  }
0xbd: {  	[tilespmem:s6], [sflag:$0x3] =	stream.linear.gather @!p0 [hbm4b:s5+s6], $0xC8, $0x38;
	[tilespmem:$0xDA00] =	vst v63  }
0xbe: {  	p0 =	por p0, !p1  }
.Ltmp4:
0xbf: {  	_ = 	snop;
	(pc) =	sbr.rel @!p0 .LBB2_15-.Ltmp4, $1  }
0xc0: {  	_ =	sdelay $0x3  }
0xc1: {  	_ =	swait.ge [sflag:s20], $0x6400  }
0xc2: {  	[sflag:s20] =	ssyncset.done $0x0  }
0xc3: {  	s6 =	simm.s32 $0x6B00;
	[sflag:s20] =	ssyncadd.s32 $0xFFFF9C00  }
0xc4: {  	v4 =	vld [tilespmem:s6+$0x300]  }
0xc5: {  	v5 =	vld [tilespmem:s6+$0x310]  }
0xc6: {  	v7 =	vld [tilespmem:s6+$0x380]  }
0xc7: {  	v9 =	vld [tilespmem:s6+$0x390]  }
0xc8: {  	v1 =	vld [tilespmem:s6+$0x400]  }
0xc9: {  	v0 =	vld [tilespmem:s6+$0x410]  }
0xca: {  	v6 =	vld [tilespmem:s6+$0x100]  }
0xcb: {  	v8 =	vld [tilespmem:s6+$0x110]  }
0xcc: {  	v10 =	vld [tilespmem:s6+$0x180]  }
0xcd: {  	v11 =	vld [tilespmem:s6+$0x190]  }
0xce: {  	v3 =	vld [tilespmem:s6+$0x200]  }
0xcf: {  	v2 =	vld [tilespmem:s6+$0x210]  }
0xd0: {  	v12 =	vld [tilespmem:s6+$0xFFFFFF00]  }
0xd1: {  	v13 =	vld [tilespmem:s6+$0xFFFFFF10]  }
0xd2: {  	v14 =	vld [tilespmem:s6+$0xFFFFFF80]  }
0xd3: {  	v15 =	vld [tilespmem:s6+$0xFFFFFF90]  }
0xd4: {  	v16 =	vld [tilespmem:s6+$0xFFFFFD00]  }
0xd5: {  	v17 =	vld [tilespmem:s6+$0xFFFFFD10]  }
0xd6: {  	v18 =	vld [tilespmem:s6+$0xFFFFFB00]  }
0xd7: {  	v19 =	vld [tilespmem:s6+$0xFFFFFB10]  }
0xd8: {  	v20 =	vld [tilespmem:s6+$0xFFFFFB80]  }
0xd9: {  	v21 =	vld [tilespmem:s6+$0xFFFFFB90]  }
0xda: {  	v22 =	vld [tilespmem:s6+$0xFFFFFD80]  }
0xdb: {  	v23 =	vld [tilespmem:s6+$0xFFFFFD90]  }
0xdc: {  	v24 =	vimm.f32 $0.0e+00;
	v25 =	vld [tilespmem:s6+$0x0]  }
0xdd: {  	v26 =	vld [tilespmem:s6+$0x10];
	v18 =	vadd.f32 v18, v24;
	v19 =	vadd.f32 v19, v24  }
0xde: {  	v27 =	vld [tilespmem:s6+$0xFFFFFE00];
	v20 =	vadd.f32 v20, v24;
	v21 =	vadd.f32 v21, v24  }
0xdf: {  	v63 =	vld [tilespmem:s6+$0xFFFFFC10];
	v16 =	vadd.f32 v16, v18;
	v17 =	vadd.f32 v17, v19  }
0xe0: {  	v18 =	vld [tilespmem:s6+$0xFFFFFE10];
	v20 =	vadd.f32 v22, v20;
	v21 =	vadd.f32 v23, v21  }
0xe1: {  	v19 =	vld [tilespmem:s6+$0xFFFFFC00];
	v12 =	vadd.f32 v12, v16;
	v13 =	vadd.f32 v13, v17  }
0xe2: {  	v16 =	vld [tilespmem:s6+$0xFFFFFC80];
	v14 =	vadd.f32 v14, v20;
	v15 =	vadd.f32 v15, v21  }
0xe3: {  	v17 =	vld [tilespmem:s6+$0xFFFFFC90];
	v6 =	vadd.f32 v6, v12;
	v8 =	vadd.f32 v8, v13  }
0xe4: {  	v12 =	vld [tilespmem:s6+$0xFFFFFE80];
	v10 =	vadd.f32 v10, v14;
	v11 =	vadd.f32 v11, v15  }
0xe5: {  	v13 =	vld [tilespmem:s6+$0xFFFFFE90];
	v14 =	vadd.f32 v63, v24;
	v6 =	vadd.f32 v4, v6  }
0xe6: {  	v4 =	vadd.f32 v5, v8;
	v8 =	vld [tilespmem:s6+$0x80];
	v7 =	vadd.f32 v7, v10  }
0xe7: {  	v5 =	vadd.f32 v9, v11;
	v11 =	vadd.f32 v19, v24;
	v9 =	vld [tilespmem:s6+$0x90]  }
0xe8: {  	v10 =	vld [tilespmem:s6+$0x280];
	v15 =	vadd.f32 v16, v24;
	v17 =	vadd.f32 v17, v24  }
0xe9: {  	v18 =	vadd.f32 v18, v14;
	v19 =	vadd.f32 v27, v11;
	v11 =	vld [tilespmem:s6+$0x290]  }
0xea: {  	v16 =	vadd.f32 v12, v15;
	v14 =	vadd.f32 v13, v17;
	v12 =	vld [tilespmem:s6+$0x480]  }
0xeb: {  	s5 =	simm.s32 $0x0;
	v15 =	vadd.f32 v26, v18;
	v13 =	vld [tilespmem:s6+$0x490];
	s6 =	simm.s32 $0x7500;
	v17 =	vadd.f32 v25, v19  }
.LBB2_7:
0xec: {  	v18 =	vld [tilespmem:s6+$0x300];
	v8 =	vadd.f32 v8, v16;
	v9 =	vadd.f32 v9, v14  }
0xed: {  	v14 =	vld [tilespmem:s6+$0x310];
	v3 =	vadd.f32 v3, v17;
	v2 =	vadd.f32 v2, v15  }
0xee: {  	v15 =	vld [tilespmem:s6+$0x380];
	v8 =	vadd.f32 v10, v8;
	v9 =	vadd.f32 v11, v9  }
0xef: {  	v10 =	vld [tilespmem:s6+$0x390];
	v11 =	vadd.f32 v1, v3;
	v16 =	vadd.f32 v0, v2  }
0xf0: {  	v1 =	vld [tilespmem:s6+$0x400];
	v12 =	vadd.f32 v12, v8;
	v13 =	vadd.f32 v13, v9  }
0xf1: {  	v0 =	vld [tilespmem:s6+$0x410]  }
0xf2: {  	v8 =	vld [tilespmem:s6+$0x100]  }
0xf3: {  	v9 =	vld [tilespmem:s6+$0x110]  }
0xf4: {  	v17 =	vld [tilespmem:s6+$0x180]  }
0xf5: {  	v19 =	vld [tilespmem:s6+$0x190]  }
0xf6: {  	v3 =	vld [tilespmem:s6+$0x200]  }
0xf7: {  	v2 =	vld [tilespmem:s6+$0x210]  }
0xf8: {  	v20 =	vld [tilespmem:s6+$0xFFFFFF00]  }
0xf9: {  	v21 =	vld [tilespmem:s6+$0xFFFFFF10]  }
0xfa: {  	v22 =	vld [tilespmem:s6+$0xFFFFFF80]  }
0xfb: {  	v23 =	vld [tilespmem:s6+$0xFFFFFF90]  }
0xfc: {  	v24 =	vld [tilespmem:s6+$0xFFFFFD00]  }
0xfd: {  	v25 =	vld [tilespmem:s6+$0xFFFFFD10]  }
0xfe: {  	v26 =	vld [tilespmem:s6+$0xFFFFFB00]  }
0xff: {  	v27 =	vld [tilespmem:s6+$0xFFFFFB10]  }
0x100: {  	v28 =	vld [tilespmem:s6+$0xFFFFFB80]  }
0x101: {  	v29 =	vld [tilespmem:s6+$0xFFFFFB90]  }
0x102: {  	v30 =	vld [tilespmem:s6+$0xFFFFFD80]  }
0x103: {  	v31 =	vld [tilespmem:s6+$0xFFFFFD90]  }
0x104: {  	v32 =	vld [tilespmem:s6+$0x0]  }
0x105: {  	v6 =	vadd.f32 v26, v6;
	v4 =	vadd.f32 v27, v4;
	v26 =	vld [tilespmem:s6+$0x10]  }
0x106: {  	v7 =	vadd.f32 v28, v7;
	v5 =	vadd.f32 v29, v5;
	v27 =	vld [tilespmem:s6+$0xFFFFFE00]  }
0x107: {  	v6 =	vadd.f32 v24, v6;
	v4 =	vadd.f32 v25, v4;
	v24 =	vld [tilespmem:s6+$0xFFFFFE10]  }
0x108: {  	v7 =	vadd.f32 v30, v7;
	v25 =	vld [tilespmem:s6+$0xFFFFFC00];
	v5 =	vadd.f32 v31, v5  }
0x109: {  	v6 =	vadd.f32 v20, v6;
	v4 =	vadd.f32 v21, v4;
	v28 =	vld [tilespmem:s6+$0xFFFFFC10]  }
0x10a: {  	v7 =	vadd.f32 v22, v7;
	v20 =	vld [tilespmem:s6+$0xFFFFFC80];
	v5 =	vadd.f32 v23, v5  }
0x10b: {  	s5 =	sadd.s32 $0x5, s5;
	v6 =	vadd.f32 v8, v6;
	v4 =	vadd.f32 v9, v4;
	v21 =	vld [tilespmem:s6+$0xFFFFFC90]  }
0x10c: {  	p0 =	slt.u32 s5, $0x2D;
	v7 =	vadd.f32 v17, v7;
	v22 =	vld [tilespmem:s6+$0xFFFFFE80];
	v5 =	vadd.f32 v19, v5  }
0x10d: {  	v6 =	vadd.f32 v18, v6;
	v4 =	vadd.f32 v14, v4;
	v17 =	vld [tilespmem:s6+$0xFFFFFE90]  }
0x10e: {  	v7 =	vadd.f32 v15, v7;
	v8 =	vld [tilespmem:s6+$0x80];
	v5 =	vadd.f32 v10, v5  }
.Ltmp5:
0x10f: {  	v11 =	vadd.f32 v25, v11;
	v14 =	vadd.f32 v28, v16;
	v9 =	vld [tilespmem:s6+$0x90];
	(pc) =	sbr.rel @p0 .LBB2_7-.Ltmp5, $4  }
0x110: {  	v12 =	vadd.f32 v20, v12;
	v13 =	vadd.f32 v21, v13;
	v10 =	vld [tilespmem:s6+$0x280]  }
0x111: {  	v15 =	vadd.f32 v27, v11;
	v18 =	vadd.f32 v24, v14;
	v11 =	vld [tilespmem:s6+$0x290]  }
0x112: {  	v16 =	vadd.f32 v22, v12;
	v14 =	vadd.f32 v17, v13;
	v12 =	vld [tilespmem:s6+$0x480]  }
0x113: {  	v17 =	vadd.f32 v32, v15;
	v15 =	vadd.f32 v26, v18;
	v13 =	vld [tilespmem:s6+$0x490];
	s6 =	sadd.s32 $0xA00, s6  }
0x114: {  	v8 =	vadd.f32 v8, v16  }
0x115: {  	v9 =	vadd.f32 v9, v14  }
0x116: {  	v3 =	vadd.f32 v3, v17;
	v8 =	vadd.f32 v10, v8  }
0x117: {  	v2 =	vadd.f32 v2, v15;
	v63 =	vadd.f32 v11, v9  }
0x118: {  	v1 =	vadd.f32 v1, v3;
	v3 =	vadd.f32 v12, v8  }
0x119: {  	v6 =	vadd.f32 v7, v6;
	v0 =	vadd.f32 v0, v2  }
.Ltmp6:
0x11a: {  	v2 =	vadd.f32 v13, v63;
	v1 =	vadd.f32 v3, v1;
	(pc) =	sbr.rel .LBB2_14-.Ltmp6, $4  }
0x11b: {  	v3 =	vadd.f32 v5, v4  }
0x11c: {  	s5 =	sshll.u32 s21, $0x7;
	v0 =	vadd.f32 v2, v0;
	v1 =	vadd.f32 v1, v6  }
0x11d: {  	s6 =	sshrl.u32 s5, $0x2  }
0x11e: {  	v0 =	vadd.f32 v0, v3;
	[tilespmem:s6+$0xC9E0] =	vst v1  }
.LBB2_9:
0x11f: {  	_ =	swait.ge [sflag:s23], $0xC8  }
0x120: {  	[sflag:s23] =	ssyncset.done $0x0  }
0x121: {  	s8 =	simm.s32 $0x100;
	[sflag:s23] =	ssyncadd.s32 $0xFFFFFF38  }
0x122: {  	v0 =	vld [tilespmem:s8+$0x0];
	_ =	sdelay $0x4  }
0x123: {  	v0 =	vshll.u32 v0, $0x4  }
0x124: {  	(v2sf) =	vpush v0, $0x0  }
0x125: {  	(v2sf) =	vpush v0, $0x1  }
0x126: {  	(v2sf) =	vpush v0, $0x2;
	_ =	sdelay $0x1  }
0x127: {  	(v2sf) =	vpush v0, $0x4;
	_ =	sdelay $0x1  }
0x128: {  	(v2sf) =	vpush v0, $0x3  }
0x129: {  	(v2sf) =	vpush v0, $0x5  }
0x12a: {  	s9 =	simm.s32 $0x2000;
	s6 =	simm.s32 $0x0;
	(v2sf) =	vpush v0, $0x6  }
.LBB2_10:
0x12b: {  	p0 =	sne.s32 s9, $0x16000  }
0x12c: {  	s18 =	sadd.s32 $0x6680, s6;
	s12 =	sadd.s32 $0x6B80, s6;
	s5 =	smov.u32 s9  }
0x12d: {  	s9 =	sadd.s32 $0x2000, s9;
	s15 =	sadd.s32 $0x6980, s6;
	s22 =	sadd.s32 $0x6C00, s6;
	(v2sf) =	vpush v0, $0x7  }
0x12e: {  	s17 =	sadd.s32 $0x6880, s6;
	s14 =	sadd.s32 $0x6A00, s6;
	s10 =	sadd.s32 $0x6C80, s6  }
0x12f: {  	s19 =	sadd.s32 $0x6600, s6;
	s24 =	sadd.s32 $0x6800, s6;
	(v2sf) =	vpush v0, $0x8  }
0x130: {  	s25 =	sadd.s32 $0x6900, s6;
	s8 =	sadd.s32 $0x10, s8  }
0x131: {  	s26 =	sadd.s32 $0x6700, s6;
	s13 =	sadd.s32 $0x6B00, s6;
	s16 =	spop (v2sf);
	(v2sf) =	vpush v0, $0x9  }
0x132: {  	s28 =	sand.u32 $0x1FFFFFF0, s16;
	s16 =	sadd.s32 $0x6A80, s6;
	s29 =	spop (v2sf)  }
0x133: {  	s28 =	sadd.s32 s4, s28;
	s29 =	sand.u32 $0x1FFFFFF0, s29;
	s30 =	spop (v2sf);
	(v2sf) =	vpush v0, $0xA  }
0x134: {  	[tilespmem:s19], [sflag:$0x2] =	stream.linear.gather [hbm4b:s28+s2], $0x80, $0x38;
	[tilespmem:$0xDA00] =	vst v63  }
0x135: {  	s19 =	sadd.s32 s4, s29;
	s28 =	sadd.s32 $0x6780, s6;
	s29 =	spop (v2sf);
	(v2sf) =	vpush v0, $0xB  }
0x136: {  	[tilespmem:s18], [sflag:$0x2] =	stream.linear.gather [hbm4b:s19+s2], $0x80, $0x38;
	[tilespmem:$0xDA00] =	vst v63  }
0x137: {  	s18 =	sand.u32 $0x1FFFFFF0, s30;
	s19 =	sand.u32 $0x1FFFFFF0, s29;
	s29 =	spop (v2sf);
	(v2sf) =	vpush v0, $0xC  }
0x138: {  	s18 =	sadd.s32 s4, s18;
	s29 =	sand.u32 $0x1FFFFFF0, s29;
	s30 =	spop (v2sf)  }
0x139: {  	[tilespmem:s26], [sflag:$0x2] =	stream.linear.gather [hbm4b:s18+s2], $0x80, $0x38;
	(v2sf) =	vpush v0, $0xD;
	[tilespmem:$0xDA00] =	vst v63  }
0x13a: {  	s18 =	sadd.s32 s4, s29;
	s26 =	sand.u32 $0x1FFFFFF0, s30;
	s29 =	spop (v2sf)  }
0x13b: {  	[tilespmem:s28], [sflag:$0x2] =	stream.linear.gather [hbm4b:s18+s2], $0x80, $0x38;
	(v2sf) =	vpush v0, $0xE;
	[tilespmem:$0xDA00] =	vst v63  }
0x13c: {  	s18 =	sadd.s32 s4, s19;
	s19 =	sand.u32 $0x1FFFFFF0, s29;
	s28 =	spop (v2sf)  }
0x13d: {  	[tilespmem:s24], [sflag:$0x2] =	stream.linear.gather [hbm4b:s18+s2], $0x80, $0x38;
	(v2sf) =	vpush v0, $0xF;
	[tilespmem:$0xDA00] =	vst v63  }
0x13e: {  	s18 =	sadd.s32 s4, s26;
	s24 =	sand.u32 $0x1FFFFFF0, s28;
	s26 =	spop (v2sf)  }
0x13f: {  	[tilespmem:s17], [sflag:$0x2] =	stream.linear.gather [hbm4b:s18+s2], $0x80, $0x38;
	[tilespmem:$0xDA00] =	vst v63  }
0x140: {  	s17 =	sadd.s32 s4, s19;
	s18 =	sand.u32 $0x1FFFFFF0, s26;
	s19 =	spop (v2sf)  }
0x141: {  	[tilespmem:s25], [sflag:$0x2] =	stream.linear.gather [hbm4b:s17+s2], $0x80, $0x38;
	[tilespmem:$0xDA00] =	vst v63  }
0x142: {  	s17 =	sadd.s32 s4, s24;
	s19 =	sand.u32 $0x1FFFFFF0, s19;
	s24 =	spop (v2sf)  }
0x143: {  	[tilespmem:s15], [sflag:$0x2] =	stream.linear.gather [hbm4b:s17+s2], $0x80, $0x38;
	[tilespmem:$0xDA00] =	vst v63  }
0x144: {  	s15 =	sadd.s32 s4, s18;
	s17 =	sand.u32 $0x1FFFFFF0, s24;
	s18 =	spop (v2sf)  }
0x145: {  	[tilespmem:s14], [sflag:$0x2] =	stream.linear.gather [hbm4b:s15+s2], $0x80, $0x38;
	[tilespmem:$0xDA00] =	vst v63  }
0x146: {  	s14 =	sadd.s32 s4, s19;
	s15 =	sand.u32 $0x1FFFFFF0, s18;
	s18 =	spop (v2sf)  }
0x147: {  	[tilespmem:s16], [sflag:$0x2] =	stream.linear.gather [hbm4b:s14+s2], $0x80, $0x38;
	[tilespmem:$0xDA00] =	vst v63  }
0x148: {  	s14 =	sadd.s32 s4, s17;
	s16 =	sand.u32 $0x1FFFFFF0, s18;
	s17 =	spop (v2sf)  }
0x149: {  	[tilespmem:s13], [sflag:$0x2] =	stream.linear.gather [hbm4b:s14+s2], $0x80, $0x38;
	[tilespmem:$0xDA00] =	vst v63  }
0x14a: {  	s13 =	sadd.s32 s4, s15;
	s14 =	sand.u32 $0x1FFFFFF0, s17;
	s15 =	spop (v2sf)  }
0x14b: {  	[tilespmem:s12], [sflag:$0x2] =	stream.linear.gather [hbm4b:s13+s2], $0x80, $0x38;
	[tilespmem:$0xDA00] =	vst v63  }
0x14c: {  	s12 =	sadd.s32 s4, s16;
	s13 =	sand.u32 $0x1FFFFFF0, s15;
	s15 =	spop (v2sf)  }
0x14d: {  	[tilespmem:s22], [sflag:$0x2] =	stream.linear.gather [hbm4b:s12+s2], $0x80, $0x38;
	[tilespmem:$0xDA00] =	vst v63  }
0x14e: {  	s12 =	sadd.s32 s4, s14;
	s14 =	sand.u32 $0x1FFFFFF0, s15  }
0x14f: {  	[tilespmem:s10], [sflag:$0x2] =	stream.linear.gather [hbm4b:s12+s2], $0x80, $0x38;
	[tilespmem:$0xDA00] =	vst v63  }
0x150: {  	s10 =	sadd.s32 $0x6D00, s6;
	s12 =	sadd.s32 s4, s13  }
0x151: {  	[tilespmem:s10], [sflag:$0x2] =	stream.linear.gather [hbm4b:s12+s2], $0x80, $0x38;
	[tilespmem:$0xDA00] =	vst v63  }
0x152: {  	s6 =	sadd.s32 $0x6D80, s6;
	s10 =	sadd.s32 s4, s14  }
0x153: {  	[tilespmem:s6], [sflag:$0x2] =	stream.linear.gather [hbm4b:s10+s2], $0x80, $0x38;
	[tilespmem:$0xDA00] =	vst v63  }
0x154: {  	v0 =	vld [tilespmem:s8+$0x0];
	_ =	sdelay $0x4  }
0x155: {  	v0 =	vshll.u32 v0, $0x4  }
0x156: {  	(v2sf) =	vpush v0, $0x0  }
0x157: {  	(v2sf) =	vpush v0, $0x1  }
0x158: {  	(v2sf) =	vpush v0, $0x2;
	_ =	sdelay $0x1  }
0x159: {  	(v2sf) =	vpush v0, $0x4  }
.Ltmp7:
0x15a: {  	(pc) =	sbr.rel @p0 .LBB2_10-.Ltmp7, $3  }
0x15b: {  	(v2sf) =	vpush v0, $0x3  }
0x15c: {  	(v2sf) =	vpush v0, $0x5;
	_ =	sdelay $0x1  }
0x15d: {  	s6 =	sshra.s32 s5, $0x2;
	(v2sf) =	vpush v0, $0x6  }
0x15e: {  	_ =	sdelay $0x5  }
0x15f: {  	s5 =	spop (v2sf)  }
0x160: {  	s8 =	spop (v2sf)  }
0x161: {  	s17 =	spop (v2sf)  }
0x162: {  	s22 =	spop (v2sf);
	(v2sf) =	vpush v0, $0x7  }
0x163: {  	s5 =	sand.u32 $0x1FFFFFF0, s5  }
0x164: {  	s9 =	sadd.s32 $0x6600, s6;
	s5 =	sadd.s32 s4, s5  }
0x165: {  	[tilespmem:s9], [sflag:$0x2] =	stream.linear.gather [hbm4b:s5+s2], $0x80, $0x38;
	[tilespmem:$0xDA00] =	vst v63  }
0x166: {  	s8 =	sand.u32 $0x1FFFFFF0, s8;
	s24 =	spop (v2sf);
	(v2sf) =	vpush v0, $0x8  }
0x167: {  	s16 =	sadd.s32 $0x6680, s6;
	s8 =	sadd.s32 s4, s8  }
0x168: {  	[tilespmem:s16], [sflag:$0x2] =	stream.linear.gather [hbm4b:s8+s2], $0x80, $0x38;
	[tilespmem:$0xDA00] =	vst v63  }
0x169: {  	s18 =	sand.u32 $0x1FFFFFF0, s17;
	s29 =	spop (v2sf);
	(v2sf) =	vpush v0, $0x9  }
0x16a: {  	s19 =	sadd.s32 $0x6700, s6;
	s5 =	sadd.s32 s4, s18  }
0x16b: {  	[tilespmem:s19], [sflag:$0x2] =	stream.linear.gather [hbm4b:s5+s2], $0x80, $0x38;
	[tilespmem:$0xDA00] =	vst v63  }
0x16c: {  	s5 =	sand.u32 $0x1FFFFFF0, s24;
	s8 =	spop (v2sf);
	(v2sf) =	vpush v0, $0xA  }
0x16d: {  	s25 =	sadd.s32 $0x6780, s6;
	s26 =	sand.u32 $0x1FFFFFF0, s22;
	s5 =	sadd.s32 s4, s5  }
0x16e: {  	[tilespmem:s25], [sflag:$0x2] =	stream.linear.gather [hbm4b:s5+s2], $0x80, $0x38;
	[tilespmem:$0xDA00] =	vst v63  }
0x16f: {  	s28 =	sadd.s32 $0x6800, s6;
	s5 =	sadd.s32 s4, s26  }
0x170: {  	[tilespmem:s28], [sflag:$0x2] =	stream.linear.gather [hbm4b:s5+s2], $0x80, $0x38;
	[tilespmem:$0xDA00] =	vst v63  }
0x171: {  	s5 =	sand.u32 $0x1FFFFFF0, s29;
	s10 =	spop (v2sf);
	(v2sf) =	vpush v0, $0xB  }
0x172: {  	s30 =	sadd.s32 $0x6880, s6;
	s5 =	sadd.s32 s4, s5  }
0x173: {  	[tilespmem:s30], [sflag:$0x2] =	stream.linear.gather [hbm4b:s5+s2], $0x80, $0x38;
	[tilespmem:$0xDA00] =	vst v63  }
0x174: {  	s5 =	sand.u32 $0x1FFFFFF0, s8  }
0x175: {  	s9 =	sadd.s32 $0x6900, s6;
	s5 =	sadd.s32 s4, s5;
	s13 =	spop (v2sf);
	(v2sf) =	vpush v0, $0xC  }
0x176: {  	[tilespmem:s9], [sflag:$0x2] =	stream.linear.gather [hbm4b:s5+s2], $0x80, $0x38;
	[tilespmem:$0xDA00] =	vst v63  }
0x177: {  	s5 =	sand.u32 $0x1FFFFFF0, s10  }
0x178: {  	s12 =	sadd.s32 $0x6980, s6;
	s5 =	sadd.s32 s4, s5;
	s15 =	spop (v2sf);
	(v2sf) =	vpush v0, $0xD  }
0x179: {  	[tilespmem:s12], [sflag:$0x2] =	stream.linear.gather [hbm4b:s5+s2], $0x80, $0x38;
	[tilespmem:$0xDA00] =	vst v63  }
0x17a: {  	s5 =	sand.u32 $0x1FFFFFF0, s13  }
0x17b: {  	s14 =	sadd.s32 $0x6A00, s6;
	s5 =	sadd.s32 s4, s5;
	s17 =	spop (v2sf);
	(v2sf) =	vpush v0, $0xE  }
0x17c: {  	[tilespmem:s14], [sflag:$0x2] =	stream.linear.gather [hbm4b:s5+s2], $0x80, $0x38;
	[tilespmem:$0xDA00] =	vst v63  }
0x17d: {  	s5 =	sand.u32 $0x1FFFFFF0, s15  }
0x17e: {  	s16 =	sadd.s32 $0x6A80, s6;
	s5 =	sadd.s32 s4, s5  }
0x17f: {  	[tilespmem:s16], [sflag:$0x2] =	stream.linear.gather [hbm4b:s5+s2], $0x80, $0x38;
	[tilespmem:$0xDA00] =	vst v63  }
0x180: {  	s5 =	sand.u32 $0x1FFFFFF0, s17;
	s19 =	spop (v2sf);
	(v2sf) =	vpush v0, $0xF  }
0x181: {  	s18 =	sadd.s32 $0x6B00, s6;
	s5 =	sadd.s32 s4, s5  }
0x182: {  	[tilespmem:s18], [sflag:$0x2] =	stream.linear.gather [hbm4b:s5+s2], $0x80, $0x38;
	[tilespmem:$0xDA00] =	vst v63  }
0x183: {  	s5 =	sand.u32 $0x1FFFFFF0, s19  }
0x184: {  	s22 =	sadd.s32 $0x6B80, s6;
	s5 =	sadd.s32 s4, s5;
	s24 =	spop (v2sf)  }
0x185: {  	[tilespmem:s22], [sflag:$0x2] =	stream.linear.gather [hbm4b:s5+s2], $0x80, $0x38;
	[tilespmem:$0xDA00] =	vst v63  }
0x186: {  	s5 =	sand.u32 $0x1FFFFFF0, s24  }
0x187: {  	s25 =	sadd.s32 $0x6C00, s6;
	s26 =	spop (v2sf);
	s5 =	sadd.s32 s4, s5  }
0x188: {  	[tilespmem:s25], [sflag:$0x2] =	stream.linear.gather [hbm4b:s5+s2], $0x80, $0x38;
	[tilespmem:$0xDA00] =	vst v63  }
0x189: {  	s5 =	sand.u32 $0x1FFFFFF0, s26  }
0x18a: {  	s28 =	sadd.s32 $0x6C80, s6;
	s29 =	spop (v2sf);
	s5 =	sadd.s32 s4, s5  }
0x18b: {  	[tilespmem:s28], [sflag:$0x2] =	stream.linear.gather [hbm4b:s5+s2], $0x80, $0x38;
	[tilespmem:$0xDA00] =	vst v63  }
0x18c: {  	s5 =	sand.u32 $0x1FFFFFF0, s29  }
0x18d: {  	s30 =	sadd.s32 $0x6D00, s6;
	s5 =	sadd.s32 s4, s5  }
0x18e: {  	[tilespmem:s30], [sflag:$0x2] =	stream.linear.gather [hbm4b:s5+s2], $0x80, $0x38;
	[tilespmem:$0xDA00] =	vst v63  }
0x18f: {  	s9 =	spop (v2sf)  }
0x190: {  	s5 =	sand.u32 $0x1FFFFFF0, s9  }
0x191: {  	s10 =	sadd.s32 $0x6D80, s6;
	s5 =	sadd.s32 s4, s5  }
0x192: {  	[tilespmem:s10], [sflag:$0x2] =	stream.linear.gather [hbm4b:s5+s2], $0x80, $0x38;
	[tilespmem:$0xDA00] =	vst v63  }
0x193: {  	v0 =	vld [tilespmem:$0x1B8];
	_ =	sdelay $0x4  }
0x194: {  	v0 =	vshll.u32 v0, $0x4  }
0x195: {  	(v2sf) =	vpush v0, $0x8;
	_ =	sdelay $0x1  }
0x196: {  	(v2sf) =	vpush v0, $0x9;
	_ =	sdelay $0x1  }
0x197: {  	(v2sf) =	vpush v0, $0xA;
	_ =	sdelay $0x2  }
0x198: {  	(v2sf) =	vpush v0, $0xB;
	_ =	sdelay $0x7  }
0x199: {  	s12 =	spop (v2sf);
	(v2sf) =	vpush v0, $0xC;
	_ =	sdelay $0x1  }
0x19a: {  	s14 =	spop (v2sf);
	(v2sf) =	vpush v0, $0xD  }
0x19b: {  	s5 =	sand.u32 $0x1FFFFFF0, s12  }
0x19c: {  	s13 =	simm.s32 $0xC600;
	s5 =	sadd.s32 s4, s5;
	s16 =	spop (v2sf)  }
0x19d: {  	(v2sf) =	vpush v0, $0xE;
	[tilespmem:s13], [sflag:$0x2] =	stream.linear.gather [hbm4b:s5+s2], $0x80, $0x38;
	[tilespmem:$0xDA00] =	vst v63  }
0x19e: {  	s5 =	sand.u32 $0x1FFFFFF0, s14  }
0x19f: {  	s15 =	simm.s32 $0xC680;
	s18 =	spop (v2sf);
	s5 =	sadd.s32 s4, s5  }
0x1a0: {  	(v2sf) =	vpush v0, $0xF;
	[tilespmem:s15], [sflag:$0x2] =	stream.linear.gather [hbm4b:s5+s2], $0x80, $0x38;
	[tilespmem:$0xDA00] =	vst v63  }
0x1a1: {  	s5 =	sand.u32 $0x1FFFFFF0, s16  }
0x1a2: {  	s17 =	simm.s32 $0xC700;
	s5 =	sadd.s32 s4, s5  }
0x1a3: {  	[tilespmem:s17], [sflag:$0x2] =	stream.linear.gather [hbm4b:s5+s2], $0x80, $0x38;
	[tilespmem:$0xDA00] =	vst v63  }
0x1a4: {  	s5 =	sand.u32 $0x1FFFFFF0, s18  }
0x1a5: {  	s19 =	simm.s32 $0xC780;
	s5 =	sadd.s32 s4, s5  }
0x1a6: {  	[tilespmem:s19], [sflag:$0x2] =	stream.linear.gather [hbm4b:s5+s2], $0x80, $0x38;
	[tilespmem:$0xDA00] =	vst v63  }
0x1a7: {  	s22 =	spop (v2sf)  }
0x1a8: {  	s5 =	sand.u32 $0x1FFFFFF0, s22  }
0x1a9: {  	s24 =	simm.s32 $0xC800;
	s25 =	spop (v2sf);
	s5 =	sadd.s32 s4, s5  }
0x1aa: {  	[tilespmem:s24], [sflag:$0x2] =	stream.linear.gather [hbm4b:s5+s2], $0x80, $0x38;
	[tilespmem:$0xDA00] =	vst v63  }
0x1ab: {  	s5 =	sand.u32 $0x1FFFFFF0, s25  }
0x1ac: {  	s26 =	simm.s32 $0xC880;
	s28 =	spop (v2sf);
	s5 =	sadd.s32 s4, s5  }
0x1ad: {  	[tilespmem:s26], [sflag:$0x2] =	stream.linear.gather [hbm4b:s5+s2], $0x80, $0x38;
	[tilespmem:$0xDA00] =	vst v63  }
0x1ae: {  	s5 =	sand.u32 $0x1FFFFFF0, s28  }
0x1af: {  	p0 =	sgt.u32 s21, $0x7D;
	s29 =	spop (v2sf);
	s5 =	sadd.s32 s4, s5  }
0x1b0: {  	[tilespmem:s31], [sflag:$0x2] =	stream.linear.gather [hbm4b:s5+s2], $0x80, $0x38;
	[tilespmem:$0xDA00] =	vst v63  }
0x1b1: {  	s6 =	sadd.s32 @!p0 s21, s7;
	s5 =	sand.u32 $0x1FFFFFF0, s29  }
0x1b2: {  	s6 =	smul.u32 @!p0 $0x19, s6;
	s5 =	sadd.s32 s4, s5  }
0x1b3: {  	[tilespmem:s1], [sflag:$0x2] =	stream.linear.gather [hbm4b:s5+s2], $0x80, $0x38;
	[tilespmem:$0xDA00] =	vst v63  }
0x1b4: {  	s8 =	simm.s32 @!p0 $0x100;
	s5 =	sadd.s32 @!p0 s3, s6;
	s6 =	simm.s32 @!p0 $0x0  }
0x1b5: {  	[tilespmem:s8], [sflag:$0x4] =	stream.linear.gather @!p0 [hbm4b:s5+s6], $0xC8, $0x38;
	[tilespmem:$0xDA00] =	vst v63  }
0x1b6: {  	_ =	swait.ge [sflag:s0], $0x6400  }
0x1b7: {  	[sflag:s0] =	ssyncset.done $0x0  }
0x1b8: {  	s30 =	simm.s32 $0x700;
	[sflag:s0] =	ssyncadd.s32 $0xFFFF9C00  }
0x1b9: {  	v4 =	vld [tilespmem:s30+$0x300]  }
0x1ba: {  	v5 =	vld [tilespmem:s30+$0x310]  }
0x1bb: {  	v7 =	vld [tilespmem:s30+$0x380]  }
0x1bc: {  	v9 =	vld [tilespmem:s30+$0x390]  }
0x1bd: {  	v1 =	vld [tilespmem:s30+$0x400]  }
0x1be: {  	v0 =	vld [tilespmem:s30+$0x410]  }
0x1bf: {  	v6 =	vld [tilespmem:s30+$0x100]  }
0x1c0: {  	v8 =	vld [tilespmem:s30+$0x110]  }
0x1c1: {  	v10 =	vld [tilespmem:s30+$0x180]  }
0x1c2: {  	v11 =	vld [tilespmem:s30+$0x190]  }
0x1c3: {  	v3 =	vld [tilespmem:s30+$0x200]  }
0x1c4: {  	v2 =	vld [tilespmem:s30+$0x210]  }
0x1c5: {  	v12 =	vld [tilespmem:s30+$0xFFFFFF00]  }
0x1c6: {  	v13 =	vld [tilespmem:s30+$0xFFFFFF10]  }
0x1c7: {  	v14 =	vld [tilespmem:s30+$0xFFFFFF80]  }
0x1c8: {  	v15 =	vld [tilespmem:s30+$0xFFFFFF90]  }
0x1c9: {  	v16 =	vld [tilespmem:s30+$0xFFFFFD00]  }
0x1ca: {  	v17 =	vld [tilespmem:s30+$0xFFFFFD10]  }
0x1cb: {  	v18 =	vld [tilespmem:s30+$0xFFFFFB00]  }
0x1cc: {  	v19 =	vld [tilespmem:s30+$0xFFFFFB10]  }
0x1cd: {  	v20 =	vld [tilespmem:s30+$0xFFFFFB80]  }
0x1ce: {  	v21 =	vld [tilespmem:s30+$0xFFFFFB90]  }
0x1cf: {  	v22 =	vld [tilespmem:s30+$0xFFFFFD80]  }
0x1d0: {  	v23 =	vld [tilespmem:s30+$0xFFFFFD90]  }
0x1d1: {  	v24 =	vimm.f32 $0.0e+00;
	v25 =	vld [tilespmem:s30+$0x0]  }
0x1d2: {  	v26 =	vld [tilespmem:s30+$0x10];
	v18 =	vadd.f32 v18, v24;
	v19 =	vadd.f32 v19, v24  }
0x1d3: {  	v27 =	vld [tilespmem:s30+$0xFFFFFE00];
	v20 =	vadd.f32 v20, v24;
	v21 =	vadd.f32 v21, v24  }
0x1d4: {  	v63 =	vld [tilespmem:s30+$0xFFFFFC10];
	v16 =	vadd.f32 v16, v18;
	v17 =	vadd.f32 v17, v19  }
0x1d5: {  	v18 =	vld [tilespmem:s30+$0xFFFFFE10];
	v20 =	vadd.f32 v22, v20;
	v21 =	vadd.f32 v23, v21  }
0x1d6: {  	v19 =	vld [tilespmem:s30+$0xFFFFFC00];
	v12 =	vadd.f32 v12, v16;
	v13 =	vadd.f32 v13, v17  }
0x1d7: {  	v16 =	vld [tilespmem:s30+$0xFFFFFC80];
	v14 =	vadd.f32 v14, v20;
	v15 =	vadd.f32 v15, v21  }
0x1d8: {  	v17 =	vld [tilespmem:s30+$0xFFFFFC90];
	v6 =	vadd.f32 v6, v12;
	v8 =	vadd.f32 v8, v13  }
0x1d9: {  	v12 =	vld [tilespmem:s30+$0xFFFFFE80];
	v10 =	vadd.f32 v10, v14;
	v11 =	vadd.f32 v11, v15  }
0x1da: {  	v13 =	vld [tilespmem:s30+$0xFFFFFE90];
	v14 =	vadd.f32 v63, v24;
	v6 =	vadd.f32 v4, v6  }
0x1db: {  	v4 =	vadd.f32 v5, v8;
	v8 =	vld [tilespmem:s30+$0x80];
	v7 =	vadd.f32 v7, v10  }
0x1dc: {  	v5 =	vadd.f32 v9, v11;
	v11 =	vadd.f32 v19, v24;
	v9 =	vld [tilespmem:s30+$0x90]  }
0x1dd: {  	v10 =	vld [tilespmem:s30+$0x280];
	v15 =	vadd.f32 v16, v24;
	v17 =	vadd.f32 v17, v24  }
0x1de: {  	v18 =	vadd.f32 v18, v14;
	v19 =	vadd.f32 v27, v11;
	v11 =	vld [tilespmem:s30+$0x290]  }
0x1df: {  	v16 =	vadd.f32 v12, v15;
	v14 =	vadd.f32 v13, v17;
	v12 =	vld [tilespmem:s30+$0x480]  }
0x1e0: {  	s5 =	simm.s32 $0x0;
	s6 =	simm.s32 $0x1100;
	v15 =	vadd.f32 v26, v18;
	v13 =	vld [tilespmem:s30+$0x490];
	v17 =	vadd.f32 v25, v19  }
.LBB2_12:
0x1e1: {  	v18 =	vld [tilespmem:s6+$0x300];
	v8 =	vadd.f32 v8, v16;
	v9 =	vadd.f32 v9, v14  }
0x1e2: {  	v3 =	vadd.f32 v3, v17;
	v2 =	vadd.f32 v2, v15;
	v14 =	vld [tilespmem:s6+$0x310]  }
0x1e3: {  	v15 =	vld [tilespmem:s6+$0x380];
	v8 =	vadd.f32 v10, v8;
	v9 =	vadd.f32 v11, v9  }
0x1e4: {  	v11 =	vadd.f32 v1, v3;
	v16 =	vadd.f32 v0, v2;
	v10 =	vld [tilespmem:s6+$0x390]  }
0x1e5: {  	v1 =	vld [tilespmem:s6+$0x400];
	v12 =	vadd.f32 v12, v8;
	v13 =	vadd.f32 v13, v9  }
0x1e6: {  	v0 =	vld [tilespmem:s6+$0x410]  }
0x1e7: {  	v8 =	vld [tilespmem:s6+$0x100]  }
0x1e8: {  	v9 =	vld [tilespmem:s6+$0x110]  }
0x1e9: {  	v17 =	vld [tilespmem:s6+$0x180]  }
0x1ea: {  	v19 =	vld [tilespmem:s6+$0x190]  }
0x1eb: {  	v3 =	vld [tilespmem:s6+$0x200]  }
0x1ec: {  	v2 =	vld [tilespmem:s6+$0x210]  }
0x1ed: {  	v20 =	vld [tilespmem:s6+$0xFFFFFF00]  }
0x1ee: {  	v21 =	vld [tilespmem:s6+$0xFFFFFF10]  }
0x1ef: {  	v22 =	vld [tilespmem:s6+$0xFFFFFF80]  }
0x1f0: {  	v23 =	vld [tilespmem:s6+$0xFFFFFF90]  }
0x1f1: {  	v24 =	vld [tilespmem:s6+$0xFFFFFD00]  }
0x1f2: {  	v25 =	vld [tilespmem:s6+$0xFFFFFD10]  }
0x1f3: {  	v26 =	vld [tilespmem:s6+$0xFFFFFB00]  }
0x1f4: {  	v27 =	vld [tilespmem:s6+$0xFFFFFB10]  }
0x1f5: {  	v28 =	vld [tilespmem:s6+$0xFFFFFB80]  }
0x1f6: {  	v29 =	vld [tilespmem:s6+$0xFFFFFB90]  }
0x1f7: {  	v30 =	vld [tilespmem:s6+$0xFFFFFD80]  }
0x1f8: {  	v31 =	vld [tilespmem:s6+$0xFFFFFD90]  }
0x1f9: {  	v32 =	vld [tilespmem:s6+$0x0]  }
0x1fa: {  	v6 =	vadd.f32 v26, v6;
	v4 =	vadd.f32 v27, v4;
	v26 =	vld [tilespmem:s6+$0x10]  }
0x1fb: {  	v7 =	vadd.f32 v28, v7;
	v5 =	vadd.f32 v29, v5;
	v27 =	vld [tilespmem:s6+$0xFFFFFE00]  }
0x1fc: {  	v6 =	vadd.f32 v24, v6;
	v4 =	vadd.f32 v25, v4;
	v24 =	vld [tilespmem:s6+$0xFFFFFE10]  }
0x1fd: {  	v7 =	vadd.f32 v30, v7;
	v25 =	vld [tilespmem:s6+$0xFFFFFC00];
	v5 =	vadd.f32 v31, v5  }
0x1fe: {  	v6 =	vadd.f32 v20, v6;
	v4 =	vadd.f32 v21, v4;
	v28 =	vld [tilespmem:s6+$0xFFFFFC10]  }
0x1ff: {  	v7 =	vadd.f32 v22, v7;
	v20 =	vld [tilespmem:s6+$0xFFFFFC80];
	v5 =	vadd.f32 v23, v5  }
0x200: {  	s5 =	sadd.s32 $0x5, s5;
	v6 =	vadd.f32 v8, v6;
	v4 =	vadd.f32 v9, v4;
	v21 =	vld [tilespmem:s6+$0xFFFFFC90]  }
0x201: {  	p0 =	slt.u32 s5, $0x2D;
	v7 =	vadd.f32 v17, v7;
	v22 =	vld [tilespmem:s6+$0xFFFFFE80];
	v5 =	vadd.f32 v19, v5  }
0x202: {  	v6 =	vadd.f32 v18, v6;
	v4 =	vadd.f32 v14, v4;
	v17 =	vld [tilespmem:s6+$0xFFFFFE90]  }
0x203: {  	v7 =	vadd.f32 v15, v7;
	v8 =	vld [tilespmem:s6+$0x80];
	v5 =	vadd.f32 v10, v5  }
.Ltmp8:
0x204: {  	v11 =	vadd.f32 v25, v11;
	v14 =	vadd.f32 v28, v16;
	v9 =	vld [tilespmem:s6+$0x90];
	(pc) =	sbr.rel @p0 .LBB2_12-.Ltmp8, $4  }
0x205: {  	v12 =	vadd.f32 v20, v12;
	v13 =	vadd.f32 v21, v13;
	v10 =	vld [tilespmem:s6+$0x280]  }
0x206: {  	v15 =	vadd.f32 v27, v11;
	v18 =	vadd.f32 v24, v14;
	v11 =	vld [tilespmem:s6+$0x290]  }
0x207: {  	v16 =	vadd.f32 v22, v12;
	v14 =	vadd.f32 v17, v13;
	v12 =	vld [tilespmem:s6+$0x480]  }
0x208: {  	v17 =	vadd.f32 v32, v15;
	v15 =	vadd.f32 v26, v18;
	v13 =	vld [tilespmem:s6+$0x490];
	s6 =	sadd.s32 $0xA00, s6  }
.Ltmp9:
0x209: {  	_ = 	snop;
	(pc) =	sbr.rel .LBB2_13-.Ltmp9, $1  }
0x20a: {  	_ =	sdelay $0x3  }
.LBB2_16:
0x20b: {  	_ =	swait.ge [sflag:s20], $0x6400  }
0x20c: {  	[sflag:s20] =	ssyncset.done $0x0  }
0x20d: {  	s6 =	simm.s32 $0x6B00;
	[sflag:s20] =	ssyncadd.s32 $0xFFFF9C00  }
0x20e: {  	v4 =	vld [tilespmem:s6+$0x300]  }
0x20f: {  	v6 =	vld [tilespmem:s6+$0x310]  }
0x210: {  	v7 =	vld [tilespmem:s6+$0x380]  }
0x211: {  	v9 =	vld [tilespmem:s6+$0x390]  }
0x212: {  	v0 =	vld [tilespmem:s6+$0x400]  }
0x213: {  	v1 =	vld [tilespmem:s6+$0x410]  }
0x214: {  	v5 =	vld [tilespmem:s6+$0x100]  }
0x215: {  	v8 =	vld [tilespmem:s6+$0x110]  }
0x216: {  	v10 =	vld [tilespmem:s6+$0x180]  }
0x217: {  	v11 =	vld [tilespmem:s6+$0x190]  }
0x218: {  	v2 =	vld [tilespmem:s6+$0x200]  }
0x219: {  	v3 =	vld [tilespmem:s6+$0x210]  }
0x21a: {  	v12 =	vld [tilespmem:s6+$0xFFFFFF00]  }
0x21b: {  	v13 =	vld [tilespmem:s6+$0xFFFFFF10]  }
0x21c: {  	v14 =	vld [tilespmem:s6+$0xFFFFFF80]  }
0x21d: {  	v15 =	vld [tilespmem:s6+$0xFFFFFF90]  }
0x21e: {  	v16 =	vld [tilespmem:s6+$0xFFFFFD00]  }
0x21f: {  	v17 =	vld [tilespmem:s6+$0xFFFFFD10]  }
0x220: {  	v18 =	vld [tilespmem:s6+$0xFFFFFB00]  }
0x221: {  	v19 =	vld [tilespmem:s6+$0xFFFFFB10]  }
0x222: {  	v20 =	vld [tilespmem:s6+$0xFFFFFB80]  }
0x223: {  	v21 =	vld [tilespmem:s6+$0xFFFFFB90]  }
0x224: {  	v22 =	vld [tilespmem:s6+$0xFFFFFD80]  }
0x225: {  	v23 =	vld [tilespmem:s6+$0xFFFFFD90]  }
0x226: {  	v24 =	vimm.f32 $0.0e+00;
	v25 =	vld [tilespmem:s6+$0x0]  }
0x227: {  	v26 =	vld [tilespmem:s6+$0x10];
	v18 =	vadd.f32 v18, v24;
	v19 =	vadd.f32 v19, v24  }
0x228: {  	v27 =	vld [tilespmem:s6+$0xFFFFFE00];
	v20 =	vadd.f32 v20, v24;
	v21 =	vadd.f32 v21, v24  }
0x229: {  	v63 =	vld [tilespmem:s6+$0xFFFFFC10];
	v16 =	vadd.f32 v16, v18;
	v17 =	vadd.f32 v17, v19  }
0x22a: {  	v18 =	vld [tilespmem:s6+$0xFFFFFE10];
	v20 =	vadd.f32 v22, v20;
	v21 =	vadd.f32 v23, v21  }
0x22b: {  	v19 =	vld [tilespmem:s6+$0xFFFFFC00];
	v12 =	vadd.f32 v12, v16;
	v13 =	vadd.f32 v13, v17  }
0x22c: {  	v16 =	vld [tilespmem:s6+$0xFFFFFC80];
	v14 =	vadd.f32 v14, v20;
	v15 =	vadd.f32 v15, v21  }
0x22d: {  	v17 =	vld [tilespmem:s6+$0xFFFFFC90];
	v5 =	vadd.f32 v5, v12;
	v8 =	vadd.f32 v8, v13  }
0x22e: {  	v13 =	vld [tilespmem:s6+$0xFFFFFE80];
	v10 =	vadd.f32 v10, v14;
	v11 =	vadd.f32 v11, v15  }
0x22f: {  	v15 =	vld [tilespmem:s6+$0xFFFFFE90];
	v12 =	vadd.f32 v63, v24;
	v5 =	vadd.f32 v4, v5  }
0x230: {  	v4 =	vadd.f32 v6, v8;
	v8 =	vld [tilespmem:s6+$0x80];
	v7 =	vadd.f32 v7, v10  }
0x231: {  	v6 =	vadd.f32 v9, v11;
	v11 =	vadd.f32 v19, v24;
	v10 =	vld [tilespmem:s6+$0x90]  }
0x232: {  	v9 =	vld [tilespmem:s6+$0x280];
	v14 =	vadd.f32 v16, v24;
	v16 =	vadd.f32 v17, v24  }
0x233: {  	v18 =	vadd.f32 v18, v12;
	v12 =	vld [tilespmem:s6+$0x290];
	v17 =	vadd.f32 v27, v11  }
0x234: {  	v11 =	vld [tilespmem:s6+$0x480];
	v14 =	vadd.f32 v13, v14;
	v15 =	vadd.f32 v15, v16  }
0x235: {  	s5 =	simm.s32 $0x0;
	v16 =	vadd.f32 v26, v18;
	v13 =	vld [tilespmem:s6+$0x490];
	s6 =	simm.s32 $0x7500;
	v17 =	vadd.f32 v25, v17  }
.LBB2_17:
0x236: {  	v18 =	vld [tilespmem:s6+$0x300];
	v8 =	vadd.f32 v8, v14;
	v10 =	vadd.f32 v10, v15  }
0x237: {  	v14 =	vld [tilespmem:s6+$0x310];
	v2 =	vadd.f32 v2, v17;
	v3 =	vadd.f32 v3, v16  }
0x238: {  	v15 =	vld [tilespmem:s6+$0x380];
	v8 =	vadd.f32 v9, v8;
	v9 =	vadd.f32 v12, v10  }
0x239: {  	v10 =	vld [tilespmem:s6+$0x390];
	v12 =	vadd.f32 v0, v2;
	v16 =	vadd.f32 v1, v3  }
0x23a: {  	v0 =	vld [tilespmem:s6+$0x400];
	v11 =	vadd.f32 v11, v8;
	v9 =	vadd.f32 v13, v9  }
0x23b: {  	v1 =	vld [tilespmem:s6+$0x410]  }
0x23c: {  	v8 =	vld [tilespmem:s6+$0x100]  }
0x23d: {  	v13 =	vld [tilespmem:s6+$0x110]  }
0x23e: {  	v17 =	vld [tilespmem:s6+$0x180]  }
0x23f: {  	v19 =	vld [tilespmem:s6+$0x190]  }
0x240: {  	v2 =	vld [tilespmem:s6+$0x200]  }
0x241: {  	v3 =	vld [tilespmem:s6+$0x210]  }
0x242: {  	v20 =	vld [tilespmem:s6+$0xFFFFFF00]  }
0x243: {  	v21 =	vld [tilespmem:s6+$0xFFFFFF10]  }
0x244: {  	v22 =	vld [tilespmem:s6+$0xFFFFFF80]  }
0x245: {  	v23 =	vld [tilespmem:s6+$0xFFFFFF90]  }
0x246: {  	v24 =	vld [tilespmem:s6+$0xFFFFFD00]  }
0x247: {  	v25 =	vld [tilespmem:s6+$0xFFFFFD10]  }
0x248: {  	v26 =	vld [tilespmem:s6+$0xFFFFFB00]  }
0x249: {  	v27 =	vld [tilespmem:s6+$0xFFFFFB10]  }
0x24a: {  	v28 =	vld [tilespmem:s6+$0xFFFFFB80]  }
0x24b: {  	v29 =	vld [tilespmem:s6+$0xFFFFFB90]  }
0x24c: {  	v30 =	vld [tilespmem:s6+$0xFFFFFD80]  }
0x24d: {  	v31 =	vld [tilespmem:s6+$0xFFFFFD90]  }
0x24e: {  	v32 =	vld [tilespmem:s6+$0x0]  }
0x24f: {  	v5 =	vadd.f32 v26, v5;
	v4 =	vadd.f32 v27, v4;
	v26 =	vld [tilespmem:s6+$0x10]  }
0x250: {  	v7 =	vadd.f32 v28, v7;
	v6 =	vadd.f32 v29, v6;
	v27 =	vld [tilespmem:s6+$0xFFFFFE00]  }
0x251: {  	v5 =	vadd.f32 v24, v5;
	v4 =	vadd.f32 v25, v4;
	v24 =	vld [tilespmem:s6+$0xFFFFFE10]  }
0x252: {  	v7 =	vadd.f32 v30, v7;
	v25 =	vld [tilespmem:s6+$0xFFFFFC00];
	v6 =	vadd.f32 v31, v6  }
0x253: {  	v5 =	vadd.f32 v20, v5;
	v4 =	vadd.f32 v21, v4;
	v28 =	vld [tilespmem:s6+$0xFFFFFC10]  }
0x254: {  	v7 =	vadd.f32 v22, v7;
	v20 =	vld [tilespmem:s6+$0xFFFFFC80];
	v6 =	vadd.f32 v23, v6  }
0x255: {  	s5 =	sadd.s32 $0x5, s5;
	v5 =	vadd.f32 v8, v5;
	v4 =	vadd.f32 v13, v4;
	v21 =	vld [tilespmem:s6+$0xFFFFFC90]  }
0x256: {  	p0 =	slt.u32 s5, $0x2D;
	v7 =	vadd.f32 v17, v7;
	v13 =	vld [tilespmem:s6+$0xFFFFFE80];
	v6 =	vadd.f32 v19, v6  }
0x257: {  	v5 =	vadd.f32 v18, v5;
	v4 =	vadd.f32 v14, v4;
	v17 =	vld [tilespmem:s6+$0xFFFFFE90]  }
0x258: {  	v7 =	vadd.f32 v15, v7;
	v8 =	vld [tilespmem:s6+$0x80];
	v6 =	vadd.f32 v10, v6  }
.Ltmp10:
0x259: {  	v12 =	vadd.f32 v25, v12;
	v14 =	vadd.f32 v28, v16;
	v10 =	vld [tilespmem:s6+$0x90];
	(pc) =	sbr.rel @p0 .LBB2_17-.Ltmp10, $4  }
0x25a: {  	v11 =	vadd.f32 v20, v11;
	v15 =	vadd.f32 v21, v9;
	v9 =	vld [tilespmem:s6+$0x280]  }
0x25b: {  	v16 =	vadd.f32 v27, v12;
	v18 =	vadd.f32 v24, v14;
	v12 =	vld [tilespmem:s6+$0x290]  }
0x25c: {  	v14 =	vadd.f32 v13, v11;
	v15 =	vadd.f32 v17, v15;
	v11 =	vld [tilespmem:s6+$0x480]  }
0x25d: {  	v17 =	vadd.f32 v32, v16;
	v16 =	vadd.f32 v26, v18;
	v13 =	vld [tilespmem:s6+$0x490];
	s6 =	sadd.s32 $0xA00, s6  }
0x25e: {  	v8 =	vadd.f32 v8, v14  }
0x25f: {  	v10 =	vadd.f32 v10, v15  }
0x260: {  	v2 =	vadd.f32 v2, v17;
	v8 =	vadd.f32 v9, v8  }
0x261: {  	v3 =	vadd.f32 v3, v16;
	v60 =	vadd.f32 v12, v10  }
0x262: {  	v0 =	vadd.f32 v0, v2;
	v61 =	vadd.f32 v11, v8  }
0x263: {  	v1 =	vadd.f32 v1, v3;
	v62 =	vadd.f32 v13, v60  }
0x264: {  	v5 =	vadd.f32 v7, v5;
	v0 =	vadd.f32 v61, v0  }
0x265: {  	v63 =	vadd.f32 v6, v4;
	v1 =	vadd.f32 v62, v1  }
0x266: {  	v0 =	vadd.f32 v0, v5  }
0x267: {  	v1 =	vadd.f32 v1, v63  }
0x268: {  	[tilespmem:$0xD9E0] =	vst v0  }
0x269: {  	s5 =	rddreg [dreg:$0x5];
	s6 =	simm.s32 $0xCA00;
	s29 =	simm.s32 $0x5;
	[tilespmem:$0xD9F0] =	vst v1  }
0x26a: {  	[hbm4b:s5+s2] =	stream.linear.scatter [tilespmem:s6], [sflag:$0x5], $0x1000, $0x38;
	[tilespmem:$0xDA00] =	vst v63  }
0x26b: {  	_ =	swait.ge [sflag:s29], $0x1000  }
0x26c: {  	s8 =	rddreg [dreg:$0x7]  }
0x26d: {  	s30 =	rddreg [dreg:$0x6];
	s8 =	sadd.s32 $0x1, s8  }
0x26e: {  	p0 =	sne.s32 s8, s30  }
.Ltmp11:
0x26f: {  	_ = 	snop;
	(pc) =	sbr.rel @p0 .LBB2_1-.Ltmp11, $3  }
0x270: {  	_ =	sdelay $0x1  }
0x271: {  	[sflag:s29] =	ssyncset.done $0x0  }
0x272: {  	[sflag:s29] =	ssyncadd.s32 $0xFFFFF000  }
0x273: {  	_ =	sfence.sel $0x180000  }
0x274: {  	[bflag:$0x0] =	sbarrier.arrive $0xFFFF  }
0x275: {  	_ =	strace $0x90000047  }
0x276: {  	s0 =	stileid.u32;
	[bflag:$0x2] =	sbarrier.arrive $0xFFFF  }
0x277: {  	p0 =	sne.s32 s0, $0x0;
	s0 =	rddreg [dreg:$0x2]  }
0x278: {  	s0 =	sadd.s32 @!p0 $0x100000, s0  }
0x279: {  	[sflag:s0] =	ssyncadd.tile.s32 @!p0 $0x1;
	_ =	shalt  }
.Lfunc_end2:
_tile_overlayer_lowered:
.L_overlay_start_2:
0x27a: {  	(tag) =	ssettag $0x2  }
0x27b: {  	s0 =	rddreg [dreg:$0x0];
	s2 =	stileid.u32  }
0x27c: {  	s1 =	rddreg [dreg:$0x1];
	p0 =	sne.s32 s2, $0x0  }
0x27d: {  	s3 =	rddreg [dreg:$0x2];
	[bflag:$0x3] =	sbarrier.arrive $0xFFFF;
	s2 =	simm.s32 @!p0 $0x1C05  }
0x27e: {  	[timem:s3], [sflag:s2] =	dma.local @!p0 [hbm:s0], s1  }
0x27f: {  	s0 =	simm.s32 @!p0 $0x5  }
0x280: {  	_ =	swait.ge @!p0 [sflag:s0], s1  }
0x281: {  	s1 =	ssub.s32 @!p0 $0x0, s1;
	[sflag:s0] =	ssyncset.done @!p0 $0x0  }
0x282: {  	[sflag:s0] =	ssyncadd.s32 @!p0 s1  }
0x283: {  	[bflag:$0x3] =	sbarrier.arrive $0xFFFF  }
0x284: {  	_ =	shalt  }

</sc_bundles>
